<compile_context>
chip_gen: v7x
topology: tpu7x:2x2x1
jax: 0.10.2.dev20260603
libtpu: 0.0.44.dev20260713+nightly
codegen_flags: <defaults>
</compile_context>

<pallas_src>
import dataclasses
import functools

import jax
import jax.numpy as jnp
from jax import lax
from jax.experimental import pallas as pl
from jax.experimental.pallas import tpu as pltpu
from jax.experimental.pallas import tpu_sc as plsc

NC = 2
NS = 16
NW = NC * NS
KE = 80
G = 64
OUT_DIM = 2
LATENT = 32
BN_ROWS = 1000


def _sc_mesh():
    return plsc.VectorSubcoreMesh(core_axis_name="c", subcore_axis_name="s")


def _sc_vector_params():
    cp = pltpu.CompilerParams()
    if "needs_layout_passes" in pltpu.CompilerParams.__dataclass_fields__:
        cp = dataclasses.replace(cp, needs_layout_passes=False)
    return cp


def _row_chunks(n):
    cps = ((n + NS - 1) // NS + 7) // 8 * 8
    last = n - (NS - 1) * cps
    assert 0 < last <= cps
    return cps, last


def _sc_degree(dst, n):
    e = dst.shape[0]
    epw = e // NW
    ki = 2000
    nci = epw // ki
    nj = ki // 16

    @functools.partial(
        pl.kernel,
        out_type=jax.ShapeDtypeStruct((NW * n,), jnp.float32),
        mesh=_sc_mesh(),
        compiler_params=_sc_vector_params(),
        scratch_types=[
            pltpu.VMEM((n,), jnp.float32),
            pltpu.VMEM((2 * ki,), jnp.int32),
            pltpu.SemaphoreType.DMA((2,)),
        ],
    )
    def k(dst_hbm, out_hbm, acc_v, buf_v, isem):
        c = lax.axis_index("c")
        s = lax.axis_index("s")
        wid = c * NS + s
        zeros16 = jnp.zeros((16,), jnp.float32)
        ones16 = jnp.ones((16,), jnp.float32)

        @pl.loop(0, n // 16)
        def _(r):
            acc_v[pl.ds(r * 16, 16)] = zeros16

        base = wid * epw
        pltpu.async_copy(dst_hbm.at[pl.ds(base, ki)],
                         buf_v.at[pl.ds(0, ki)], isem.at[0])

        @pl.loop(0, nci)
        def _(ci):
            slot = lax.rem(ci, 2)
            pltpu.make_async_copy(dst_hbm.at[pl.ds(base + ci * ki, ki)],
                                  buf_v.at[pl.ds(slot * ki, ki)],
                                  isem.at[slot]).wait()

            @pl.when(ci + 1 < nci)
            def _():
                nslot = lax.rem(ci + 1, 2)
                pltpu.async_copy(dst_hbm.at[pl.ds(base + (ci + 1) * ki, ki)],
                                 buf_v.at[pl.ds(nslot * ki, ki)],
                                 isem.at[nslot])

            @pl.loop(0, nj)
            def _(j):
                idx = buf_v[pl.ds(slot * ki + j * 16, 16)]
                plsc.addupdate_scatter(acc_v, [idx], ones16)

        pltpu.sync_copy(acc_v, out_hbm.at[pl.ds(wid * n, n)])

    return k(dst)


def _sc_message(hp, src, dst, n):
    _, h = hp.shape
    e = src.shape[0]
    epw = e // NW
    nch = epw // KE
    cps, last = _row_chunks(n)
    zeros = jnp.zeros((cps, h), jnp.float32)
    NB = 4

    @functools.partial(
        pl.kernel,
        out_type=jax.ShapeDtypeStruct((NC, n, h), jnp.float32),
        mesh=_sc_mesh(),
        scratch_types=[
            pltpu.VMEM((NB, 2, KE), jnp.int32),
            pltpu.VMEM((NB, KE, h), jnp.float32),
            pltpu.VMEM_SHARED((n, h), jnp.float32),
            pltpu.SemaphoreType.DMA((NB,)),
            pltpu.SemaphoreType.DMA((NB,)),
            pltpu.SemaphoreType.DMA((NB,)),
        ],
    )
    def k(hp_hbm, src_hbm, dst_hbm, zeros_hbm, out_hbm, idx_v, rows_v, acc_sh,
          isem, gsem, ssem):
        c = lax.axis_index("c")
        s = lax.axis_index("s")
        wid = c * NS + s

        @pl.when(s < NS - 1)
        def _():
            pltpu.sync_copy(zeros_hbm, acc_sh.at[pl.ds(s * cps, cps)])

        @pl.when(s == NS - 1)
        def _():
            pltpu.sync_copy(zeros_hbm.at[pl.ds(0, last)],
                            acc_sh.at[pl.ds((NS - 1) * cps, last)])

        plsc.subcore_barrier()
        base = wid * epw

        def idx_load(ch, slot):
            pltpu.async_copy(src_hbm.at[pl.ds(base + ch * KE, KE)],
                             idx_v.at[slot, 0], isem.at[slot])
            pltpu.async_copy(dst_hbm.at[pl.ds(base + ch * KE, KE)],
                             idx_v.at[slot, 1], isem.at[slot])

        def idx_wait(ch, slot):
            pltpu.make_async_copy(src_hbm.at[pl.ds(base + ch * KE, KE)],
                                  idx_v.at[slot, 0], isem.at[slot]).wait()
            pltpu.make_async_copy(dst_hbm.at[pl.ds(base + ch * KE, KE)],
                                  idx_v.at[slot, 1], isem.at[slot]).wait()

        def gather(slot):
            pltpu.async_copy(hp_hbm.at[idx_v.at[slot, 0]],
                             rows_v.at[slot], gsem.at[slot])

        def gather_wait(slot):
            pltpu.make_async_copy(hp_hbm.at[idx_v.at[slot, 0]],
                                  rows_v.at[slot], gsem.at[slot]).wait()

        def scatter(slot):
            pltpu.async_copy(rows_v.at[slot], acc_sh.at[idx_v.at[slot, 1]],
                             ssem.at[slot], add=True)

        def scatter_wait(slot):
            pltpu.make_async_copy(rows_v.at[slot],
                                  acc_sh.at[idx_v.at[slot, 1]],
                                  ssem.at[slot]).wait()

        idx_load(0, 0)
        idx_load(1, 1)

        @pl.loop(0, nch)
        def _(ci):
            slot = lax.rem(ci, NB)
            idx_wait(ci, slot)
            gather(slot)

            @pl.when(ci >= 1)
            def _():
                ps = lax.rem(ci + (NB - 1), NB)
                gather_wait(ps)
                scatter(ps)

            @pl.when(ci + 2 < nch)
            def _():
                ns = lax.rem(ci + 2, NB)

                @pl.when(ci >= NB - 2)
                def _():
                    scatter_wait(ns)

                idx_load(ci + 2, ns)

        lt = (nch - 1) % NB
        gather_wait(lt)
        scatter(lt)
        for j in range(NB):
            scatter_wait((nch - NB + j) % NB)

        plsc.subcore_barrier()

        @pl.when(s < NS - 1)
        def _():
            pltpu.sync_copy(acc_sh.at[pl.ds(s * cps, cps)],
                            out_hbm.at[c, pl.ds(s * cps, cps)])

        @pl.when(s == NS - 1)
        def _():
            pltpu.sync_copy(acc_sh.at[pl.ds((NS - 1) * cps, last)],
                            out_hbm.at[c, pl.ds((NS - 1) * cps, last)])

    return k(hp, src, dst, zeros)


def _tc_mm1(x, W, degp):
    n, d = x.shape
    h = W.shape[1]
    nb = n // BN_ROWS

    def body(x_ref, w_ref, degp_ref, hp_ref, dinv_ref):
        dp = degp_ref[...].reshape(NW, BN_ROWS)
        deg = lax.dot_general(dp, jnp.ones((NW, 1), jnp.float32),
                              (((0,), (0,)), ((), ())),
                              preferred_element_type=jnp.float32) + 1.0
        dinv = lax.rsqrt(deg)
        hp_ref[...] = dinv * jnp.dot(x_ref[...], w_ref[...],
                                     preferred_element_type=jnp.float32)
        dinv_ref[...] = dinv

    return pl.pallas_call(
        body,
        grid=(nb,),
        in_specs=[
            pl.BlockSpec((BN_ROWS, d), lambda i: (i, 0)),
            pl.BlockSpec((d, h), lambda i: (0, 0)),
            pl.BlockSpec((NW, 1, 1, BN_ROWS), lambda i: (0, i, 0, 0)),
        ],
        out_specs=[
            pl.BlockSpec((BN_ROWS, h), lambda i: (i, 0)),
            pl.BlockSpec((BN_ROWS, 1), lambda i: (i, 0)),
        ],
        out_shape=[
            jax.ShapeDtypeStruct((n, h), jnp.float32),
            jax.ShapeDtypeStruct((n, 1), jnp.float32),
        ],
    )(x, W, degp)


def _tc_layer(P, hp, dinv, b, g, be, W):
    n, h = hp.shape
    h2 = W.shape[1]
    nb = n // BN_ROWS
    inv_n = 1.0 / n

    def body(p_ref, hp_ref, dinv_ref, b_ref, g_ref, be_ref, w_ref,
             o_ref, t_scr, st_scr):
        ph = pl.program_id(0)
        j = pl.program_id(1)

        @pl.when(ph == 0)
        def _():
            p = p_ref[...]
            t = dinv_ref[...] * (p[0] + p[1] + hp_ref[...]) + b_ref[...]
            t_scr[pl.ds(j * BN_ROWS, BN_ROWS), :] = t

            @pl.when(j == 0)
            def _():
                st_scr[...] = jnp.zeros_like(st_scr)

            st_scr[...] += jnp.stack([jnp.sum(t, 0), jnp.sum(t * t, 0)])

        @pl.when(ph == 1)
        def _():
            st_v = st_scr[...]
            mu = st_v[0:1] * inv_n
            var = st_v[1:2] * inv_n - mu * mu
            t = t_scr[pl.ds(j * BN_ROWS, BN_ROWS), :]
            y = (t - mu) * lax.rsqrt(var + 1e-5) * g_ref[...] + be_ref[...]
            y = jnp.maximum(y, 0.0)
            o_ref[...] = dinv_ref[...] * jnp.dot(
                y, w_ref[...], preferred_element_type=jnp.float32)

    return pl.pallas_call(
        body,
        grid=(2, nb),
        in_specs=[
            pl.BlockSpec((NC, BN_ROWS, h),
                         lambda p, j: (0, jnp.where(p == 0, j, 0), 0)),
            pl.BlockSpec((BN_ROWS, h),
                         lambda p, j: (jnp.where(p == 0, j, 0), 0)),
            pl.BlockSpec((BN_ROWS, 1), lambda p, j: (j, 0)),
            pl.BlockSpec((1, h), lambda p, j: (0, 0)),
            pl.BlockSpec((1, h), lambda p, j: (0, 0)),
            pl.BlockSpec((1, h), lambda p, j: (0, 0)),
            pl.BlockSpec((h, h2), lambda p, j: (0, 0)),
        ],
        out_specs=pl.BlockSpec((BN_ROWS, h2),
                               lambda p, j: (jnp.where(p == 0, 0, j), 0)),
        out_shape=jax.ShapeDtypeStruct((n, h2), jnp.float32),
        scratch_shapes=[
            pltpu.VMEM((n, h), jnp.float32),
            pltpu.VMEM((2, h), jnp.float32),
        ],
    )(P, hp, dinv, b, g, be, W)


def _tc_last(P, hp, dinv, b, g, be, batch3d,
             mW1, mb1, mW2, mb2, mW3, mb3, oW, ob):
    n, h = hp.shape
    nb = n // BN_ROWS
    inv_n = 1.0 / n
    h2 = mW2.shape[1]
    h3 = mW3.shape[1]
    od = oW.shape[1]

    def body(p_ref, hp_ref, dinv_ref, b_ref, g_ref, be_ref, bat_ref,
             mw1_ref, mb1_ref, mw2_ref, mb2_ref, mw3_ref, mb3_ref,
             ow_ref, ob_ref, out_ref, t_scr, st_scr, pool_ref, cnt_ref):
        ph = pl.program_id(0)
        j = pl.program_id(1)

        @pl.when(ph == 0)
        def _():
            p = p_ref[...]
            t = dinv_ref[...] * (p[0] + p[1] + hp_ref[...]) + b_ref[...]
            t_scr[pl.ds(j * BN_ROWS, BN_ROWS), :] = t

            @pl.when(j == 0)
            def _():
                st_scr[...] = jnp.zeros_like(st_scr)
                pool_ref[...] = jnp.zeros_like(pool_ref)
                cnt_ref[...] = jnp.zeros_like(cnt_ref)

            st_scr[...] += jnp.stack([jnp.sum(t, 0), jnp.sum(t * t, 0)])

        @pl.when(ph == 1)
        def _():
            st_v = st_scr[...]
            mu = st_v[0:1] * inv_n
            var = st_v[1:2] * inv_n - mu * mu
            t = t_scr[pl.ds(j * BN_ROWS, BN_ROWS), :]
            y = (t - mu) * lax.rsqrt(var + 1e-5) * g_ref[...] + be_ref[...]
            y = jnp.maximum(y, 0.0)
            seg = bat_ref[0]
            gids = lax.broadcasted_iota(jnp.int32, (G, BN_ROWS), 0)
            onehot = jnp.where(seg == gids, 1.0, 0.0)
            pool_ref[...] += jnp.dot(onehot, y,
                                     preferred_element_type=jnp.float32)
            cnt_ref[...] += jnp.sum(onehot, axis=1, keepdims=True)

            @pl.when(j == nb - 1)
            def _():
                pooled = pool_ref[...] / jnp.maximum(cnt_ref[...], 1.0)
                z = jnp.maximum(jnp.dot(pooled, mw1_ref[...],
                                        preferred_element_type=jnp.float32)
                                + mb1_ref[...], 0.0)
                z = jnp.maximum(jnp.dot(z, mw2_ref[...],
                                        preferred_element_type=jnp.float32)
                                + mb2_ref[...], 0.0)
                z = jnp.maximum(jnp.dot(z, mw3_ref[...],
                                        preferred_element_type=jnp.float32)
                                + mb3_ref[...], 0.0)
                out_ref[...] = jnp.dot(z, ow_ref[...],
                                       preferred_element_type=jnp.float32) + ob_ref[...]

    return pl.pallas_call(
        body,
        grid=(2, nb),
        in_specs=[
            pl.BlockSpec((NC, BN_ROWS, h),
                         lambda p, j: (0, jnp.where(p == 0, j, 0), 0)),
            pl.BlockSpec((BN_ROWS, h),
                         lambda p, j: (jnp.where(p == 0, j, 0), 0)),
            pl.BlockSpec((BN_ROWS, 1), lambda p, j: (j, 0)),
            pl.BlockSpec((1, h), lambda p, j: (0, 0)),
            pl.BlockSpec((1, h), lambda p, j: (0, 0)),
            pl.BlockSpec((1, h), lambda p, j: (0, 0)),
            pl.BlockSpec((1, 1, BN_ROWS), lambda p, j: (j, 0, 0)),
            pl.BlockSpec((h, h), lambda p, j: (0, 0)),
            pl.BlockSpec((1, h), lambda p, j: (0, 0)),
            pl.BlockSpec((h, h2), lambda p, j: (0, 0)),
            pl.BlockSpec((1, h2), lambda p, j: (0, 0)),
            pl.BlockSpec((h2, h3), lambda p, j: (0, 0)),
            pl.BlockSpec((1, h3), lambda p, j: (0, 0)),
            pl.BlockSpec((h3, od), lambda p, j: (0, 0)),
            pl.BlockSpec((1, od), lambda p, j: (0, 0)),
        ],
        out_specs=pl.BlockSpec((G, od), lambda p, j: (0, 0)),
        out_shape=jax.ShapeDtypeStruct((G, od), jnp.float32),
        scratch_shapes=[
            pltpu.VMEM((n, h), jnp.float32),
            pltpu.VMEM((2, h), jnp.float32),
            pltpu.VMEM((G, h), jnp.float32),
            pltpu.VMEM((G, 1), jnp.float32),
        ],
    )(P, hp, dinv, b, g, be, batch3d, mW1, mb1, mW2, mb2, mW3, mb3, oW, ob)


def kernel(x, edge_index, batch, W1, b1, g1, be1, W2, b2, g2, be2,
           W3, b3, g3, be3, mW1, mb1, mW2, mb2, mW3, mb3, oW, ob):
    n = x.shape[0]
    src = edge_index[0]
    dst = edge_index[1]

    degp = _sc_degree(dst, n).reshape(NW, n // BN_ROWS, 1, BN_ROWS)
    hp1, dinv = _tc_mm1(x, W1, degp)

    hp2 = _tc_layer(_sc_message(hp1, src, dst, n), hp1, dinv,
                    b1.reshape(1, -1), g1.reshape(1, -1), be1.reshape(1, -1),
                    W2)
    hp3 = _tc_layer(_sc_message(hp2, src, dst, n), hp2, dinv,
                    b2.reshape(1, -1), g2.reshape(1, -1), be2.reshape(1, -1),
                    W3)
    out = _tc_last(_sc_message(hp3, src, dst, n), hp3, dinv,
                   b3.reshape(1, -1), g3.reshape(1, -1), be3.reshape(1, -1),
                   batch.reshape(n // BN_ROWS, 1, BN_ROWS),
                   mW1, mb1.reshape(1, -1), mW2, mb2.reshape(1, -1),
                   mW3, mb3.reshape(1, -1), oW, ob.reshape(1, -1))
    return out.reshape(G, OUT_DIM, LATENT)

# --- scband reference (transcript-rebuilt; emitter-appended) ---
"""Pipeline reference for scband-gcn-max-pool-15530601742788 (READ-ONLY COPY).

The authoritative reference and input builder live on the scoring server;
editing this copy changes nothing except your own understanding.
"""

import jax, jax.numpy as jnp
import numpy as np

N = 10000
E = 320000
D = 128
H = 128
G = 64
OUT_DIM = 2
LATENT = 32
H2 = 64
H3 = 32


def setup_inputs(seed: int = 0):
    key = jax.random.key(seed)
    ks = jax.random.split(key, 16)
    inp = {}
    inp["x"] = jax.random.normal(ks[0], (N, D), dtype=jnp.float32)
    inp["edge_index"] = jax.random.randint(ks[1], (2, E), 0, N, dtype=jnp.int32)
    inp["batch"] = jnp.sort(jax.random.randint(ks[2], (N,), 0, G, dtype=jnp.int32))

    def lin(k, fi, fo):
        return (jax.random.normal(k, (fi, fo), dtype=jnp.float32) / np.sqrt(fi)).astype(jnp.float32)

    inp["W1"] = lin(ks[3], D, H); inp["b1"] = jnp.zeros((H,), jnp.float32)
    inp["g1"] = jnp.ones((H,), jnp.float32); inp["be1"] = jnp.zeros((H,), jnp.float32)
    inp["W2"] = lin(ks[4], H, H); inp["b2"] = jnp.zeros((H,), jnp.float32)
    inp["g2"] = jnp.ones((H,), jnp.float32); inp["be2"] = jnp.zeros((H,), jnp.float32)
    inp["W3"] = lin(ks[5], H, H); inp["b3"] = jnp.zeros((H,), jnp.float32)
    inp["g3"] = jnp.ones((H,), jnp.float32); inp["be3"] = jnp.zeros((H,), jnp.float32)
    inp["mW1"] = lin(ks[6], H, H); inp["mb1"] = jnp.zeros((H,), jnp.float32)
    inp["mW2"] = lin(ks[7], H, H2); inp["mb2"] = jnp.zeros((H2,), jnp.float32)
    inp["mW3"] = lin(ks[8], H2, H3); inp["mb3"] = jnp.zeros((H3,), jnp.float32)
    inp["oW"] = lin(ks[9], H3, OUT_DIM * LATENT); inp["ob"] = jnp.zeros((OUT_DIM * LATENT,), jnp.float32)
    return inp


def _gcn_conv(x, src, dst, W, b):
    n = x.shape[0]
    loops = jnp.arange(n, dtype=src.dtype)
    s = jnp.concatenate([src, loops])
    d = jnp.concatenate([dst, loops])
    ew = jnp.ones((s.shape[0],), jnp.float32)
    deg = jax.ops.segment_sum(ew, d, num_segments=n)
    dinv = jnp.where(deg > 0, jax.lax.rsqrt(jnp.maximum(deg, 1e-12)), 0.0)
    norm = dinv[s] * dinv[d] * ew
    h = x @ W
    msg = h[s] * norm[:, None]
    out = jax.ops.segment_sum(msg, d, num_segments=n)
    return out + b


def _bn(x, g, b):
    mu = jnp.mean(x, axis=0)
    var = jnp.var(x, axis=0)
    return (x - mu) * jax.lax.rsqrt(var + 1e-5) * g + b


def reference(x, edge_index, batch, W1, b1, g1, be1, W2, b2, g2, be2, W3, b3, g3, be3, mW1, mb1, mW2, mb2, mW3, mb3, oW, ob):
    src, dst = edge_index[0], edge_index[1]
    h = jax.nn.relu(_bn(_gcn_conv(x, src, dst, W1, b1), g1, be1))
    h = jax.nn.relu(_bn(_gcn_conv(h, src, dst, W2, b2), g2, be2))
    h = jax.nn.relu(_bn(_gcn_conv(h, src, dst, W3, b3), g3, be3))
    s = jax.ops.segment_sum(h, batch, num_segments=G)
    cnt = jax.ops.segment_sum(jnp.ones((h.shape[0],), jnp.float32), batch, num_segments=G)
    pooled = s / jnp.clip(cnt, 1.0)[:, None]
    z = jax.nn.relu(pooled @ mW1 + mb1)
    z = jax.nn.relu(z @ mW2 + mb2)
    z = jax.nn.relu(z @ mW3 + mb3)
    out = z @ oW + ob
    return out.reshape(-1, OUT_DIM, LATENT)

if __name__ == "__main__":
    import jax
    _d = setup_inputs()
    print(jax.jit(kernel)(*tuple(_d.values())))

</pallas_src>

<mosaic_0001>
#map = affine_map<(d0, d1) -> (0, 0)>
#map1 = affine_map<(d0, d1) -> (0)>
#map2 = affine_map<(d0, d1) -> (0, 0, 0)>
module attributes {stable_mosaic.version = 14 : i64} {
  func.func @k(%arg0: i32, %arg1: i32, %arg2: memref<10000x128xf32, #tpu.memory_space<hbm>>, %arg3: memref<320000xi32, #tpu.memory_space<hbm>>, %arg4: memref<320000xi32, #tpu.memory_space<hbm>>, %arg5: memref<632x128xf32, #tpu.memory_space<hbm>>, %arg6: memref<2x10000x128xf32, #tpu.memory_space<hbm>>, %arg7: memref<4x2x80xi32, #tpu.memory_space<vmem>>, %arg8: memref<4x80x128xf32, #tpu.memory_space<vmem>>, %arg9: memref<10000x128xf32, #tpu.memory_space<vmem_shared>>, %arg10: memref<4x!tpu.dma_semaphore, #tpu.memory_space<semaphore_mem>>, %arg11: memref<4x!tpu.dma_semaphore, #tpu.memory_space<semaphore_mem>>, %arg12: memref<4x!tpu.dma_semaphore, #tpu.memory_space<semaphore_mem>>) attributes {dimension_semantics = [#tpu.dimension_semantics<core_parallel>, #tpu.dimension_semantics<subcore_parallel>], iteration_bounds = array<i64: 2, 16>, scalar_prefetch = 0 : i64, scratch_operands = 6 : i64, tpu.core_type = #tpu.core_type<sc_vector_subcore>, window_params = [{transform_indices = #map}, {transform_indices = #map1}, {transform_indices = #map1}, {transform_indices = #map}, {transform_indices = #map2}]} {
    %mul3A = arith.constant 16 : i32
    %mul3A_0 = arith.muli %arg0, %mul3A : i32
    %add3A = arith.addi %mul3A_0, %arg1 : i32
    %lt3A = arith.constant 15 : i32
    %lt3A_1 = arith.cmpi slt, %arg1, %lt3A : i32
    %convert_element_type3A = arith.extui %lt3A_1 : i1 to i32
    %cond3A = arith.constant 0 : i32
    %cond3A_2 = arith.cmpi ne, %convert_element_type3A, %cond3A : i32
    scf.if %cond3A_2 {
      %mul3A_178 = arith.constant 632 : i32
      %mul3A_179 = arith.muli %arg1, %mul3A_178 : i32
      "tpu.region"() ({
        %run_scoped3A = tpu.sem_alloc : memref<!tpu.dma_semaphore, #tpu.memory_space<semaphore_mem>>
        %dma_start3A_180 = arith.constant 0 : i32
        %dma_start3A_181 = tpu.memref_slice %arg9[%mul3A_179, %dma_start3A_180] : memref<10000x128xf32, #tpu.memory_space<vmem_shared>> -> memref<632x128xf32, #tpu.memory_space<vmem_shared>>
        tpu.enqueue_dma source(%arg5 : memref<632x128xf32, #tpu.memory_space<hbm>>) target(%dma_start3A_181 : memref<632x128xf32, #tpu.memory_space<vmem_shared>>) target_semaphore(%run_scoped3A : memref<!tpu.dma_semaphore, #tpu.memory_space<semaphore_mem>>)
        %dma_wait3A_182 = arith.constant 0 : i32
        %dma_wait3A_183 = tpu.memref_slice %arg9[%mul3A_179, %dma_wait3A_182] : memref<10000x128xf32, #tpu.memory_space<vmem_shared>> -> memref<632x128xf32, #tpu.memory_space<vmem_shared>>
        tpu.wait_dma2 semaphore(%run_scoped3A : memref<!tpu.dma_semaphore, #tpu.memory_space<semaphore_mem>>) src(%arg5 : memref<632x128xf32, #tpu.memory_space<hbm>>) dst(%dma_wait3A_183 : memref<632x128xf32, #tpu.memory_space<vmem_shared>>)
        tpu.yield
      }) : () -> ()
    } else {
    }
    %eq3A = arith.constant 15 : i32
    %eq3A_3 = arith.cmpi eq, %arg1, %eq3A : i32
    %convert_element_type3A_4 = arith.extui %eq3A_3 : i1 to i32
    %cond3A_5 = arith.constant 0 : i32
    %cond3A_6 = arith.cmpi ne, %convert_element_type3A_4, %cond3A_5 : i32
    scf.if %cond3A_6 {
      "tpu.region"() ({
        %run_scoped3A = tpu.sem_alloc : memref<!tpu.dma_semaphore, #tpu.memory_space<semaphore_mem>>
        %dma_start3A_178 = arith.constant 9480 : i32
        %dma_start3A_179 = arith.constant 0 : i32
        %dma_start3A_180 = tpu.memref_slice %arg9[%dma_start3A_178, %dma_start3A_179] : memref<10000x128xf32, #tpu.memory_space<vmem_shared>> -> memref<520x128xf32, #tpu.memory_space<vmem_shared>>
        %dma_start3A_181 = arith.constant 0 : i32
        %dma_start3A_182 = arith.constant 0 : i32
        %dma_start3A_183 = tpu.memref_slice %arg5[%dma_start3A_181, %dma_start3A_182] : memref<632x128xf32, #tpu.memory_space<hbm>> -> memref<520x128xf32, #tpu.memory_space<hbm>>
        tpu.enqueue_dma source(%dma_start3A_183 : memref<520x128xf32, #tpu.memory_space<hbm>>) target(%dma_start3A_180 : memref<520x128xf32, #tpu.memory_space<vmem_shared>>) target_semaphore(%run_scoped3A : memref<!tpu.dma_semaphore, #tpu.memory_space<semaphore_mem>>)
        %dma_wait3A_184 = arith.constant 9480 : i32
        %dma_wait3A_185 = arith.constant 0 : i32
        %dma_wait3A_186 = tpu.memref_slice %arg9[%dma_wait3A_184, %dma_wait3A_185] : memref<10000x128xf32, #tpu.memory_space<vmem_shared>> -> memref<520x128xf32, #tpu.memory_space<vmem_shared>>
        %dma_wait3A_187 = arith.constant 0 : i32
        %dma_wait3A_188 = arith.constant 0 : i32
        %dma_wait3A_189 = tpu.memref_slice %arg5[%dma_wait3A_187, %dma_wait3A_188] : memref<632x128xf32, #tpu.memory_space<hbm>> -> memref<520x128xf32, #tpu.memory_space<hbm>>
        tpu.wait_dma2 semaphore(%run_scoped3A : memref<!tpu.dma_semaphore, #tpu.memory_space<semaphore_mem>>) src(%dma_wait3A_189 : memref<520x128xf32, #tpu.memory_space<hbm>>) dst(%dma_wait3A_186 : memref<520x128xf32, #tpu.memory_space<vmem_shared>>)
        tpu.yield
      }) : () -> ()
    } else {
    }
    %barrier3A = arith.constant 0 : index
    tpu.barrier barrier_id(%barrier3A)
    %mul3A_7 = arith.constant 10000 : i32
    %mul3A_8 = arith.muli %add3A, %mul3A_7 : i32
    %add3A_9 = arith.constant 0 : i32
    %add3A_10 = arith.addi %mul3A_8, %add3A_9 : i32
    %dma_start3A = arith.constant 0 : i32
    %dma_start3A_11 = arith.constant 0 : i32
    %dma_start3A_12 = arith.constant 0 : i32
    %dma_start3A_13 = arith.constant 0 : i32
    %dma_start3A_14 = tpu.memref_slice %arg7[%dma_start3A, %dma_start3A_11, %dma_start3A_13] : memref<4x2x80xi32, #tpu.memory_space<vmem>> -> memref<1x1x80xi32, #tpu.memory_space<vmem>>
    %dma_start3A_15 = tpu.memref_squeeze %dma_start3A_14 : memref<1x1x80xi32, #tpu.memory_space<vmem>> -> memref<80xi32, #tpu.memory_space<vmem>>
    %dma_start3A_16 = tpu.memref_slice %arg3[%add3A_10] : memref<320000xi32, #tpu.memory_space<hbm>> -> memref<80xi32, #tpu.memory_space<hbm>>
    %dma_start3A_17 = tpu.memref_slice %arg10[%dma_start3A_12] : memref<4x!tpu.dma_semaphore, #tpu.memory_space<semaphore_mem>> -> memref<1x!tpu.dma_semaphore, #tpu.memory_space<semaphore_mem>>
    %dma_start3A_18 = tpu.memref_squeeze %dma_start3A_17 : memref<1x!tpu.dma_semaphore, #tpu.memory_space<semaphore_mem>> -> memref<!tpu.dma_semaphore, #tpu.memory_space<semaphore_mem>>
    %dma_start3A_19 = arith.constant 0 : i32
    %dma_start3A_20 = tpu.memref_slice %arg7[%dma_start3A, %dma_start3A_11, %dma_start3A_19] : memref<4x2x80xi32, #tpu.memory_space<vmem>> -> memref<1x1x80xi32, #tpu.memory_space<vmem>>
    %dma_start3A_21 = tpu.memref_squeeze %dma_start3A_20 : memref<1x1x80xi32, #tpu.memory_space<vmem>> -> memref<80xi32, #tpu.memory_space<vmem>>
    %dma_start3A_22 = tpu.memref_slice %arg3[%add3A_10] : memref<320000xi32, #tpu.memory_space<hbm>> -> memref<80xi32, #tpu.memory_space<hbm>>
    tpu.enqueue_dma source(%dma_start3A_22 : memref<80xi32, #tpu.memory_space<hbm>>) target(%dma_start3A_21 : memref<80xi32, #tpu.memory_space<vmem>>) target_semaphore(%dma_start3A_18 : memref<!tpu.dma_semaphore, #tpu.memory_space<semaphore_mem>>)
    %add3A_23 = arith.constant 0 : i32
    %add3A_24 = arith.addi %mul3A_8, %add3A_23 : i32
    %dma_start3A_25 = arith.constant 0 : i32
    %dma_start3A_26 = arith.constant 1 : i32
    %dma_start3A_27 = arith.constant 0 : i32
    %dma_start3A_28 = arith.constant 0 : i32
    %dma_start3A_29 = tpu.memref_slice %arg7[%dma_start3A_25, %dma_start3A_26, %dma_start3A_28] : memref<4x2x80xi32, #tpu.memory_space<vmem>> -> memref<1x1x80xi32, #tpu.memory_space<vmem>>
    %dma_start3A_30 = tpu.memref_squeeze %dma_start3A_29 : memref<1x1x80xi32, #tpu.memory_space<vmem>> -> memref<80xi32, #tpu.memory_space<vmem>>
    %dma_start3A_31 = tpu.memref_slice %arg4[%add3A_24] : memref<320000xi32, #tpu.memory_space<hbm>> -> memref<80xi32, #tpu.memory_space<hbm>>
    %dma_start3A_32 = tpu.memref_slice %arg10[%dma_start3A_27] : memref<4x!tpu.dma_semaphore, #tpu.memory_space<semaphore_mem>> -> memref<1x!tpu.dma_semaphore, #tpu.memory_space<semaphore_mem>>
    %dma_start3A_33 = tpu.memref_squeeze %dma_start3A_32 : memref<1x!tpu.dma_semaphore, #tpu.memory_space<semaphore_mem>> -> memref<!tpu.dma_semaphore, #tpu.memory_space<semaphore_mem>>
    %dma_start3A_34 = arith.constant 0 : i32
    %dma_start3A_35 = tpu.memref_slice %arg7[%dma_start3A_25, %dma_start3A_26, %dma_start3A_34] : memref<4x2x80xi32, #tpu.memory_space<vmem>> -> memref<1x1x80xi32, #tpu.memory_space<vmem>>
    %dma_start3A_36 = tpu.memref_squeeze %dma_start3A_35 : memref<1x1x80xi32, #tpu.memory_space<vmem>> -> memref<80xi32, #tpu.memory_space<vmem>>
    %dma_start3A_37 = tpu.memref_slice %arg4[%add3A_24] : memref<320000xi32, #tpu.memory_space<hbm>> -> memref<80xi32, #tpu.memory_space<hbm>>
    tpu.enqueue_dma source(%dma_start3A_37 : memref<80xi32, #tpu.memory_space<hbm>>) target(%dma_start3A_36 : memref<80xi32, #tpu.memory_space<vmem>>) target_semaphore(%dma_start3A_33 : memref<!tpu.dma_semaphore, #tpu.memory_space<semaphore_mem>>)
    %add3A_38 = arith.constant 80 : i32
    %add3A_39 = arith.addi %mul3A_8, %add3A_38 : i32
    %dma_start3A_40 = arith.constant 1 : i32
    %dma_start3A_41 = arith.constant 0 : i32
    %dma_start3A_42 = arith.constant 1 : i32
    %dma_start3A_43 = arith.constant 0 : i32
    %dma_start3A_44 = tpu.memref_slice %arg7[%dma_start3A_40, %dma_start3A_41, %dma_start3A_43] : memref<4x2x80xi32, #tpu.memory_space<vmem>> -> memref<1x1x80xi32, #tpu.memory_space<vmem>>
    %dma_start3A_45 = tpu.memref_squeeze %dma_start3A_44 : memref<1x1x80xi32, #tpu.memory_space<vmem>> -> memref<80xi32, #tpu.memory_space<vmem>>
    %dma_start3A_46 = tpu.memref_slice %arg3[%add3A_39] : memref<320000xi32, #tpu.memory_space<hbm>> -> memref<80xi32, #tpu.memory_space<hbm>>
    %dma_start3A_47 = tpu.memref_slice %arg10[%dma_start3A_42] : memref<4x!tpu.dma_semaphore, #tpu.memory_space<semaphore_mem>> -> memref<1x!tpu.dma_semaphore, #tpu.memory_space<semaphore_mem>>
    %dma_start3A_48 = tpu.memref_squeeze %dma_start3A_47 : memref<1x!tpu.dma_semaphore, #tpu.memory_space<semaphore_mem>> -> memref<!tpu.dma_semaphore, #tpu.memory_space<semaphore_mem>>
    %dma_start3A_49 = arith.constant 0 : i32
    %dma_start3A_50 = tpu.memref_slice %arg7[%dma_start3A_40, %dma_start3A_41, %dma_start3A_49] : memref<4x2x80xi32, #tpu.memory_space<vmem>> -> memref<1x1x80xi32, #tpu.memory_space<vmem>>
    %dma_start3A_51 = tpu.memref_squeeze %dma_start3A_50 : memref<1x1x80xi32, #tpu.memory_space<vmem>> -> memref<80xi32, #tpu.memory_space<vmem>>
    %dma_start3A_52 = tpu.memref_slice %arg3[%add3A_39] : memref<320000xi32, #tpu.memory_space<hbm>> -> memref<80xi32, #tpu.memory_space<hbm>>
    tpu.enqueue_dma source(%dma_start3A_52 : memref<80xi32, #tpu.memory_space<hbm>>) target(%dma_start3A_51 : memref<80xi32, #tpu.memory_space<vmem>>) target_semaphore(%dma_start3A_48 : memref<!tpu.dma_semaphore, #tpu.memory_space<semaphore_mem>>)
    %add3A_53 = arith.constant 80 : i32
    %add3A_54 = arith.addi %mul3A_8, %add3A_53 : i32
    %dma_start3A_55 = arith.constant 1 : i32
    %dma_start3A_56 = arith.constant 1 : i32
    %dma_start3A_57 = arith.constant 1 : i32
    %dma_start3A_58 = arith.constant 0 : i32
    %dma_start3A_59 = tpu.memref_slice %arg7[%dma_start3A_55, %dma_start3A_56, %dma_start3A_58] : memref<4x2x80xi32, #tpu.memory_space<vmem>> -> memref<1x1x80xi32, #tpu.memory_space<vmem>>
    %dma_start3A_60 = tpu.memref_squeeze %dma_start3A_59 : memref<1x1x80xi32, #tpu.memory_space<vmem>> -> memref<80xi32, #tpu.memory_space<vmem>>
    %dma_start3A_61 = tpu.memref_slice %arg4[%add3A_54] : memref<320000xi32, #tpu.memory_space<hbm>> -> memref<80xi32, #tpu.memory_space<hbm>>
    %dma_start3A_62 = tpu.memref_slice %arg10[%dma_start3A_57] : memref<4x!tpu.dma_semaphore, #tpu.memory_space<semaphore_mem>> -> memref<1x!tpu.dma_semaphore, #tpu.memory_space<semaphore_mem>>
    %dma_start3A_63 = tpu.memref_squeeze %dma_start3A_62 : memref<1x!tpu.dma_semaphore, #tpu.memory_space<semaphore_mem>> -> memref<!tpu.dma_semaphore, #tpu.memory_space<semaphore_mem>>
    %dma_start3A_64 = arith.constant 0 : i32
    %dma_start3A_65 = tpu.memref_slice %arg7[%dma_start3A_55, %dma_start3A_56, %dma_start3A_64] : memref<4x2x80xi32, #tpu.memory_space<vmem>> -> memref<1x1x80xi32, #tpu.memory_space<vmem>>
    %dma_start3A_66 = tpu.memref_squeeze %dma_start3A_65 : memref<1x1x80xi32, #tpu.memory_space<vmem>> -> memref<80xi32, #tpu.memory_space<vmem>>
    %dma_start3A_67 = tpu.memref_slice %arg4[%add3A_54] : memref<320000xi32, #tpu.memory_space<hbm>> -> memref<80xi32, #tpu.memory_space<hbm>>
    tpu.enqueue_dma source(%dma_start3A_67 : memref<80xi32, #tpu.memory_space<hbm>>) target(%dma_start3A_66 : memref<80xi32, #tpu.memory_space<vmem>>) target_semaphore(%dma_start3A_63 : memref<!tpu.dma_semaphore, #tpu.memory_space<semaphore_mem>>)
    %scan3A = arith.constant 0 : i32
    %scan3A_68 = arith.constant 125 : i32
    %scan3A_69 = arith.addi %scan3A, %scan3A_68 : i32
    %scan3A_70 = arith.constant 1 : i32
    scf.for %scan3A_178 = %scan3A to %scan3A_69 step %scan3A_70  : i32 {
      %mul3A_179 = arith.constant 1 : i32
      %mul3A_180 = arith.muli %scan3A_178, %mul3A_179 : i32
      %add3A_181 = arith.constant 0 : i32
      %add3A_182 = arith.addi %add3A_181, %mul3A_180 : i32
      %rem3A = arith.constant 4 : i32
      %rem3A_183 = arith.remsi %add3A_182, %rem3A : i32
      %mul3A_184 = arith.constant 80 : i32
      %mul3A_185 = arith.muli %add3A_182, %mul3A_184 : i32
      %add3A_186 = arith.addi %mul3A_8, %mul3A_185 : i32
      %dma_wait3A_187 = arith.constant 0 : i32
      %dma_wait3A_188 = arith.constant 0 : i32
      %dma_wait3A_189 = tpu.memref_slice %arg7[%rem3A_183, %dma_wait3A_187, %dma_wait3A_188] : memref<4x2x80xi32, #tpu.memory_space<vmem>> -> memref<1x1x80xi32, #tpu.memory_space<vmem>>
      %dma_wait3A_190 = tpu.memref_squeeze %dma_wait3A_189 : memref<1x1x80xi32, #tpu.memory_space<vmem>> -> memref<80xi32, #tpu.memory_space<vmem>>
      %dma_wait3A_191 = tpu.memref_slice %arg3[%add3A_186] : memref<320000xi32, #tpu.memory_space<hbm>> -> memref<80xi32, #tpu.memory_space<hbm>>
      %dma_wait3A_192 = tpu.memref_slice %arg10[%rem3A_183] : memref<4x!tpu.dma_semaphore, #tpu.memory_space<semaphore_mem>> -> memref<1x!tpu.dma_semaphore, #tpu.memory_space<semaphore_mem>>
      %dma_wait3A_193 = tpu.memref_squeeze %dma_wait3A_192 : memref<1x!tpu.dma_semaphore, #tpu.memory_space<semaphore_mem>> -> memref<!tpu.dma_semaphore, #tpu.memory_space<semaphore_mem>>
      %dma_wait3A_194 = arith.constant 0 : i32
      %dma_wait3A_195 = tpu.memref_slice %arg7[%rem3A_183, %dma_wait3A_187, %dma_wait3A_194] : memref<4x2x80xi32, #tpu.memory_space<vmem>> -> memref<1x1x80xi32, #tpu.memory_space<vmem>>
      %dma_wait3A_196 = tpu.memref_squeeze %dma_wait3A_195 : memref<1x1x80xi32, #tpu.memory_space<vmem>> -> memref<80xi32, #tpu.memory_space<vmem>>
      %dma_wait3A_197 = tpu.memref_slice %arg3[%add3A_186] : memref<320000xi32, #tpu.memory_space<hbm>> -> memref<80xi32, #tpu.memory_space<hbm>>
      tpu.wait_dma2 semaphore(%dma_wait3A_193 : memref<!tpu.dma_semaphore, #tpu.memory_space<semaphore_mem>>) src(%dma_wait3A_197 : memref<80xi32, #tpu.memory_space<hbm>>) dst(%dma_wait3A_196 : memref<80xi32, #tpu.memory_space<vmem>>)
      %mul3A_198 = arith.constant 80 : i32
      %mul3A_199 = arith.muli %add3A_182, %mul3A_198 : i32
      %add3A_200 = arith.addi %mul3A_8, %mul3A_199 : i32
      %dma_wait3A_201 = arith.constant 1 : i32
      %dma_wait3A_202 = arith.constant 0 : i32
      %dma_wait3A_203 = tpu.memref_slice %arg7[%rem3A_183, %dma_wait3A_201, %dma_wait3A_202] : memref<4x2x80xi32, #tpu.memory_space<vmem>> -> memref<1x1x80xi32, #tpu.memory_space<vmem>>
      %dma_wait3A_204 = tpu.memref_squeeze %dma_wait3A_203 : memref<1x1x80xi32, #tpu.memory_space<vmem>> -> memref<80xi32, #tpu.memory_space<vmem>>
      %dma_wait3A_205 = tpu.memref_slice %arg4[%add3A_200] : memref<320000xi32, #tpu.memory_space<hbm>> -> memref<80xi32, #tpu.memory_space<hbm>>
      %dma_wait3A_206 = tpu.memref_slice %arg10[%rem3A_183] : memref<4x!tpu.dma_semaphore, #tpu.memory_space<semaphore_mem>> -> memref<1x!tpu.dma_semaphore, #tpu.memory_space<semaphore_mem>>
      %dma_wait3A_207 = tpu.memref_squeeze %dma_wait3A_206 : memref<1x!tpu.dma_semaphore, #tpu.memory_space<semaphore_mem>> -> memref<!tpu.dma_semaphore, #tpu.memory_space<semaphore_mem>>
      %dma_wait3A_208 = arith.constant 0 : i32
      %dma_wait3A_209 = tpu.memref_slice %arg7[%rem3A_183, %dma_wait3A_201, %dma_wait3A_208] : memref<4x2x80xi32, #tpu.memory_space<vmem>> -> memref<1x1x80xi32, #tpu.memory_space<vmem>>
      %dma_wait3A_210 = tpu.memref_squeeze %dma_wait3A_209 : memref<1x1x80xi32, #tpu.memory_space<vmem>> -> memref<80xi32, #tpu.memory_space<vmem>>
      %dma_wait3A_211 = tpu.memref_slice %arg4[%add3A_200] : memref<320000xi32, #tpu.memory_space<hbm>> -> memref<80xi32, #tpu.memory_space<hbm>>
      tpu.wait_dma2 semaphore(%dma_wait3A_207 : memref<!tpu.dma_semaphore, #tpu.memory_space<semaphore_mem>>) src(%dma_wait3A_211 : memref<80xi32, #tpu.memory_space<hbm>>) dst(%dma_wait3A_210 : memref<80xi32, #tpu.memory_space<vmem>>)
      %dma_start3A_212 = arith.constant 0 : i32
      %dma_start3A_213 = arith.constant 0 : i32
      %dma_start3A_214 = arith.constant 0 : i32
      %dma_start3A_215 = tpu.memref_slice %arg8[%rem3A_183, %dma_start3A_213, %dma_start3A_214] : memref<4x80x128xf32, #tpu.memory_space<vmem>> -> memref<1x80x128xf32, #tpu.memory_space<vmem>>
      %dma_start3A_216 = tpu.memref_squeeze %dma_start3A_215 : memref<1x80x128xf32, #tpu.memory_space<vmem>> -> memref<80x128xf32, #tpu.memory_space<vmem>>
      %dma_start3A_217 = arith.constant 0 : i32
      %dma_start3A_218 = tpu.memref_slice %arg7[%rem3A_183, %dma_start3A_212, %dma_start3A_217] : memref<4x2x80xi32, #tpu.memory_space<vmem>> -> memref<1x1x80xi32, #tpu.memory_space<vmem>>
      %dma_start3A_219 = tpu.memref_squeeze %dma_start3A_218 : memref<1x1x80xi32, #tpu.memory_space<vmem>> -> memref<80xi32, #tpu.memory_space<vmem>>
      %dma_start3A_220 = arith.constant 0 : i32
      %dma_start3A_221 = arith.constant 0 : i32
      %dma_start3A_222 = tpu.memref_slice %arg2[%dma_start3A_220, %dma_start3A_221] : memref<10000x128xf32, #tpu.memory_space<hbm>> -> memref<10000x128xf32, #tpu.memory_space<hbm>>
      %dma_start3A_223 = tpu.memref_slice %arg11[%rem3A_183] : memref<4x!tpu.dma_semaphore, #tpu.memory_space<semaphore_mem>> -> memref<1x!tpu.dma_semaphore, #tpu.memory_space<semaphore_mem>>
      %dma_start3A_224 = tpu.memref_squeeze %dma_start3A_223 : memref<1x!tpu.dma_semaphore, #tpu.memory_space<semaphore_mem>> -> memref<!tpu.dma_semaphore, #tpu.memory_space<semaphore_mem>>
      tpu.enqueue_indirect_dma source(%dma_start3A_222 : memref<10000x128xf32, #tpu.memory_space<hbm>>) target(%dma_start3A_216 : memref<80x128xf32, #tpu.memory_space<vmem>>) offsets(%dma_start3A_219 : memref<80xi32, #tpu.memory_space<vmem>>) semaphore(%dma_start3A_224 : memref<!tpu.dma_semaphore, #tpu.memory_space<semaphore_mem>>)
      %ge3A = arith.constant 1 : i32
      %ge3A_225 = arith.cmpi sge, %add3A_182, %ge3A : i32
      %convert_element_type3A_226 = arith.extui %ge3A_225 : i1 to i32
      %cond3A_227 = arith.constant 0 : i32
      %cond3A_228 = arith.cmpi ne, %convert_element_type3A_226, %cond3A_227 : i32
      scf.if %cond3A_228 {
        %add3A_236 = arith.constant 3 : i32
        %add3A_237 = arith.addi %add3A_182, %add3A_236 : i32
        %rem3A_238 = arith.constant 4 : i32
        %rem3A_239 = arith.remsi %add3A_237, %rem3A_238 : i32
        %dma_wait3A_240 = arith.constant 0 : i32
        %dma_wait3A_241 = arith.constant 0 : i32
        %dma_wait3A_242 = arith.constant 0 : i32
        %dma_wait3A_243 = tpu.memref_slice %arg8[%rem3A_239, %dma_wait3A_241, %dma_wait3A_242] : memref<4x80x128xf32, #tpu.memory_space<vmem>> -> memref<1x80x128xf32, #tpu.memory_space<vmem>>
        %dma_wait3A_244 = tpu.memref_squeeze %dma_wait3A_243 : memref<1x80x128xf32, #tpu.memory_space<vmem>> -> memref<80x128xf32, #tpu.memory_space<vmem>>
        %dma_wait3A_245 = arith.constant 0 : i32
        %dma_wait3A_246 = tpu.memref_slice %arg7[%rem3A_239, %dma_wait3A_240, %dma_wait3A_245] : memref<4x2x80xi32, #tpu.memory_space<vmem>> -> memref<1x1x80xi32, #tpu.memory_space<vmem>>
        %dma_wait3A_247 = tpu.memref_squeeze %dma_wait3A_246 : memref<1x1x80xi32, #tpu.memory_space<vmem>> -> memref<80xi32, #tpu.memory_space<vmem>>
        %dma_wait3A_248 = arith.constant 0 : i32
        %dma_wait3A_249 = arith.constant 0 : i32
        %dma_wait3A_250 = tpu.memref_slice %arg2[%dma_wait3A_248, %dma_wait3A_249] : memref<10000x128xf32, #tpu.memory_space<hbm>> -> memref<10000x128xf32, #tpu.memory_space<hbm>>
        %dma_wait3A_251 = tpu.memref_slice %arg11[%rem3A_239] : memref<4x!tpu.dma_semaphore, #tpu.memory_space<semaphore_mem>> -> memref<1x!tpu.dma_semaphore, #tpu.memory_space<semaphore_mem>>
        %dma_wait3A_252 = tpu.memref_squeeze %dma_wait3A_251 : memref<1x!tpu.dma_semaphore, #tpu.memory_space<semaphore_mem>> -> memref<!tpu.dma_semaphore, #tpu.memory_space<semaphore_mem>>
        tpu.wait_indirect_dma semaphore(%dma_wait3A_252 : memref<!tpu.dma_semaphore, #tpu.memory_space<semaphore_mem>>) src(%dma_wait3A_250 : memref<10000x128xf32, #tpu.memory_space<hbm>>) dst(%dma_wait3A_244 : memref<80x128xf32, #tpu.memory_space<vmem>>)
        %dma_start3A_253 = arith.constant 1 : i32
        %dma_start3A_254 = arith.constant 0 : i32
        %dma_start3A_255 = arith.constant 0 : i32
        %dma_start3A_256 = tpu.memref_slice %arg8[%rem3A_239, %dma_start3A_254, %dma_start3A_255] : memref<4x80x128xf32, #tpu.memory_space<vmem>> -> memref<1x80x128xf32, #tpu.memory_space<vmem>>
        %dma_start3A_257 = tpu.memref_squeeze %dma_start3A_256 : memref<1x80x128xf32, #tpu.memory_space<vmem>> -> memref<80x128xf32, #tpu.memory_space<vmem>>
        %dma_start3A_258 = arith.constant 0 : i32
        %dma_start3A_259 = tpu.memref_slice %arg7[%rem3A_239, %dma_start3A_253, %dma_start3A_258] : memref<4x2x80xi32, #tpu.memory_space<vmem>> -> memref<1x1x80xi32, #tpu.memory_space<vmem>>
        %dma_start3A_260 = tpu.memref_squeeze %dma_start3A_259 : memref<1x1x80xi32, #tpu.memory_space<vmem>> -> memref<80xi32, #tpu.memory_space<vmem>>
        %dma_start3A_261 = arith.constant 0 : i32
        %dma_start3A_262 = arith.constant 0 : i32
        %dma_start3A_263 = tpu.memref_slice %arg9[%dma_start3A_261, %dma_start3A_262] : memref<10000x128xf32, #tpu.memory_space<vmem_shared>> -> memref<10000x128xf32, #tpu.memory_space<vmem_shared>>
        %dma_start3A_264 = tpu.memref_slice %arg12[%rem3A_239] : memref<4x!tpu.dma_semaphore, #tpu.memory_space<semaphore_mem>> -> memref<1x!tpu.dma_semaphore, #tpu.memory_space<semaphore_mem>>
        %dma_start3A_265 = tpu.memref_squeeze %dma_start3A_264 : memref<1x!tpu.dma_semaphore, #tpu.memory_space<semaphore_mem>> -> memref<!tpu.dma_semaphore, #tpu.memory_space<semaphore_mem>>
        tpu.enqueue_indirect_dma source(%dma_start3A_257 : memref<80x128xf32, #tpu.memory_space<vmem>>) target(%dma_start3A_263 : memref<10000x128xf32, #tpu.memory_space<vmem_shared>>) offsets(%dma_start3A_260 : memref<80xi32, #tpu.memory_space<vmem>>) semaphore(%dma_start3A_265 : memref<!tpu.dma_semaphore, #tpu.memory_space<semaphore_mem>>) {add = true}
      } else {
      }
      %add3A_229 = arith.constant 2 : i32
      %add3A_230 = arith.addi %add3A_182, %add3A_229 : i32
      %lt3A_231 = arith.constant 125 : i32
      %lt3A_232 = arith.cmpi slt, %add3A_230, %lt3A_231 : i32
      %convert_element_type3A_233 = arith.extui %lt3A_232 : i1 to i32
      %cond3A_234 = arith.constant 0 : i32
      %cond3A_235 = arith.cmpi ne, %convert_element_type3A_233, %cond3A_234 : i32
      scf.if %cond3A_235 {
        %add3A_236 = arith.constant 2 : i32
        %add3A_237 = arith.addi %add3A_182, %add3A_236 : i32
        %rem3A_238 = arith.constant 4 : i32
        %rem3A_239 = arith.remsi %add3A_237, %rem3A_238 : i32
        %ge3A_240 = arith.constant 2 : i32
        %ge3A_241 = arith.cmpi sge, %add3A_182, %ge3A_240 : i32
        %convert_element_type3A_242 = arith.extui %ge3A_241 : i1 to i32
        %cond3A_243 = arith.constant 0 : i32
        %cond3A_244 = arith.cmpi ne, %convert_element_type3A_242, %cond3A_243 : i32
        scf.if %cond3A_244 {
          %dma_wait3A_275 = arith.constant 1 : i32
          %dma_wait3A_276 = arith.constant 0 : i32
          %dma_wait3A_277 = arith.constant 0 : i32
          %dma_wait3A_278 = tpu.memref_slice %arg8[%rem3A_239, %dma_wait3A_276, %dma_wait3A_277] : memref<4x80x128xf32, #tpu.memory_space<vmem>> -> memref<1x80x128xf32, #tpu.memory_space<vmem>>
          %dma_wait3A_279 = tpu.memref_squeeze %dma_wait3A_278 : memref<1x80x128xf32, #tpu.memory_space<vmem>> -> memref<80x128xf32, #tpu.memory_space<vmem>>
          %dma_wait3A_280 = arith.constant 0 : i32
          %dma_wait3A_281 = tpu.memref_slice %arg7[%rem3A_239, %dma_wait3A_275, %dma_wait3A_280] : memref<4x2x80xi32, #tpu.memory_space<vmem>> -> memref<1x1x80xi32, #tpu.memory_space<vmem>>
          %dma_wait3A_282 = tpu.memref_squeeze %dma_wait3A_281 : memref<1x1x80xi32, #tpu.memory_space<vmem>> -> memref<80xi32, #tpu.memory_space<vmem>>
          %dma_wait3A_283 = arith.constant 0 : i32
          %dma_wait3A_284 = arith.constant 0 : i32
          %dma_wait3A_285 = tpu.memref_slice %arg9[%dma_wait3A_283, %dma_wait3A_284] : memref<10000x128xf32, #tpu.memory_space<vmem_shared>> -> memref<10000x128xf32, #tpu.memory_space<vmem_shared>>
          %dma_wait3A_286 = tpu.memref_slice %arg12[%rem3A_239] : memref<4x!tpu.dma_semaphore, #tpu.memory_space<semaphore_mem>> -> memref<1x!tpu.dma_semaphore, #tpu.memory_space<semaphore_mem>>
          %dma_wait3A_287 = tpu.memref_squeeze %dma_wait3A_286 : memref<1x!tpu.dma_semaphore, #tpu.memory_space<semaphore_mem>> -> memref<!tpu.dma_semaphore, #tpu.memory_space<semaphore_mem>>
          tpu.wait_indirect_dma semaphore(%dma_wait3A_287 : memref<!tpu.dma_semaphore, #tpu.memory_space<semaphore_mem>>) src(%dma_wait3A_279 : memref<80x128xf32, #tpu.memory_space<vmem>>) dst(%dma_wait3A_285 : memref<10000x128xf32, #tpu.memory_space<vmem_shared>>)
        } else {
        }
        %add3A_245 = arith.constant 2 : i32
        %add3A_246 = arith.addi %add3A_182, %add3A_245 : i32
        %mul3A_247 = arith.constant 80 : i32
        %mul3A_248 = arith.muli %add3A_246, %mul3A_247 : i32
        %add3A_249 = arith.addi %mul3A_8, %mul3A_248 : i32
        %dma_start3A_250 = arith.constant 0 : i32
        %dma_start3A_251 = arith.constant 0 : i32
        %dma_start3A_252 = tpu.memref_slice %arg7[%rem3A_239, %dma_start3A_250, %dma_start3A_251] : memref<4x2x80xi32, #tpu.memory_space<vmem>> -> memref<1x1x80xi32, #tpu.memory_space<vmem>>
        %dma_start3A_253 = tpu.memref_squeeze %dma_start3A_252 : memref<1x1x80xi32, #tpu.memory_space<vmem>> -> memref<80xi32, #tpu.memory_space<vmem>>
        %dma_start3A_254 = tpu.memref_slice %arg3[%add3A_249] : memref<320000xi32, #tpu.memory_space<hbm>> -> memref<80xi32, #tpu.memory_space<hbm>>
        %dma_start3A_255 = tpu.memref_slice %arg10[%rem3A_239] : memref<4x!tpu.dma_semaphore, #tpu.memory_space<semaphore_mem>> -> memref<1x!tpu.dma_semaphore, #tpu.memory_space<semaphore_mem>>
        %dma_start3A_256 = tpu.memref_squeeze %dma_start3A_255 : memref<1x!tpu.dma_semaphore, #tpu.memory_space<semaphore_mem>> -> memref<!tpu.dma_semaphore, #tpu.memory_space<semaphore_mem>>
        %dma_start3A_257 = arith.constant 0 : i32
        %dma_start3A_258 = tpu.memref_slice %arg7[%rem3A_239, %dma_start3A_250, %dma_start3A_257] : memref<4x2x80xi32, #tpu.memory_space<vmem>> -> memref<1x1x80xi32, #tpu.memory_space<vmem>>
        %dma_start3A_259 = tpu.memref_squeeze %dma_start3A_258 : memref<1x1x80xi32, #tpu.memory_space<vmem>> -> memref<80xi32, #tpu.memory_space<vmem>>
        %dma_start3A_260 = tpu.memref_slice %arg3[%add3A_249] : memref<320000xi32, #tpu.memory_space<hbm>> -> memref<80xi32, #tpu.memory_space<hbm>>
        tpu.enqueue_dma source(%dma_start3A_260 : memref<80xi32, #tpu.memory_space<hbm>>) target(%dma_start3A_259 : memref<80xi32, #tpu.memory_space<vmem>>) target_semaphore(%dma_start3A_256 : memref<!tpu.dma_semaphore, #tpu.memory_space<semaphore_mem>>)
        %mul3A_261 = arith.constant 80 : i32
        %mul3A_262 = arith.muli %add3A_246, %mul3A_261 : i32
        %add3A_263 = arith.addi %mul3A_8, %mul3A_262 : i32
        %dma_start3A_264 = arith.constant 1 : i32
        %dma_start3A_265 = arith.constant 0 : i32
        %dma_start3A_266 = tpu.memref_slice %arg7[%rem3A_239, %dma_start3A_264, %dma_start3A_265] : memref<4x2x80xi32, #tpu.memory_space<vmem>> -> memref<1x1x80xi32, #tpu.memory_space<vmem>>
        %dma_start3A_267 = tpu.memref_squeeze %dma_start3A_266 : memref<1x1x80xi32, #tpu.memory_space<vmem>> -> memref<80xi32, #tpu.memory_space<vmem>>
        %dma_start3A_268 = tpu.memref_slice %arg4[%add3A_263] : memref<320000xi32, #tpu.memory_space<hbm>> -> memref<80xi32, #tpu.memory_space<hbm>>
        %dma_start3A_269 = tpu.memref_slice %arg10[%rem3A_239] : memref<4x!tpu.dma_semaphore, #tpu.memory_space<semaphore_mem>> -> memref<1x!tpu.dma_semaphore, #tpu.memory_space<semaphore_mem>>
        %dma_start3A_270 = tpu.memref_squeeze %dma_start3A_269 : memref<1x!tpu.dma_semaphore, #tpu.memory_space<semaphore_mem>> -> memref<!tpu.dma_semaphore, #tpu.memory_space<semaphore_mem>>
        %dma_start3A_271 = arith.constant 0 : i32
        %dma_start3A_272 = tpu.memref_slice %arg7[%rem3A_239, %dma_start3A_264, %dma_start3A_271] : memref<4x2x80xi32, #tpu.memory_space<vmem>> -> memref<1x1x80xi32, #tpu.memory_space<vmem>>
        %dma_start3A_273 = tpu.memref_squeeze %dma_start3A_272 : memref<1x1x80xi32, #tpu.memory_space<vmem>> -> memref<80xi32, #tpu.memory_space<vmem>>
        %dma_start3A_274 = tpu.memref_slice %arg4[%add3A_263] : memref<320000xi32, #tpu.memory_space<hbm>> -> memref<80xi32, #tpu.memory_space<hbm>>
        tpu.enqueue_dma source(%dma_start3A_274 : memref<80xi32, #tpu.memory_space<hbm>>) target(%dma_start3A_273 : memref<80xi32, #tpu.memory_space<vmem>>) target_semaphore(%dma_start3A_270 : memref<!tpu.dma_semaphore, #tpu.memory_space<semaphore_mem>>)
      } else {
      }
    }
    %scan3A_71 = arith.constant 125 : i32
    %dma_wait3A = arith.constant 0 : i32
    %dma_wait3A_72 = arith.constant 0 : i32
    %dma_wait3A_73 = arith.constant 0 : i32
    %dma_wait3A_74 = arith.constant 0 : i32
    %dma_wait3A_75 = arith.constant 0 : i32
    %dma_wait3A_76 = arith.constant 0 : i32
    %dma_wait3A_77 = tpu.memref_slice %arg8[%dma_wait3A_73, %dma_wait3A_75, %dma_wait3A_76] : memref<4x80x128xf32, #tpu.memory_space<vmem>> -> memref<1x80x128xf32, #tpu.memory_space<vmem>>
    %dma_wait3A_78 = tpu.memref_squeeze %dma_wait3A_77 : memref<1x80x128xf32, #tpu.memory_space<vmem>> -> memref<80x128xf32, #tpu.memory_space<vmem>>
    %dma_wait3A_79 = arith.constant 0 : i32
    %dma_wait3A_80 = tpu.memref_slice %arg7[%dma_wait3A, %dma_wait3A_72, %dma_wait3A_79] : memref<4x2x80xi32, #tpu.memory_space<vmem>> -> memref<1x1x80xi32, #tpu.memory_space<vmem>>
    %dma_wait3A_81 = tpu.memref_squeeze %dma_wait3A_80 : memref<1x1x80xi32, #tpu.memory_space<vmem>> -> memref<80xi32, #tpu.memory_space<vmem>>
    %dma_wait3A_82 = arith.constant 0 : i32
    %dma_wait3A_83 = arith.constant 0 : i32
    %dma_wait3A_84 = tpu.memref_slice %arg2[%dma_wait3A_82, %dma_wait3A_83] : memref<10000x128xf32, #tpu.memory_space<hbm>> -> memref<10000x128xf32, #tpu.memory_space<hbm>>
    %dma_wait3A_85 = tpu.memref_slice %arg11[%dma_wait3A_74] : memref<4x!tpu.dma_semaphore, #tpu.memory_space<semaphore_mem>> -> memref<1x!tpu.dma_semaphore, #tpu.memory_space<semaphore_mem>>
    %dma_wait3A_86 = tpu.memref_squeeze %dma_wait3A_85 : memref<1x!tpu.dma_semaphore, #tpu.memory_space<semaphore_mem>> -> memref<!tpu.dma_semaphore, #tpu.memory_space<semaphore_mem>>
    tpu.wait_indirect_dma semaphore(%dma_wait3A_86 : memref<!tpu.dma_semaphore, #tpu.memory_space<semaphore_mem>>) src(%dma_wait3A_84 : memref<10000x128xf32, #tpu.memory_space<hbm>>) dst(%dma_wait3A_78 : memref<80x128xf32, #tpu.memory_space<vmem>>)
    %dma_start3A_87 = arith.constant 0 : i32
    %dma_start3A_88 = arith.constant 0 : i32
    %dma_start3A_89 = arith.constant 1 : i32
    %dma_start3A_90 = arith.constant 0 : i32
    %dma_start3A_91 = arith.constant 0 : i32
    %dma_start3A_92 = arith.constant 0 : i32
    %dma_start3A_93 = tpu.memref_slice %arg8[%dma_start3A_87, %dma_start3A_91, %dma_start3A_92] : memref<4x80x128xf32, #tpu.memory_space<vmem>> -> memref<1x80x128xf32, #tpu.memory_space<vmem>>
    %dma_start3A_94 = tpu.memref_squeeze %dma_start3A_93 : memref<1x80x128xf32, #tpu.memory_space<vmem>> -> memref<80x128xf32, #tpu.memory_space<vmem>>
    %dma_start3A_95 = arith.constant 0 : i32
    %dma_start3A_96 = tpu.memref_slice %arg7[%dma_start3A_88, %dma_start3A_89, %dma_start3A_95] : memref<4x2x80xi32, #tpu.memory_space<vmem>> -> memref<1x1x80xi32, #tpu.memory_space<vmem>>
    %dma_start3A_97 = tpu.memref_squeeze %dma_start3A_96 : memref<1x1x80xi32, #tpu.memory_space<vmem>> -> memref<80xi32, #tpu.memory_space<vmem>>
    %dma_start3A_98 = arith.constant 0 : i32
    %dma_start3A_99 = arith.constant 0 : i32
    %dma_start3A_100 = tpu.memref_slice %arg9[%dma_start3A_98, %dma_start3A_99] : memref<10000x128xf32, #tpu.memory_space<vmem_shared>> -> memref<10000x128xf32, #tpu.memory_space<vmem_shared>>
    %dma_start3A_101 = tpu.memref_slice %arg12[%dma_start3A_90] : memref<4x!tpu.dma_semaphore, #tpu.memory_space<semaphore_mem>> -> memref<1x!tpu.dma_semaphore, #tpu.memory_space<semaphore_mem>>
    %dma_start3A_102 = tpu.memref_squeeze %dma_start3A_101 : memref<1x!tpu.dma_semaphore, #tpu.memory_space<semaphore_mem>> -> memref<!tpu.dma_semaphore, #tpu.memory_space<semaphore_mem>>
    tpu.enqueue_indirect_dma source(%dma_start3A_94 : memref<80x128xf32, #tpu.memory_space<vmem>>) target(%dma_start3A_100 : memref<10000x128xf32, #tpu.memory_space<vmem_shared>>) offsets(%dma_start3A_97 : memref<80xi32, #tpu.memory_space<vmem>>) semaphore(%dma_start3A_102 : memref<!tpu.dma_semaphore, #tpu.memory_space<semaphore_mem>>) {add = true}
    %dma_wait3A_103 = arith.constant 1 : i32
    %dma_wait3A_104 = arith.constant 1 : i32
    %dma_wait3A_105 = arith.constant 1 : i32
    %dma_wait3A_106 = arith.constant 1 : i32
    %dma_wait3A_107 = arith.constant 0 : i32
    %dma_wait3A_108 = arith.constant 0 : i32
    %dma_wait3A_109 = tpu.memref_slice %arg8[%dma_wait3A_103, %dma_wait3A_107, %dma_wait3A_108] : memref<4x80x128xf32, #tpu.memory_space<vmem>> -> memref<1x80x128xf32, #tpu.memory_space<vmem>>
    %dma_wait3A_110 = tpu.memref_squeeze %dma_wait3A_109 : memref<1x80x128xf32, #tpu.memory_space<vmem>> -> memref<80x128xf32, #tpu.memory_space<vmem>>
    %dma_wait3A_111 = arith.constant 0 : i32
    %dma_wait3A_112 = tpu.memref_slice %arg7[%dma_wait3A_104, %dma_wait3A_105, %dma_wait3A_111] : memref<4x2x80xi32, #tpu.memory_space<vmem>> -> memref<1x1x80xi32, #tpu.memory_space<vmem>>
    %dma_wait3A_113 = tpu.memref_squeeze %dma_wait3A_112 : memref<1x1x80xi32, #tpu.memory_space<vmem>> -> memref<80xi32, #tpu.memory_space<vmem>>
    %dma_wait3A_114 = arith.constant 0 : i32
    %dma_wait3A_115 = arith.constant 0 : i32
    %dma_wait3A_116 = tpu.memref_slice %arg9[%dma_wait3A_114, %dma_wait3A_115] : memref<10000x128xf32, #tpu.memory_space<vmem_shared>> -> memref<10000x128xf32, #tpu.memory_space<vmem_shared>>
    %dma_wait3A_117 = tpu.memref_slice %arg12[%dma_wait3A_106] : memref<4x!tpu.dma_semaphore, #tpu.memory_space<semaphore_mem>> -> memref<1x!tpu.dma_semaphore, #tpu.memory_space<semaphore_mem>>
    %dma_wait3A_118 = tpu.memref_squeeze %dma_wait3A_117 : memref<1x!tpu.dma_semaphore, #tpu.memory_space<semaphore_mem>> -> memref<!tpu.dma_semaphore, #tpu.memory_space<semaphore_mem>>
    tpu.wait_indirect_dma semaphore(%dma_wait3A_118 : memref<!tpu.dma_semaphore, #tpu.memory_space<semaphore_mem>>) src(%dma_wait3A_110 : memref<80x128xf32, #tpu.memory_space<vmem>>) dst(%dma_wait3A_116 : memref<10000x128xf32, #tpu.memory_space<vmem_shared>>)
    %dma_wait3A_119 = arith.constant 2 : i32
    %dma_wait3A_120 = arith.constant 2 : i32
    %dma_wait3A_121 = arith.constant 1 : i32
    %dma_wait3A_122 = arith.constant 2 : i32
    %dma_wait3A_123 = arith.constant 0 : i32
    %dma_wait3A_124 = arith.constant 0 : i32
    %dma_wait3A_125 = tpu.memref_slice %arg8[%dma_wait3A_119, %dma_wait3A_123, %dma_wait3A_124] : memref<4x80x128xf32, #tpu.memory_space<vmem>> -> memref<1x80x128xf32, #tpu.memory_space<vmem>>
    %dma_wait3A_126 = tpu.memref_squeeze %dma_wait3A_125 : memref<1x80x128xf32, #tpu.memory_space<vmem>> -> memref<80x128xf32, #tpu.memory_space<vmem>>
    %dma_wait3A_127 = arith.constant 0 : i32
    %dma_wait3A_128 = tpu.memref_slice %arg7[%dma_wait3A_120, %dma_wait3A_121, %dma_wait3A_127] : memref<4x2x80xi32, #tpu.memory_space<vmem>> -> memref<1x1x80xi32, #tpu.memory_space<vmem>>
    %dma_wait3A_129 = tpu.memref_squeeze %dma_wait3A_128 : memref<1x1x80xi32, #tpu.memory_space<vmem>> -> memref<80xi32, #tpu.memory_space<vmem>>
    %dma_wait3A_130 = arith.constant 0 : i32
    %dma_wait3A_131 = arith.constant 0 : i32
    %dma_wait3A_132 = tpu.memref_slice %arg9[%dma_wait3A_130, %dma_wait3A_131] : memref<10000x128xf32, #tpu.memory_space<vmem_shared>> -> memref<10000x128xf32, #tpu.memory_space<vmem_shared>>
    %dma_wait3A_133 = tpu.memref_slice %arg12[%dma_wait3A_122] : memref<4x!tpu.dma_semaphore, #tpu.memory_space<semaphore_mem>> -> memref<1x!tpu.dma_semaphore, #tpu.memory_space<semaphore_mem>>
    %dma_wait3A_134 = tpu.memref_squeeze %dma_wait3A_133 : memref<1x!tpu.dma_semaphore, #tpu.memory_space<semaphore_mem>> -> memref<!tpu.dma_semaphore, #tpu.memory_space<semaphore_mem>>
    tpu.wait_indirect_dma semaphore(%dma_wait3A_134 : memref<!tpu.dma_semaphore, #tpu.memory_space<semaphore_mem>>) src(%dma_wait3A_126 : memref<80x128xf32, #tpu.memory_space<vmem>>) dst(%dma_wait3A_132 : memref<10000x128xf32, #tpu.memory_space<vmem_shared>>)
    %dma_wait3A_135 = arith.constant 3 : i32
    %dma_wait3A_136 = arith.constant 3 : i32
    %dma_wait3A_137 = arith.constant 1 : i32
    %dma_wait3A_138 = arith.constant 3 : i32
    %dma_wait3A_139 = arith.constant 0 : i32
    %dma_wait3A_140 = arith.constant 0 : i32
    %dma_wait3A_141 = tpu.memref_slice %arg8[%dma_wait3A_135, %dma_wait3A_139, %dma_wait3A_140] : memref<4x80x128xf32, #tpu.memory_space<vmem>> -> memref<1x80x128xf32, #tpu.memory_space<vmem>>
    %dma_wait3A_142 = tpu.memref_squeeze %dma_wait3A_141 : memref<1x80x128xf32, #tpu.memory_space<vmem>> -> memref<80x128xf32, #tpu.memory_space<vmem>>
    %dma_wait3A_143 = arith.constant 0 : i32
    %dma_wait3A_144 = tpu.memref_slice %arg7[%dma_wait3A_136, %dma_wait3A_137, %dma_wait3A_143] : memref<4x2x80xi32, #tpu.memory_space<vmem>> -> memref<1x1x80xi32, #tpu.memory_space<vmem>>
    %dma_wait3A_145 = tpu.memref_squeeze %dma_wait3A_144 : memref<1x1x80xi32, #tpu.memory_space<vmem>> -> memref<80xi32, #tpu.memory_space<vmem>>
    %dma_wait3A_146 = arith.constant 0 : i32
    %dma_wait3A_147 = arith.constant 0 : i32
    %dma_wait3A_148 = tpu.memref_slice %arg9[%dma_wait3A_146, %dma_wait3A_147] : memref<10000x128xf32, #tpu.memory_space<vmem_shared>> -> memref<10000x128xf32, #tpu.memory_space<vmem_shared>>
    %dma_wait3A_149 = tpu.memref_slice %arg12[%dma_wait3A_138] : memref<4x!tpu.dma_semaphore, #tpu.memory_space<semaphore_mem>> -> memref<1x!tpu.dma_semaphore, #tpu.memory_space<semaphore_mem>>
    %dma_wait3A_150 = tpu.memref_squeeze %dma_wait3A_149 : memref<1x!tpu.dma_semaphore, #tpu.memory_space<semaphore_mem>> -> memref<!tpu.dma_semaphore, #tpu.memory_space<semaphore_mem>>
    tpu.wait_indirect_dma semaphore(%dma_wait3A_150 : memref<!tpu.dma_semaphore, #tpu.memory_space<semaphore_mem>>) src(%dma_wait3A_142 : memref<80x128xf32, #tpu.memory_space<vmem>>) dst(%dma_wait3A_148 : memref<10000x128xf32, #tpu.memory_space<vmem_shared>>)
    %dma_wait3A_151 = arith.constant 0 : i32
    %dma_wait3A_152 = arith.constant 0 : i32
    %dma_wait3A_153 = arith.constant 1 : i32
    %dma_wait3A_154 = arith.constant 0 : i32
    %dma_wait3A_155 = arith.constant 0 : i32
    %dma_wait3A_156 = arith.constant 0 : i32
    %dma_wait3A_157 = tpu.memref_slice %arg8[%dma_wait3A_151, %dma_wait3A_155, %dma_wait3A_156] : memref<4x80x128xf32, #tpu.memory_space<vmem>> -> memref<1x80x128xf32, #tpu.memory_space<vmem>>
    %dma_wait3A_158 = tpu.memref_squeeze %dma_wait3A_157 : memref<1x80x128xf32, #tpu.memory_space<vmem>> -> memref<80x128xf32, #tpu.memory_space<vmem>>
    %dma_wait3A_159 = arith.constant 0 : i32
    %dma_wait3A_160 = tpu.memref_slice %arg7[%dma_wait3A_152, %dma_wait3A_153, %dma_wait3A_159] : memref<4x2x80xi32, #tpu.memory_space<vmem>> -> memref<1x1x80xi32, #tpu.memory_space<vmem>>
    %dma_wait3A_161 = tpu.memref_squeeze %dma_wait3A_160 : memref<1x1x80xi32, #tpu.memory_space<vmem>> -> memref<80xi32, #tpu.memory_space<vmem>>
    %dma_wait3A_162 = arith.constant 0 : i32
    %dma_wait3A_163 = arith.constant 0 : i32
    %dma_wait3A_164 = tpu.memref_slice %arg9[%dma_wait3A_162, %dma_wait3A_163] : memref<10000x128xf32, #tpu.memory_space<vmem_shared>> -> memref<10000x128xf32, #tpu.memory_space<vmem_shared>>
    %dma_wait3A_165 = tpu.memref_slice %arg12[%dma_wait3A_154] : memref<4x!tpu.dma_semaphore, #tpu.memory_space<semaphore_mem>> -> memref<1x!tpu.dma_semaphore, #tpu.memory_space<semaphore_mem>>
    %dma_wait3A_166 = tpu.memref_squeeze %dma_wait3A_165 : memref<1x!tpu.dma_semaphore, #tpu.memory_space<semaphore_mem>> -> memref<!tpu.dma_semaphore, #tpu.memory_space<semaphore_mem>>
    tpu.wait_indirect_dma semaphore(%dma_wait3A_166 : memref<!tpu.dma_semaphore, #tpu.memory_space<semaphore_mem>>) src(%dma_wait3A_158 : memref<80x128xf32, #tpu.memory_space<vmem>>) dst(%dma_wait3A_164 : memref<10000x128xf32, #tpu.memory_space<vmem_shared>>)
    %barrier3A_167 = arith.constant 0 : index
    tpu.barrier barrier_id(%barrier3A_167)
    %lt3A_168 = arith.constant 15 : i32
    %lt3A_169 = arith.cmpi slt, %arg1, %lt3A_168 : i32
    %convert_element_type3A_170 = arith.extui %lt3A_169 : i1 to i32
    %cond3A_171 = arith.constant 0 : i32
    %cond3A_172 = arith.cmpi ne, %convert_element_type3A_170, %cond3A_171 : i32
    scf.if %cond3A_172 {
      %mul3A_178 = arith.constant 632 : i32
      %mul3A_179 = arith.muli %arg1, %mul3A_178 : i32
      %mul3A_180 = arith.constant 632 : i32
      %mul3A_181 = arith.muli %arg1, %mul3A_180 : i32
      "tpu.region"() ({
        %run_scoped3A = tpu.sem_alloc : memref<!tpu.dma_semaphore, #tpu.memory_space<semaphore_mem>>
        %dma_start3A_182 = arith.constant 0 : i32
        %dma_start3A_183 = tpu.memref_slice %arg6[%arg0, %mul3A_181, %dma_start3A_182] : memref<2x10000x128xf32, #tpu.memory_space<hbm>> -> memref<1x632x128xf32, #tpu.memory_space<hbm>>
        %dma_start3A_184 = tpu.memref_squeeze %dma_start3A_183 : memref<1x632x128xf32, #tpu.memory_space<hbm>> -> memref<632x128xf32, #tpu.memory_space<hbm>>
        %dma_start3A_185 = arith.constant 0 : i32
        %dma_start3A_186 = tpu.memref_slice %arg9[%mul3A_179, %dma_start3A_185] : memref<10000x128xf32, #tpu.memory_space<vmem_shared>> -> memref<632x128xf32, #tpu.memory_space<vmem_shared>>
        tpu.enqueue_dma source(%dma_start3A_186 : memref<632x128xf32, #tpu.memory_space<vmem_shared>>) target(%dma_start3A_184 : memref<632x128xf32, #tpu.memory_space<hbm>>) target_semaphore(%run_scoped3A : memref<!tpu.dma_semaphore, #tpu.memory_space<semaphore_mem>>)
        %dma_wait3A_187 = arith.constant 0 : i32
        %dma_wait3A_188 = tpu.memref_slice %arg6[%arg0, %mul3A_181, %dma_wait3A_187] : memref<2x10000x128xf32, #tpu.memory_space<hbm>> -> memref<1x632x128xf32, #tpu.memory_space<hbm>>
        %dma_wait3A_189 = tpu.memref_squeeze %dma_wait3A_188 : memref<1x632x128xf32, #tpu.memory_space<hbm>> -> memref<632x128xf32, #tpu.memory_space<hbm>>
        %dma_wait3A_190 = arith.constant 0 : i32
        %dma_wait3A_191 = tpu.memref_slice %arg9[%mul3A_179, %dma_wait3A_190] : memref<10000x128xf32, #tpu.memory_space<vmem_shared>> -> memref<632x128xf32, #tpu.memory_space<vmem_shared>>
        tpu.wait_dma2 semaphore(%run_scoped3A : memref<!tpu.dma_semaphore, #tpu.memory_space<semaphore_mem>>) src(%dma_wait3A_191 : memref<632x128xf32, #tpu.memory_space<vmem_shared>>) dst(%dma_wait3A_189 : memref<632x128xf32, #tpu.memory_space<hbm>>)
        tpu.yield
      }) : () -> ()
    } else {
    }
    %eq3A_173 = arith.constant 15 : i32
    %eq3A_174 = arith.cmpi eq, %arg1, %eq3A_173 : i32
    %convert_element_type3A_175 = arith.extui %eq3A_174 : i1 to i32
    %cond3A_176 = arith.constant 0 : i32
    %cond3A_177 = arith.cmpi ne, %convert_element_type3A_175, %cond3A_176 : i32
    scf.if %cond3A_177 {
      "tpu.region"() ({
        %run_scoped3A = tpu.sem_alloc : memref<!tpu.dma_semaphore, #tpu.memory_space<semaphore_mem>>
        %dma_start3A_178 = arith.constant 9480 : i32
        %dma_start3A_179 = arith.constant 0 : i32
        %dma_start3A_180 = tpu.memref_slice %arg6[%arg0, %dma_start3A_178, %dma_start3A_179] : memref<2x10000x128xf32, #tpu.memory_space<hbm>> -> memref<1x520x128xf32, #tpu.memory_space<hbm>>
        %dma_start3A_181 = tpu.memref_squeeze %dma_start3A_180 : memref<1x520x128xf32, #tpu.memory_space<hbm>> -> memref<520x128xf32, #tpu.memory_space<hbm>>
        %dma_start3A_182 = arith.constant 9480 : i32
        %dma_start3A_183 = arith.constant 0 : i32
        %dma_start3A_184 = tpu.memref_slice %arg9[%dma_start3A_182, %dma_start3A_183] : memref<10000x128xf32, #tpu.memory_space<vmem_shared>> -> memref<520x128xf32, #tpu.memory_space<vmem_shared>>
        tpu.enqueue_dma source(%dma_start3A_184 : memref<520x128xf32, #tpu.memory_space<vmem_shared>>) target(%dma_start3A_181 : memref<520x128xf32, #tpu.memory_space<hbm>>) target_semaphore(%run_scoped3A : memref<!tpu.dma_semaphore, #tpu.memory_space<semaphore_mem>>)
        %dma_wait3A_185 = arith.constant 9480 : i32
        %dma_wait3A_186 = arith.constant 0 : i32
        %dma_wait3A_187 = tpu.memref_slice %arg6[%arg0, %dma_wait3A_185, %dma_wait3A_186] : memref<2x10000x128xf32, #tpu.memory_space<hbm>> -> memref<1x520x128xf32, #tpu.memory_space<hbm>>
        %dma_wait3A_188 = tpu.memref_squeeze %dma_wait3A_187 : memref<1x520x128xf32, #tpu.memory_space<hbm>> -> memref<520x128xf32, #tpu.memory_space<hbm>>
        %dma_wait3A_189 = arith.constant 9480 : i32
        %dma_wait3A_190 = arith.constant 0 : i32
        %dma_wait3A_191 = tpu.memref_slice %arg9[%dma_wait3A_189, %dma_wait3A_190] : memref<10000x128xf32, #tpu.memory_space<vmem_shared>> -> memref<520x128xf32, #tpu.memory_space<vmem_shared>>
        tpu.wait_dma2 semaphore(%run_scoped3A : memref<!tpu.dma_semaphore, #tpu.memory_space<semaphore_mem>>) src(%dma_wait3A_191 : memref<520x128xf32, #tpu.memory_space<vmem_shared>>) dst(%dma_wait3A_188 : memref<520x128xf32, #tpu.memory_space<hbm>>)
        tpu.yield
      }) : () -> ()
    } else {
    }
    return
  }
}

#map = affine_map<(d0, d1) -> (0)>
module attributes {stable_mosaic.version = 14 : i64} {
  func.func @k(%arg0: i32, %arg1: i32, %arg2: memref<320000xi32, #tpu.memory_space<hbm>>, %arg3: memref<320000xf32, #tpu.memory_space<hbm>>, %arg4: memref<10000xf32, #tpu.memory_space<vmem>>, %arg5: memref<4000xi32, #tpu.memory_space<vmem>>, %arg6: memref<2x!tpu.dma_semaphore, #tpu.memory_space<semaphore_mem>>) attributes {dimension_semantics = [#tpu.dimension_semantics<core_parallel>, #tpu.dimension_semantics<subcore_parallel>], iteration_bounds = array<i64: 2, 16>, scalar_prefetch = 0 : i64, scratch_operands = 3 : i64, tpu.core_type = #tpu.core_type<sc_vector_subcore>, window_params = [{transform_indices = #map}, {transform_indices = #map}]} {
    %mul3A = arith.constant 16 : i32
    %mul3A_0 = arith.muli %arg0, %mul3A : i32
    %add3A = arith.addi %mul3A_0, %arg1 : i32
    %broadcast_in_dim3A = arith.constant 0.000000e+00 : f32
    %broadcast_in_dim3A_1 = vector.broadcast %broadcast_in_dim3A : f32 to vector<16xf32>
    %broadcast_in_dim3A_2 = arith.constant 1.000000e+00 : f32
    %broadcast_in_dim3A_3 = vector.broadcast %broadcast_in_dim3A_2 : f32 to vector<16xf32>
    %scan3A = arith.constant 0 : i32
    %scan3A_4 = arith.constant 625 : i32
    %scan3A_5 = arith.addi %scan3A, %scan3A_4 : i32
    %scan3A_6 = arith.constant 1 : i32
    scf.for %scan3A_25 = %scan3A to %scan3A_5 step %scan3A_6  : i32 {
      %mul3A_26 = arith.constant 1 : i32
      %mul3A_27 = arith.muli %scan3A_25, %mul3A_26 : i32
      %add3A_28 = arith.constant 0 : i32
      %add3A_29 = arith.addi %add3A_28, %mul3A_27 : i32
      %mul3A_30 = arith.constant 16 : i32
      %mul3A_31 = arith.muli %add3A_29, %mul3A_30 : i32
      %swap3A = arith.index_cast %mul3A_31 : i32 to index
      %swap3A_32 = tpu.vector_load %arg4[%swap3A] {strides = array<i32>} : memref<10000xf32, #tpu.memory_space<vmem>>, vector<16xf32>,
      tpu.vector_store %arg4[%swap3A], %broadcast_in_dim3A_1 {strides = array<i32>} : memref<10000xf32, #tpu.memory_space<vmem>>, vector<16xf32>,
    }
    %scan3A_7 = arith.constant 625 : i32
    %mul3A_8 = arith.constant 10000 : i32
    %mul3A_9 = arith.muli %add3A, %mul3A_8 : i32
    %dma_start3A = arith.constant 0 : i32
    %dma_start3A_10 = arith.constant 0 : i32
    %dma_start3A_11 = tpu.memref_slice %arg5[%dma_start3A_10] : memref<4000xi32, #tpu.memory_space<vmem>> -> memref<2000xi32, #tpu.memory_space<vmem>>
    %dma_start3A_12 = tpu.memref_slice %arg2[%mul3A_9] : memref<320000xi32, #tpu.memory_space<hbm>> -> memref<2000xi32, #tpu.memory_space<hbm>>
    %dma_start3A_13 = tpu.memref_slice %arg6[%dma_start3A] : memref<2x!tpu.dma_semaphore, #tpu.memory_space<semaphore_mem>> -> memref<1x!tpu.dma_semaphore, #tpu.memory_space<semaphore_mem>>
    %dma_start3A_14 = tpu.memref_squeeze %dma_start3A_13 : memref<1x!tpu.dma_semaphore, #tpu.memory_space<semaphore_mem>> -> memref<!tpu.dma_semaphore, #tpu.memory_space<semaphore_mem>>
    %dma_start3A_15 = arith.constant 0 : i32
    %dma_start3A_16 = tpu.memref_slice %arg5[%dma_start3A_15] : memref<4000xi32, #tpu.memory_space<vmem>> -> memref<2000xi32, #tpu.memory_space<vmem>>
    %dma_start3A_17 = tpu.memref_slice %arg2[%mul3A_9] : memref<320000xi32, #tpu.memory_space<hbm>> -> memref<2000xi32, #tpu.memory_space<hbm>>
    tpu.enqueue_dma source(%dma_start3A_17 : memref<2000xi32, #tpu.memory_space<hbm>>) target(%dma_start3A_16 : memref<2000xi32, #tpu.memory_space<vmem>>) target_semaphore(%dma_start3A_14 : memref<!tpu.dma_semaphore, #tpu.memory_space<semaphore_mem>>)
    %scan3A_18 = arith.constant 0 : i32
    %scan3A_19 = arith.constant 5 : i32
    %scan3A_20 = arith.addi %scan3A_18, %scan3A_19 : i32
    %scan3A_21 = arith.constant 1 : i32
    scf.for %scan3A_25 = %scan3A_18 to %scan3A_20 step %scan3A_21  : i32 {
      %mul3A_26 = arith.constant 1 : i32
      %mul3A_27 = arith.muli %scan3A_25, %mul3A_26 : i32
      %add3A_28 = arith.constant 0 : i32
      %add3A_29 = arith.addi %add3A_28, %mul3A_27 : i32
      %rem3A = arith.constant 2 : i32
      %rem3A_30 = arith.remsi %add3A_29, %rem3A : i32
      %mul3A_31 = arith.constant 2000 : i32
      %mul3A_32 = arith.muli %add3A_29, %mul3A_31 : i32
      %add3A_33 = arith.addi %mul3A_9, %mul3A_32 : i32
      %mul3A_34 = arith.constant 2000 : i32
      %mul3A_35 = arith.muli %rem3A_30, %mul3A_34 : i32
      %dma_wait3A = tpu.memref_slice %arg5[%mul3A_35] : memref<4000xi32, #tpu.memory_space<vmem>> -> memref<2000xi32, #tpu.memory_space<vmem>>
      %dma_wait3A_36 = tpu.memref_slice %arg2[%add3A_33] : memref<320000xi32, #tpu.memory_space<hbm>> -> memref<2000xi32, #tpu.memory_space<hbm>>
      %dma_wait3A_37 = tpu.memref_slice %arg6[%rem3A_30] : memref<2x!tpu.dma_semaphore, #tpu.memory_space<semaphore_mem>> -> memref<1x!tpu.dma_semaphore, #tpu.memory_space<semaphore_mem>>
      %dma_wait3A_38 = tpu.memref_squeeze %dma_wait3A_37 : memref<1x!tpu.dma_semaphore, #tpu.memory_space<semaphore_mem>> -> memref<!tpu.dma_semaphore, #tpu.memory_space<semaphore_mem>>
      %dma_wait3A_39 = tpu.memref_slice %arg5[%mul3A_35] : memref<4000xi32, #tpu.memory_space<vmem>> -> memref<2000xi32, #tpu.memory_space<vmem>>
      %dma_wait3A_40 = tpu.memref_slice %arg2[%add3A_33] : memref<320000xi32, #tpu.memory_space<hbm>> -> memref<2000xi32, #tpu.memory_space<hbm>>
      tpu.wait_dma2 semaphore(%dma_wait3A_38 : memref<!tpu.dma_semaphore, #tpu.memory_space<semaphore_mem>>) src(%dma_wait3A_40 : memref<2000xi32, #tpu.memory_space<hbm>>) dst(%dma_wait3A_39 : memref<2000xi32, #tpu.memory_space<vmem>>)
      %add3A_41 = arith.constant 1 : i32
      %add3A_42 = arith.addi %add3A_29, %add3A_41 : i32
      %lt3A = arith.constant 5 : i32
      %lt3A_43 = arith.cmpi slt, %add3A_42, %lt3A : i32
      %convert_element_type3A = arith.extui %lt3A_43 : i1 to i32
      %cond3A = arith.constant 0 : i32
      %cond3A_44 = arith.cmpi ne, %convert_element_type3A, %cond3A : i32
      scf.if %cond3A_44 {
        %add3A_50 = arith.constant 1 : i32
        %add3A_51 = arith.addi %add3A_29, %add3A_50 : i32
        %rem3A_52 = arith.constant 2 : i32
        %rem3A_53 = arith.remsi %add3A_51, %rem3A_52 : i32
        %add3A_54 = arith.constant 1 : i32
        %add3A_55 = arith.addi %add3A_29, %add3A_54 : i32
        %mul3A_56 = arith.constant 2000 : i32
        %mul3A_57 = arith.muli %add3A_55, %mul3A_56 : i32
        %add3A_58 = arith.addi %mul3A_9, %mul3A_57 : i32
        %mul3A_59 = arith.constant 2000 : i32
        %mul3A_60 = arith.muli %rem3A_53, %mul3A_59 : i32
        %dma_start3A_61 = tpu.memref_slice %arg5[%mul3A_60] : memref<4000xi32, #tpu.memory_space<vmem>> -> memref<2000xi32, #tpu.memory_space<vmem>>
        %dma_start3A_62 = tpu.memref_slice %arg2[%add3A_58] : memref<320000xi32, #tpu.memory_space<hbm>> -> memref<2000xi32, #tpu.memory_space<hbm>>
        %dma_start3A_63 = tpu.memref_slice %arg6[%rem3A_53] : memref<2x!tpu.dma_semaphore, #tpu.memory_space<semaphore_mem>> -> memref<1x!tpu.dma_semaphore, #tpu.memory_space<semaphore_mem>>
        %dma_start3A_64 = tpu.memref_squeeze %dma_start3A_63 : memref<1x!tpu.dma_semaphore, #tpu.memory_space<semaphore_mem>> -> memref<!tpu.dma_semaphore, #tpu.memory_space<semaphore_mem>>
        %dma_start3A_65 = tpu.memref_slice %arg5[%mul3A_60] : memref<4000xi32, #tpu.memory_space<vmem>> -> memref<2000xi32, #tpu.memory_space<vmem>>
        %dma_start3A_66 = tpu.memref_slice %arg2[%add3A_58] : memref<320000xi32, #tpu.memory_space<hbm>> -> memref<2000xi32, #tpu.memory_space<hbm>>
        tpu.enqueue_dma source(%dma_start3A_66 : memref<2000xi32, #tpu.memory_space<hbm>>) target(%dma_start3A_65 : memref<2000xi32, #tpu.memory_space<vmem>>) target_semaphore(%dma_start3A_64 : memref<!tpu.dma_semaphore, #tpu.memory_space<semaphore_mem>>)
      } else {
      }
      %scan3A_45 = arith.constant 0 : i32
      %scan3A_46 = arith.constant 125 : i32
      %scan3A_47 = arith.addi %scan3A_45, %scan3A_46 : i32
      %scan3A_48 = arith.constant 1 : i32
      scf.for %scan3A_50 = %scan3A_45 to %scan3A_47 step %scan3A_48  : i32 {
        %mul3A_51 = arith.constant 1 : i32
        %mul3A_52 = arith.muli %scan3A_50, %mul3A_51 : i32
        %add3A_53 = arith.constant 0 : i32
        %add3A_54 = arith.addi %add3A_53, %mul3A_52 : i32
        %mul3A_55 = arith.constant 2000 : i32
        %mul3A_56 = arith.muli %rem3A_30, %mul3A_55 : i32
        %mul3A_57 = arith.constant 16 : i32
        %mul3A_58 = arith.muli %add3A_54, %mul3A_57 : i32
        %add3A_59 = arith.addi %mul3A_56, %mul3A_58 : i32
        %get3A = arith.index_cast %add3A_59 : i32 to index
        %get3A_60 = tpu.vector_load %arg5[%get3A] {strides = array<i32>} : memref<4000xi32, #tpu.memory_space<vmem>>, vector<16xi32>,
        tpu.vector_store_idx %arg4[%get3A_60], %broadcast_in_dim3A_3 {add = true} : memref<10000xf32, #tpu.memory_space<vmem>>[vector<16xi32>], vector<16xf32>,
      }
      %scan3A_49 = arith.constant 125 : i32
    }
    %scan3A_22 = arith.constant 5 : i32
    %mul3A_23 = arith.constant 10000 : i32
    %mul3A_24 = arith.muli %add3A, %mul3A_23 : i32
    "tpu.region"() ({
      %run_scoped3A = tpu.sem_alloc : memref<!tpu.dma_semaphore, #tpu.memory_space<semaphore_mem>>
      %dma_start3A_25 = tpu.memref_slice %arg3[%mul3A_24] : memref<320000xf32, #tpu.memory_space<hbm>> -> memref<10000xf32, #tpu.memory_space<hbm>>
      %dma_start3A_26 = tpu.memref_slice %arg3[%mul3A_24] : memref<320000xf32, #tpu.memory_space<hbm>> -> memref<10000xf32, #tpu.memory_space<hbm>>
      tpu.enqueue_dma source(%arg4 : memref<10000xf32, #tpu.memory_space<vmem>>) target(%dma_start3A_26 : memref<10000xf32, #tpu.memory_space<hbm>>) target_semaphore(%run_scoped3A : memref<!tpu.dma_semaphore, #tpu.memory_space<semaphore_mem>>)
      %dma_wait3A = tpu.memref_slice %arg3[%mul3A_24] : memref<320000xf32, #tpu.memory_space<hbm>> -> memref<10000xf32, #tpu.memory_space<hbm>>
      %dma_wait3A_27 = tpu.memref_slice %arg3[%mul3A_24] : memref<320000xf32, #tpu.memory_space<hbm>> -> memref<10000xf32, #tpu.memory_space<hbm>>
      tpu.wait_dma2 semaphore(%run_scoped3A : memref<!tpu.dma_semaphore, #tpu.memory_space<semaphore_mem>>) src(%arg4 : memref<10000xf32, #tpu.memory_space<vmem>>) dst(%dma_wait3A_27 : memref<10000xf32, #tpu.memory_space<hbm>>)
      tpu.yield
    }) : () -> ()
    return
  }
}

#map = affine_map<(d0, d1) -> (0, 0)>
#map1 = affine_map<(d0, d1) -> (0)>
#map2 = affine_map<(d0, d1) -> (0, 0, 0)>
module attributes {stable_mosaic.version = 14 : i64} {
  func.func @k(%arg0: i32, %arg1: i32, %arg2: memref<10000x128xf32, #tpu.memory_space<hbm>>, %arg3: memref<320000xi32, #tpu.memory_space<hbm>>, %arg4: memref<320000xi32, #tpu.memory_space<hbm>>, %arg5: memref<632x128xf32, #tpu.memory_space<hbm>>, %arg6: memref<2x10000x128xf32, #tpu.memory_space<hbm>>, %arg7: memref<4x2x80xi32, #tpu.memory_space<vmem>>, %arg8: memref<4x80x128xf32, #tpu.memory_space<vmem>>, %arg9: memref<10000x128xf32, #tpu.memory_space<vmem_shared>>, %arg10: memref<4x!tpu.dma_semaphore, #tpu.memory_space<semaphore_mem>>, %arg11: memref<4x!tpu.dma_semaphore, #tpu.memory_space<semaphore_mem>>, %arg12: memref<4x!tpu.dma_semaphore, #tpu.memory_space<semaphore_mem>>) attributes {dimension_semantics = [#tpu.dimension_semantics<core_parallel>, #tpu.dimension_semantics<subcore_parallel>], iteration_bounds = array<i64: 2, 16>, scalar_prefetch = 0 : i64, scratch_operands = 6 : i64, tpu.core_type = #tpu.core_type<sc_vector_subcore>, window_params = [{transform_indices = #map}, {transform_indices = #map1}, {transform_indices = #map1}, {transform_indices = #map}, {transform_indices = #map2}]} {
    %mul3A = arith.constant 16 : i32
    %mul3A_0 = arith.muli %arg0, %mul3A : i32
    %add3A = arith.addi %mul3A_0, %arg1 : i32
    %lt3A = arith.constant 15 : i32
    %lt3A_1 = arith.cmpi slt, %arg1, %lt3A : i32
    %convert_element_type3A = arith.extui %lt3A_1 : i1 to i32
    %cond3A = arith.constant 0 : i32
    %cond3A_2 = arith.cmpi ne, %convert_element_type3A, %cond3A : i32
    scf.if %cond3A_2 {
      %mul3A_178 = arith.constant 632 : i32
      %mul3A_179 = arith.muli %arg1, %mul3A_178 : i32
      "tpu.region"() ({
        %run_scoped3A = tpu.sem_alloc : memref<!tpu.dma_semaphore, #tpu.memory_space<semaphore_mem>>
        %dma_start3A_180 = arith.constant 0 : i32
        %dma_start3A_181 = tpu.memref_slice %arg9[%mul3A_179, %dma_start3A_180] : memref<10000x128xf32, #tpu.memory_space<vmem_shared>> -> memref<632x128xf32, #tpu.memory_space<vmem_shared>>
        tpu.enqueue_dma source(%arg5 : memref<632x128xf32, #tpu.memory_space<hbm>>) target(%dma_start3A_181 : memref<632x128xf32, #tpu.memory_space<vmem_shared>>) target_semaphore(%run_scoped3A : memref<!tpu.dma_semaphore, #tpu.memory_space<semaphore_mem>>)
        %dma_wait3A_182 = arith.constant 0 : i32
        %dma_wait3A_183 = tpu.memref_slice %arg9[%mul3A_179, %dma_wait3A_182] : memref<10000x128xf32, #tpu.memory_space<vmem_shared>> -> memref<632x128xf32, #tpu.memory_space<vmem_shared>>
        tpu.wait_dma2 semaphore(%run_scoped3A : memref<!tpu.dma_semaphore, #tpu.memory_space<semaphore_mem>>) src(%arg5 : memref<632x128xf32, #tpu.memory_space<hbm>>) dst(%dma_wait3A_183 : memref<632x128xf32, #tpu.memory_space<vmem_shared>>)
        tpu.yield
      }) : () -> ()
    } else {
    }
    %eq3A = arith.constant 15 : i32
    %eq3A_3 = arith.cmpi eq, %arg1, %eq3A : i32
    %convert_element_type3A_4 = arith.extui %eq3A_3 : i1 to i32
    %cond3A_5 = arith.constant 0 : i32
    %cond3A_6 = arith.cmpi ne, %convert_element_type3A_4, %cond3A_5 : i32
    scf.if %cond3A_6 {
      "tpu.region"() ({
        %run_scoped3A = tpu.sem_alloc : memref<!tpu.dma_semaphore, #tpu.memory_space<semaphore_mem>>
        %dma_start3A_178 = arith.constant 9480 : i32
        %dma_start3A_179 = arith.constant 0 : i32
        %dma_start3A_180 = tpu.memref_slice %arg9[%dma_start3A_178, %dma_start3A_179] : memref<10000x128xf32, #tpu.memory_space<vmem_shared>> -> memref<520x128xf32, #tpu.memory_space<vmem_shared>>
        %dma_start3A_181 = arith.constant 0 : i32
        %dma_start3A_182 = arith.constant 0 : i32
        %dma_start3A_183 = tpu.memref_slice %arg5[%dma_start3A_181, %dma_start3A_182] : memref<632x128xf32, #tpu.memory_space<hbm>> -> memref<520x128xf32, #tpu.memory_space<hbm>>
        tpu.enqueue_dma source(%dma_start3A_183 : memref<520x128xf32, #tpu.memory_space<hbm>>) target(%dma_start3A_180 : memref<520x128xf32, #tpu.memory_space<vmem_shared>>) target_semaphore(%run_scoped3A : memref<!tpu.dma_semaphore, #tpu.memory_space<semaphore_mem>>)
        %dma_wait3A_184 = arith.constant 9480 : i32
        %dma_wait3A_185 = arith.constant 0 : i32
        %dma_wait3A_186 = tpu.memref_slice %arg9[%dma_wait3A_184, %dma_wait3A_185] : memref<10000x128xf32, #tpu.memory_space<vmem_shared>> -> memref<520x128xf32, #tpu.memory_space<vmem_shared>>
        %dma_wait3A_187 = arith.constant 0 : i32
        %dma_wait3A_188 = arith.constant 0 : i32
        %dma_wait3A_189 = tpu.memref_slice %arg5[%dma_wait3A_187, %dma_wait3A_188] : memref<632x128xf32, #tpu.memory_space<hbm>> -> memref<520x128xf32, #tpu.memory_space<hbm>>
        tpu.wait_dma2 semaphore(%run_scoped3A : memref<!tpu.dma_semaphore, #tpu.memory_space<semaphore_mem>>) src(%dma_wait3A_189 : memref<520x128xf32, #tpu.memory_space<hbm>>) dst(%dma_wait3A_186 : memref<520x128xf32, #tpu.memory_space<vmem_shared>>)
        tpu.yield
      }) : () -> ()
    } else {
    }
    %barrier3A = arith.constant 0 : index
    tpu.barrier barrier_id(%barrier3A)
    %mul3A_7 = arith.constant 10000 : i32
    %mul3A_8 = arith.muli %add3A, %mul3A_7 : i32
    %add3A_9 = arith.constant 0 : i32
    %add3A_10 = arith.addi %mul3A_8, %add3A_9 : i32
    %dma_start3A = arith.constant 0 : i32
    %dma_start3A_11 = arith.constant 0 : i32
    %dma_start3A_12 = arith.constant 0 : i32
    %dma_start3A_13 = arith.constant 0 : i32
    %dma_start3A_14 = tpu.memref_slice %arg7[%dma_start3A, %dma_start3A_11, %dma_start3A_13] : memref<4x2x80xi32, #tpu.memory_space<vmem>> -> memref<1x1x80xi32, #tpu.memory_space<vmem>>
    %dma_start3A_15 = tpu.memref_squeeze %dma_start3A_14 : memref<1x1x80xi32, #tpu.memory_space<vmem>> -> memref<80xi32, #tpu.memory_space<vmem>>
    %dma_start3A_16 = tpu.memref_slice %arg3[%add3A_10] : memref<320000xi32, #tpu.memory_space<hbm>> -> memref<80xi32, #tpu.memory_space<hbm>>
    %dma_start3A_17 = tpu.memref_slice %arg10[%dma_start3A_12] : memref<4x!tpu.dma_semaphore, #tpu.memory_space<semaphore_mem>> -> memref<1x!tpu.dma_semaphore, #tpu.memory_space<semaphore_mem>>
    %dma_start3A_18 = tpu.memref_squeeze %dma_start3A_17 : memref<1x!tpu.dma_semaphore, #tpu.memory_space<semaphore_mem>> -> memref<!tpu.dma_semaphore, #tpu.memory_space<semaphore_mem>>
    %dma_start3A_19 = arith.constant 0 : i32
    %dma_start3A_20 = tpu.memref_slice %arg7[%dma_start3A, %dma_start3A_11, %dma_start3A_19] : memref<4x2x80xi32, #tpu.memory_space<vmem>> -> memref<1x1x80xi32, #tpu.memory_space<vmem>>
    %dma_start3A_21 = tpu.memref_squeeze %dma_start3A_20 : memref<1x1x80xi32, #tpu.memory_space<vmem>> -> memref<80xi32, #tpu.memory_space<vmem>>
    %dma_start3A_22 = tpu.memref_slice %arg3[%add3A_10] : memref<320000xi32, #tpu.memory_space<hbm>> -> memref<80xi32, #tpu.memory_space<hbm>>
    tpu.enqueue_dma source(%dma_start3A_22 : memref<80xi32, #tpu.memory_space<hbm>>) target(%dma_start3A_21 : memref<80xi32, #tpu.memory_space<vmem>>) target_semaphore(%dma_start3A_18 : memref<!tpu.dma_semaphore, #tpu.memory_space<semaphore_mem>>)
    %add3A_23 = arith.constant 0 : i32
    %add3A_24 = arith.addi %mul3A_8, %add3A_23 : i32
    %dma_start3A_25 = arith.constant 0 : i32
    %dma_start3A_26 = arith.constant 1 : i32
    %dma_start3A_27 = arith.constant 0 : i32
    %dma_start3A_28 = arith.constant 0 : i32
    %dma_start3A_29 = tpu.memref_slice %arg7[%dma_start3A_25, %dma_start3A_26, %dma_start3A_28] : memref<4x2x80xi32, #tpu.memory_space<vmem>> -> memref<1x1x80xi32, #tpu.memory_space<vmem>>
    %dma_start3A_30 = tpu.memref_squeeze %dma_start3A_29 : memref<1x1x80xi32, #tpu.memory_space<vmem>> -> memref<80xi32, #tpu.memory_space<vmem>>
    %dma_start3A_31 = tpu.memref_slice %arg4[%add3A_24] : memref<320000xi32, #tpu.memory_space<hbm>> -> memref<80xi32, #tpu.memory_space<hbm>>
    %dma_start3A_32 = tpu.memref_slice %arg10[%dma_start3A_27] : memref<4x!tpu.dma_semaphore, #tpu.memory_space<semaphore_mem>> -> memref<1x!tpu.dma_semaphore, #tpu.memory_space<semaphore_mem>>
    %dma_start3A_33 = tpu.memref_squeeze %dma_start3A_32 : memref<1x!tpu.dma_semaphore, #tpu.memory_space<semaphore_mem>> -> memref<!tpu.dma_semaphore, #tpu.memory_space<semaphore_mem>>
    %dma_start3A_34 = arith.constant 0 : i32
    %dma_start3A_35 = tpu.memref_slice %arg7[%dma_start3A_25, %dma_start3A_26, %dma_start3A_34] : memref<4x2x80xi32, #tpu.memory_space<vmem>> -> memref<1x1x80xi32, #tpu.memory_space<vmem>>
    %dma_start3A_36 = tpu.memref_squeeze %dma_start3A_35 : memref<1x1x80xi32, #tpu.memory_space<vmem>> -> memref<80xi32, #tpu.memory_space<vmem>>
    %dma_start3A_37 = tpu.memref_slice %arg4[%add3A_24] : memref<320000xi32, #tpu.memory_space<hbm>> -> memref<80xi32, #tpu.memory_space<hbm>>
    tpu.enqueue_dma source(%dma_start3A_37 : memref<80xi32, #tpu.memory_space<hbm>>) target(%dma_start3A_36 : memref<80xi32, #tpu.memory_space<vmem>>) target_semaphore(%dma_start3A_33 : memref<!tpu.dma_semaphore, #tpu.memory_space<semaphore_mem>>)
    %add3A_38 = arith.constant 80 : i32
    %add3A_39 = arith.addi %mul3A_8, %add3A_38 : i32
    %dma_start3A_40 = arith.constant 1 : i32
    %dma_start3A_41 = arith.constant 0 : i32
    %dma_start3A_42 = arith.constant 1 : i32
    %dma_start3A_43 = arith.constant 0 : i32
    %dma_start3A_44 = tpu.memref_slice %arg7[%dma_start3A_40, %dma_start3A_41, %dma_start3A_43] : memref<4x2x80xi32, #tpu.memory_space<vmem>> -> memref<1x1x80xi32, #tpu.memory_space<vmem>>
    %dma_start3A_45 = tpu.memref_squeeze %dma_start3A_44 : memref<1x1x80xi32, #tpu.memory_space<vmem>> -> memref<80xi32, #tpu.memory_space<vmem>>
    %dma_start3A_46 = tpu.memref_slice %arg3[%add3A_39] : memref<320000xi32, #tpu.memory_space<hbm>> -> memref<80xi32, #tpu.memory_space<hbm>>
    %dma_start3A_47 = tpu.memref_slice %arg10[%dma_start3A_42] : memref<4x!tpu.dma_semaphore, #tpu.memory_space<semaphore_mem>> -> memref<1x!tpu.dma_semaphore, #tpu.memory_space<semaphore_mem>>
    %dma_start3A_48 = tpu.memref_squeeze %dma_start3A_47 : memref<1x!tpu.dma_semaphore, #tpu.memory_space<semaphore_mem>> -> memref<!tpu.dma_semaphore, #tpu.memory_space<semaphore_mem>>
    %dma_start3A_49 = arith.constant 0 : i32
    %dma_start3A_50 = tpu.memref_slice %arg7[%dma_start3A_40, %dma_start3A_41, %dma_start3A_49] : memref<4x2x80xi32, #tpu.memory_space<vmem>> -> memref<1x1x80xi32, #tpu.memory_space<vmem>>
    %dma_start3A_51 = tpu.memref_squeeze %dma_start3A_50 : memref<1x1x80xi32, #tpu.memory_space<vmem>> -> memref<80xi32, #tpu.memory_space<vmem>>
    %dma_start3A_52 = tpu.memref_slice %arg3[%add3A_39] : memref<320000xi32, #tpu.memory_space<hbm>> -> memref<80xi32, #tpu.memory_space<hbm>>
    tpu.enqueue_dma source(%dma_start3A_52 : memref<80xi32, #tpu.memory_space<hbm>>) target(%dma_start3A_51 : memref<80xi32, #tpu.memory_space<vmem>>) target_semaphore(%dma_start3A_48 : memref<!tpu.dma_semaphore, #tpu.memory_space<semaphore_mem>>)
    %add3A_53 = arith.constant 80 : i32
    %add3A_54 = arith.addi %mul3A_8, %add3A_53 : i32
    %dma_start3A_55 = arith.constant 1 : i32
    %dma_start3A_56 = arith.constant 1 : i32
    %dma_start3A_57 = arith.constant 1 : i32
    %dma_start3A_58 = arith.constant 0 : i32
    %dma_start3A_59 = tpu.memref_slice %arg7[%dma_start3A_55, %dma_start3A_56, %dma_start3A_58] : memref<4x2x80xi32, #tpu.memory_space<vmem>> -> memref<1x1x80xi32, #tpu.memory_space<vmem>>
    %dma_start3A_60 = tpu.memref_squeeze %dma_start3A_59 : memref<1x1x80xi32, #tpu.memory_space<vmem>> -> memref<80xi32, #tpu.memory_space<vmem>>
    %dma_start3A_61 = tpu.memref_slice %arg4[%add3A_54] : memref<320000xi32, #tpu.memory_space<hbm>> -> memref<80xi32, #tpu.memory_space<hbm>>
    %dma_start3A_62 = tpu.memref_slice %arg10[%dma_start3A_57] : memref<4x!tpu.dma_semaphore, #tpu.memory_space<semaphore_mem>> -> memref<1x!tpu.dma_semaphore, #tpu.memory_space<semaphore_mem>>
    %dma_start3A_63 = tpu.memref_squeeze %dma_start3A_62 : memref<1x!tpu.dma_semaphore, #tpu.memory_space<semaphore_mem>> -> memref<!tpu.dma_semaphore, #tpu.memory_space<semaphore_mem>>
    %dma_start3A_64 = arith.constant 0 : i32
    %dma_start3A_65 = tpu.memref_slice %arg7[%dma_start3A_55, %dma_start3A_56, %dma_start3A_64] : memref<4x2x80xi32, #tpu.memory_space<vmem>> -> memref<1x1x80xi32, #tpu.memory_space<vmem>>
    %dma_start3A_66 = tpu.memref_squeeze %dma_start3A_65 : memref<1x1x80xi32, #tpu.memory_space<vmem>> -> memref<80xi32, #tpu.memory_space<vmem>>
    %dma_start3A_67 = tpu.memref_slice %arg4[%add3A_54] : memref<320000xi32, #tpu.memory_space<hbm>> -> memref<80xi32, #tpu.memory_space<hbm>>
    tpu.enqueue_dma source(%dma_start3A_67 : memref<80xi32, #tpu.memory_space<hbm>>) target(%dma_start3A_66 : memref<80xi32, #tpu.memory_space<vmem>>) target_semaphore(%dma_start3A_63 : memref<!tpu.dma_semaphore, #tpu.memory_space<semaphore_mem>>)
    %scan3A = arith.constant 0 : i32
    %scan3A_68 = arith.constant 125 : i32
    %scan3A_69 = arith.addi %scan3A, %scan3A_68 : i32
    %scan3A_70 = arith.constant 1 : i32
    scf.for %scan3A_178 = %scan3A to %scan3A_69 step %scan3A_70  : i32 {
      %mul3A_179 = arith.constant 1 : i32
      %mul3A_180 = arith.muli %scan3A_178, %mul3A_179 : i32
      %add3A_181 = arith.constant 0 : i32
      %add3A_182 = arith.addi %add3A_181, %mul3A_180 : i32
      %rem3A = arith.constant 4 : i32
      %rem3A_183 = arith.remsi %add3A_182, %rem3A : i32
      %mul3A_184 = arith.constant 80 : i32
      %mul3A_185 = arith.muli %add3A_182, %mul3A_184 : i32
      %add3A_186 = arith.addi %mul3A_8, %mul3A_185 : i32
      %dma_wait3A_187 = arith.constant 0 : i32
      %dma_wait3A_188 = arith.constant 0 : i32
      %dma_wait3A_189 = tpu.memref_slice %arg7[%rem3A_183, %dma_wait3A_187, %dma_wait3A_188] : memref<4x2x80xi32, #tpu.memory_space<vmem>> -> memref<1x1x80xi32, #tpu.memory_space<vmem>>
      %dma_wait3A_190 = tpu.memref_squeeze %dma_wait3A_189 : memref<1x1x80xi32, #tpu.memory_space<vmem>> -> memref<80xi32, #tpu.memory_space<vmem>>
      %dma_wait3A_191 = tpu.memref_slice %arg3[%add3A_186] : memref<320000xi32, #tpu.memory_space<hbm>> -> memref<80xi32, #tpu.memory_space<hbm>>
      %dma_wait3A_192 = tpu.memref_slice %arg10[%rem3A_183] : memref<4x!tpu.dma_semaphore, #tpu.memory_space<semaphore_mem>> -> memref<1x!tpu.dma_semaphore, #tpu.memory_space<semaphore_mem>>
      %dma_wait3A_193 = tpu.memref_squeeze %dma_wait3A_192 : memref<1x!tpu.dma_semaphore, #tpu.memory_space<semaphore_mem>> -> memref<!tpu.dma_semaphore, #tpu.memory_space<semaphore_mem>>
      %dma_wait3A_194 = arith.constant 0 : i32
      %dma_wait3A_195 = tpu.memref_slice %arg7[%rem3A_183, %dma_wait3A_187, %dma_wait3A_194] : memref<4x2x80xi32, #tpu.memory_space<vmem>> -> memref<1x1x80xi32, #tpu.memory_space<vmem>>
      %dma_wait3A_196 = tpu.memref_squeeze %dma_wait3A_195 : memref<1x1x80xi32, #tpu.memory_space<vmem>> -> memref<80xi32, #tpu.memory_space<vmem>>
      %dma_wait3A_197 = tpu.memref_slice %arg3[%add3A_186] : memref<320000xi32, #tpu.memory_space<hbm>> -> memref<80xi32, #tpu.memory_space<hbm>>
      tpu.wait_dma2 semaphore(%dma_wait3A_193 : memref<!tpu.dma_semaphore, #tpu.memory_space<semaphore_mem>>) src(%dma_wait3A_197 : memref<80xi32, #tpu.memory_space<hbm>>) dst(%dma_wait3A_196 : memref<80xi32, #tpu.memory_space<vmem>>)
      %mul3A_198 = arith.constant 80 : i32
      %mul3A_199 = arith.muli %add3A_182, %mul3A_198 : i32
      %add3A_200 = arith.addi %mul3A_8, %mul3A_199 : i32
      %dma_wait3A_201 = arith.constant 1 : i32
      %dma_wait3A_202 = arith.constant 0 : i32
      %dma_wait3A_203 = tpu.memref_slice %arg7[%rem3A_183, %dma_wait3A_201, %dma_wait3A_202] : memref<4x2x80xi32, #tpu.memory_space<vmem>> -> memref<1x1x80xi32, #tpu.memory_space<vmem>>
      %dma_wait3A_204 = tpu.memref_squeeze %dma_wait3A_203 : memref<1x1x80xi32, #tpu.memory_space<vmem>> -> memref<80xi32, #tpu.memory_space<vmem>>
      %dma_wait3A_205 = tpu.memref_slice %arg4[%add3A_200] : memref<320000xi32, #tpu.memory_space<hbm>> -> memref<80xi32, #tpu.memory_space<hbm>>
      %dma_wait3A_206 = tpu.memref_slice %arg10[%rem3A_183] : memref<4x!tpu.dma_semaphore, #tpu.memory_space<semaphore_mem>> -> memref<1x!tpu.dma_semaphore, #tpu.memory_space<semaphore_mem>>
      %dma_wait3A_207 = tpu.memref_squeeze %dma_wait3A_206 : memref<1x!tpu.dma_semaphore, #tpu.memory_space<semaphore_mem>> -> memref<!tpu.dma_semaphore, #tpu.memory_space<semaphore_mem>>
      %dma_wait3A_208 = arith.constant 0 : i32
      %dma_wait3A_209 = tpu.memref_slice %arg7[%rem3A_183, %dma_wait3A_201, %dma_wait3A_208] : memref<4x2x80xi32, #tpu.memory_space<vmem>> -> memref<1x1x80xi32, #tpu.memory_space<vmem>>
      %dma_wait3A_210 = tpu.memref_squeeze %dma_wait3A_209 : memref<1x1x80xi32, #tpu.memory_space<vmem>> -> memref<80xi32, #tpu.memory_space<vmem>>
      %dma_wait3A_211 = tpu.memref_slice %arg4[%add3A_200] : memref<320000xi32, #tpu.memory_space<hbm>> -> memref<80xi32, #tpu.memory_space<hbm>>
      tpu.wait_dma2 semaphore(%dma_wait3A_207 : memref<!tpu.dma_semaphore, #tpu.memory_space<semaphore_mem>>) src(%dma_wait3A_211 : memref<80xi32, #tpu.memory_space<hbm>>) dst(%dma_wait3A_210 : memref<80xi32, #tpu.memory_space<vmem>>)
      %dma_start3A_212 = arith.constant 0 : i32
      %dma_start3A_213 = arith.constant 0 : i32
      %dma_start3A_214 = arith.constant 0 : i32
      %dma_start3A_215 = tpu.memref_slice %arg8[%rem3A_183, %dma_start3A_213, %dma_start3A_214] : memref<4x80x128xf32, #tpu.memory_space<vmem>> -> memref<1x80x128xf32, #tpu.memory_space<vmem>>
      %dma_start3A_216 = tpu.memref_squeeze %dma_start3A_215 : memref<1x80x128xf32, #tpu.memory_space<vmem>> -> memref<80x128xf32, #tpu.memory_space<vmem>>
      %dma_start3A_217 = arith.constant 0 : i32
      %dma_start3A_218 = tpu.memref_slice %arg7[%rem3A_183, %dma_start3A_212, %dma_start3A_217] : memref<4x2x80xi32, #tpu.memory_space<vmem>> -> memref<1x1x80xi32, #tpu.memory_space<vmem>>
      %dma_start3A_219 = tpu.memref_squeeze %dma_start3A_218 : memref<1x1x80xi32, #tpu.memory_space<vmem>> -> memref<80xi32, #tpu.memory_space<vmem>>
      %dma_start3A_220 = arith.constant 0 : i32
      %dma_start3A_221 = arith.constant 0 : i32
      %dma_start3A_222 = tpu.memref_slice %arg2[%dma_start3A_220, %dma_start3A_221] : memref<10000x128xf32, #tpu.memory_space<hbm>> -> memref<10000x128xf32, #tpu.memory_space<hbm>>
      %dma_start3A_223 = tpu.memref_slice %arg11[%rem3A_183] : memref<4x!tpu.dma_semaphore, #tpu.memory_space<semaphore_mem>> -> memref<1x!tpu.dma_semaphore, #tpu.memory_space<semaphore_mem>>
      %dma_start3A_224 = tpu.memref_squeeze %dma_start3A_223 : memref<1x!tpu.dma_semaphore, #tpu.memory_space<semaphore_mem>> -> memref<!tpu.dma_semaphore, #tpu.memory_space<semaphore_mem>>
      tpu.enqueue_indirect_dma source(%dma_start3A_222 : memref<10000x128xf32, #tpu.memory_space<hbm>>) target(%dma_start3A_216 : memref<80x128xf32, #tpu.memory_space<vmem>>) offsets(%dma_start3A_219 : memref<80xi32, #tpu.memory_space<vmem>>) semaphore(%dma_start3A_224 : memref<!tpu.dma_semaphore, #tpu.memory_space<semaphore_mem>>)
      %ge3A = arith.constant 1 : i32
      %ge3A_225 = arith.cmpi sge, %add3A_182, %ge3A : i32
      %convert_element_type3A_226 = arith.extui %ge3A_225 : i1 to i32
      %cond3A_227 = arith.constant 0 : i32
      %cond3A_228 = arith.cmpi ne, %convert_element_type3A_226, %cond3A_227 : i32
      scf.if %cond3A_228 {
        %add3A_236 = arith.constant 3 : i32
        %add3A_237 = arith.addi %add3A_182, %add3A_236 : i32
        %rem3A_238 = arith.constant 4 : i32
        %rem3A_239 = arith.remsi %add3A_237, %rem3A_238 : i32
        %dma_wait3A_240 = arith.constant 0 : i32
        %dma_wait3A_241 = arith.constant 0 : i32
        %dma_wait3A_242 = arith.constant 0 : i32
        %dma_wait3A_243 = tpu.memref_slice %arg8[%rem3A_239, %dma_wait3A_241, %dma_wait3A_242] : memref<4x80x128xf32, #tpu.memory_space<vmem>> -> memref<1x80x128xf32, #tpu.memory_space<vmem>>
        %dma_wait3A_244 = tpu.memref_squeeze %dma_wait3A_243 : memref<1x80x128xf32, #tpu.memory_space<vmem>> -> memref<80x128xf32, #tpu.memory_space<vmem>>
        %dma_wait3A_245 = arith.constant 0 : i32
        %dma_wait3A_246 = tpu.memref_slice %arg7[%rem3A_239, %dma_wait3A_240, %dma_wait3A_245] : memref<4x2x80xi32, #tpu.memory_space<vmem>> -> memref<1x1x80xi32, #tpu.memory_space<vmem>>
        %dma_wait3A_247 = tpu.memref_squeeze %dma_wait3A_246 : memref<1x1x80xi32, #tpu.memory_space<vmem>> -> memref<80xi32, #tpu.memory_space<vmem>>
        %dma_wait3A_248 = arith.constant 0 : i32
        %dma_wait3A_249 = arith.constant 0 : i32
        %dma_wait3A_250 = tpu.memref_slice %arg2[%dma_wait3A_248, %dma_wait3A_249] : memref<10000x128xf32, #tpu.memory_space<hbm>> -> memref<10000x128xf32, #tpu.memory_space<hbm>>
        %dma_wait3A_251 = tpu.memref_slice %arg11[%rem3A_239] : memref<4x!tpu.dma_semaphore, #tpu.memory_space<semaphore_mem>> -> memref<1x!tpu.dma_semaphore, #tpu.memory_space<semaphore_mem>>
        %dma_wait3A_252 = tpu.memref_squeeze %dma_wait3A_251 : memref<1x!tpu.dma_semaphore, #tpu.memory_space<semaphore_mem>> -> memref<!tpu.dma_semaphore, #tpu.memory_space<semaphore_mem>>
        tpu.wait_indirect_dma semaphore(%dma_wait3A_252 : memref<!tpu.dma_semaphore, #tpu.memory_space<semaphore_mem>>) src(%dma_wait3A_250 : memref<10000x128xf32, #tpu.memory_space<hbm>>) dst(%dma_wait3A_244 : memref<80x128xf32, #tpu.memory_space<vmem>>)
        %dma_start3A_253 = arith.constant 1 : i32
        %dma_start3A_254 = arith.constant 0 : i32
        %dma_start3A_255 = arith.constant 0 : i32
        %dma_start3A_256 = tpu.memref_slice %arg8[%rem3A_239, %dma_start3A_254, %dma_start3A_255] : memref<4x80x128xf32, #tpu.memory_space<vmem>> -> memref<1x80x128xf32, #tpu.memory_space<vmem>>
        %dma_start3A_257 = tpu.memref_squeeze %dma_start3A_256 : memref<1x80x128xf32, #tpu.memory_space<vmem>> -> memref<80x128xf32, #tpu.memory_space<vmem>>
        %dma_start3A_258 = arith.constant 0 : i32
        %dma_start3A_259 = tpu.memref_slice %arg7[%rem3A_239, %dma_start3A_253, %dma_start3A_258] : memref<4x2x80xi32, #tpu.memory_space<vmem>> -> memref<1x1x80xi32, #tpu.memory_space<vmem>>
        %dma_start3A_260 = tpu.memref_squeeze %dma_start3A_259 : memref<1x1x80xi32, #tpu.memory_space<vmem>> -> memref<80xi32, #tpu.memory_space<vmem>>
        %dma_start3A_261 = arith.constant 0 : i32
        %dma_start3A_262 = arith.constant 0 : i32
        %dma_start3A_263 = tpu.memref_slice %arg9[%dma_start3A_261, %dma_start3A_262] : memref<10000x128xf32, #tpu.memory_space<vmem_shared>> -> memref<10000x128xf32, #tpu.memory_space<vmem_shared>>
        %dma_start3A_264 = tpu.memref_slice %arg12[%rem3A_239] : memref<4x!tpu.dma_semaphore, #tpu.memory_space<semaphore_mem>> -> memref<1x!tpu.dma_semaphore, #tpu.memory_space<semaphore_mem>>
        %dma_start3A_265 = tpu.memref_squeeze %dma_start3A_264 : memref<1x!tpu.dma_semaphore, #tpu.memory_space<semaphore_mem>> -> memref<!tpu.dma_semaphore, #tpu.memory_space<semaphore_mem>>
        tpu.enqueue_indirect_dma source(%dma_start3A_257 : memref<80x128xf32, #tpu.memory_space<vmem>>) target(%dma_start3A_263 : memref<10000x128xf32, #tpu.memory_space<vmem_shared>>) offsets(%dma_start3A_260 : memref<80xi32, #tpu.memory_space<vmem>>) semaphore(%dma_start3A_265 : memref<!tpu.dma_semaphore, #tpu.memory_space<semaphore_mem>>) {add = true}
      } else {
      }
      %add3A_229 = arith.constant 2 : i32
      %add3A_230 = arith.addi %add3A_182, %add3A_229 : i32
      %lt3A_231 = arith.constant 125 : i32
      %lt3A_232 = arith.cmpi slt, %add3A_230, %lt3A_231 : i32
      %convert_element_type3A_233 = arith.extui %lt3A_232 : i1 to i32
      %cond3A_234 = arith.constant 0 : i32
      %cond3A_235 = arith.cmpi ne, %convert_element_type3A_233, %cond3A_234 : i32
      scf.if %cond3A_235 {
        %add3A_236 = arith.constant 2 : i32
        %add3A_237 = arith.addi %add3A_182, %add3A_236 : i32
        %rem3A_238 = arith.constant 4 : i32
        %rem3A_239 = arith.remsi %add3A_237, %rem3A_238 : i32
        %ge3A_240 = arith.constant 2 : i32
        %ge3A_241 = arith.cmpi sge, %add3A_182, %ge3A_240 : i32
        %convert_element_type3A_242 = arith.extui %ge3A_241 : i1 to i32
        %cond3A_243 = arith.constant 0 : i32
        %cond3A_244 = arith.cmpi ne, %convert_element_type3A_242, %cond3A_243 : i32
        scf.if %cond3A_244 {
          %dma_wait3A_275 = arith.constant 1 : i32
          %dma_wait3A_276 = arith.constant 0 : i32
          %dma_wait3A_277 = arith.constant 0 : i32
          %dma_wait3A_278 = tpu.memref_slice %arg8[%rem3A_239, %dma_wait3A_276, %dma_wait3A_277] : memref<4x80x128xf32, #tpu.memory_space<vmem>> -> memref<1x80x128xf32, #tpu.memory_space<vmem>>
          %dma_wait3A_279 = tpu.memref_squeeze %dma_wait3A_278 : memref<1x80x128xf32, #tpu.memory_space<vmem>> -> memref<80x128xf32, #tpu.memory_space<vmem>>
          %dma_wait3A_280 = arith.constant 0 : i32
          %dma_wait3A_281 = tpu.memref_slice %arg7[%rem3A_239, %dma_wait3A_275, %dma_wait3A_280] : memref<4x2x80xi32, #tpu.memory_space<vmem>> -> memref<1x1x80xi32, #tpu.memory_space<vmem>>
          %dma_wait3A_282 = tpu.memref_squeeze %dma_wait3A_281 : memref<1x1x80xi32, #tpu.memory_space<vmem>> -> memref<80xi32, #tpu.memory_space<vmem>>
          %dma_wait3A_283 = arith.constant 0 : i32
          %dma_wait3A_284 = arith.constant 0 : i32
          %dma_wait3A_285 = tpu.memref_slice %arg9[%dma_wait3A_283, %dma_wait3A_284] : memref<10000x128xf32, #tpu.memory_space<vmem_shared>> -> memref<10000x128xf32, #tpu.memory_space<vmem_shared>>
          %dma_wait3A_286 = tpu.memref_slice %arg12[%rem3A_239] : memref<4x!tpu.dma_semaphore, #tpu.memory_space<semaphore_mem>> -> memref<1x!tpu.dma_semaphore, #tpu.memory_space<semaphore_mem>>
          %dma_wait3A_287 = tpu.memref_squeeze %dma_wait3A_286 : memref<1x!tpu.dma_semaphore, #tpu.memory_space<semaphore_mem>> -> memref<!tpu.dma_semaphore, #tpu.memory_space<semaphore_mem>>
          tpu.wait_indirect_dma semaphore(%dma_wait3A_287 : memref<!tpu.dma_semaphore, #tpu.memory_space<semaphore_mem>>) src(%dma_wait3A_279 : memref<80x128xf32, #tpu.memory_space<vmem>>) dst(%dma_wait3A_285 : memref<10000x128xf32, #tpu.memory_space<vmem_shared>>)
        } else {
        }
        %add3A_245 = arith.constant 2 : i32
        %add3A_246 = arith.addi %add3A_182, %add3A_245 : i32
        %mul3A_247 = arith.constant 80 : i32
        %mul3A_248 = arith.muli %add3A_246, %mul3A_247 : i32
        %add3A_249 = arith.addi %mul3A_8, %mul3A_248 : i32
        %dma_start3A_250 = arith.constant 0 : i32
        %dma_start3A_251 = arith.constant 0 : i32
        %dma_start3A_252 = tpu.memref_slice %arg7[%rem3A_239, %dma_start3A_250, %dma_start3A_251] : memref<4x2x80xi32, #tpu.memory_space<vmem>> -> memref<1x1x80xi32, #tpu.memory_space<vmem>>
        %dma_start3A_253 = tpu.memref_squeeze %dma_start3A_252 : memref<1x1x80xi32, #tpu.memory_space<vmem>> -> memref<80xi32, #tpu.memory_space<vmem>>
        %dma_start3A_254 = tpu.memref_slice %arg3[%add3A_249] : memref<320000xi32, #tpu.memory_space<hbm>> -> memref<80xi32, #tpu.memory_space<hbm>>
        %dma_start3A_255 = tpu.memref_slice %arg10[%rem3A_239] : memref<4x!tpu.dma_semaphore, #tpu.memory_space<semaphore_mem>> -> memref<1x!tpu.dma_semaphore, #tpu.memory_space<semaphore_mem>>
        %dma_start3A_256 = tpu.memref_squeeze %dma_start3A_255 : memref<1x!tpu.dma_semaphore, #tpu.memory_space<semaphore_mem>> -> memref<!tpu.dma_semaphore, #tpu.memory_space<semaphore_mem>>
        %dma_start3A_257 = arith.constant 0 : i32
        %dma_start3A_258 = tpu.memref_slice %arg7[%rem3A_239, %dma_start3A_250, %dma_start3A_257] : memref<4x2x80xi32, #tpu.memory_space<vmem>> -> memref<1x1x80xi32, #tpu.memory_space<vmem>>
        %dma_start3A_259 = tpu.memref_squeeze %dma_start3A_258 : memref<1x1x80xi32, #tpu.memory_space<vmem>> -> memref<80xi32, #tpu.memory_space<vmem>>
        %dma_start3A_260 = tpu.memref_slice %arg3[%add3A_249] : memref<320000xi32, #tpu.memory_space<hbm>> -> memref<80xi32, #tpu.memory_space<hbm>>
        tpu.enqueue_dma source(%dma_start3A_260 : memref<80xi32, #tpu.memory_space<hbm>>) target(%dma_start3A_259 : memref<80xi32, #tpu.memory_space<vmem>>) target_semaphore(%dma_start3A_256 : memref<!tpu.dma_semaphore, #tpu.memory_space<semaphore_mem>>)
        %mul3A_261 = arith.constant 80 : i32
        %mul3A_262 = arith.muli %add3A_246, %mul3A_261 : i32
        %add3A_263 = arith.addi %mul3A_8, %mul3A_262 : i32
        %dma_start3A_264 = arith.constant 1 : i32
        %dma_start3A_265 = arith.constant 0 : i32
        %dma_start3A_266 = tpu.memref_slice %arg7[%rem3A_239, %dma_start3A_264, %dma_start3A_265] : memref<4x2x80xi32, #tpu.memory_space<vmem>> -> memref<1x1x80xi32, #tpu.memory_space<vmem>>
        %dma_start3A_267 = tpu.memref_squeeze %dma_start3A_266 : memref<1x1x80xi32, #tpu.memory_space<vmem>> -> memref<80xi32, #tpu.memory_space<vmem>>
        %dma_start3A_268 = tpu.memref_slice %arg4[%add3A_263] : memref<320000xi32, #tpu.memory_space<hbm>> -> memref<80xi32, #tpu.memory_space<hbm>>
        %dma_start3A_269 = tpu.memref_slice %arg10[%rem3A_239] : memref<4x!tpu.dma_semaphore, #tpu.memory_space<semaphore_mem>> -> memref<1x!tpu.dma_semaphore, #tpu.memory_space<semaphore_mem>>
        %dma_start3A_270 = tpu.memref_squeeze %dma_start3A_269 : memref<1x!tpu.dma_semaphore, #tpu.memory_space<semaphore_mem>> -> memref<!tpu.dma_semaphore, #tpu.memory_space<semaphore_mem>>
        %dma_start3A_271 = arith.constant 0 : i32
        %dma_start3A_272 = tpu.memref_slice %arg7[%rem3A_239, %dma_start3A_264, %dma_start3A_271] : memref<4x2x80xi32, #tpu.memory_space<vmem>> -> memref<1x1x80xi32, #tpu.memory_space<vmem>>
        %dma_start3A_273 = tpu.memref_squeeze %dma_start3A_272 : memref<1x1x80xi32, #tpu.memory_space<vmem>> -> memref<80xi32, #tpu.memory_space<vmem>>
        %dma_start3A_274 = tpu.memref_slice %arg4[%add3A_263] : memref<320000xi32, #tpu.memory_space<hbm>> -> memref<80xi32, #tpu.memory_space<hbm>>
        tpu.enqueue_dma source(%dma_start3A_274 : memref<80xi32, #tpu.memory_space<hbm>>) target(%dma_start3A_273 : memref<80xi32, #tpu.memory_space<vmem>>) target_semaphore(%dma_start3A_270 : memref<!tpu.dma_semaphore, #tpu.memory_space<semaphore_mem>>)
      } else {
      }
    }
    %scan3A_71 = arith.constant 125 : i32
    %dma_wait3A = arith.constant 0 : i32
    %dma_wait3A_72 = arith.constant 0 : i32
    %dma_wait3A_73 = arith.constant 0 : i32
    %dma_wait3A_74 = arith.constant 0 : i32
    %dma_wait3A_75 = arith.constant 0 : i32
    %dma_wait3A_76 = arith.constant 0 : i32
    %dma_wait3A_77 = tpu.memref_slice %arg8[%dma_wait3A_73, %dma_wait3A_75, %dma_wait3A_76] : memref<4x80x128xf32, #tpu.memory_space<vmem>> -> memref<1x80x128xf32, #tpu.memory_space<vmem>>
    %dma_wait3A_78 = tpu.memref_squeeze %dma_wait3A_77 : memref<1x80x128xf32, #tpu.memory_space<vmem>> -> memref<80x128xf32, #tpu.memory_space<vmem>>
    %dma_wait3A_79 = arith.constant 0 : i32
    %dma_wait3A_80 = tpu.memref_slice %arg7[%dma_wait3A, %dma_wait3A_72, %dma_wait3A_79] : memref<4x2x80xi32, #tpu.memory_space<vmem>> -> memref<1x1x80xi32, #tpu.memory_space<vmem>>
    %dma_wait3A_81 = tpu.memref_squeeze %dma_wait3A_80 : memref<1x1x80xi32, #tpu.memory_space<vmem>> -> memref<80xi32, #tpu.memory_space<vmem>>
    %dma_wait3A_82 = arith.constant 0 : i32
    %dma_wait3A_83 = arith.constant 0 : i32
    %dma_wait3A_84 = tpu.memref_slice %arg2[%dma_wait3A_82, %dma_wait3A_83] : memref<10000x128xf32, #tpu.memory_space<hbm>> -> memref<10000x128xf32, #tpu.memory_space<hbm>>
    %dma_wait3A_85 = tpu.memref_slice %arg11[%dma_wait3A_74] : memref<4x!tpu.dma_semaphore, #tpu.memory_space<semaphore_mem>> -> memref<1x!tpu.dma_semaphore, #tpu.memory_space<semaphore_mem>>
    %dma_wait3A_86 = tpu.memref_squeeze %dma_wait3A_85 : memref<1x!tpu.dma_semaphore, #tpu.memory_space<semaphore_mem>> -> memref<!tpu.dma_semaphore, #tpu.memory_space<semaphore_mem>>
    tpu.wait_indirect_dma semaphore(%dma_wait3A_86 : memref<!tpu.dma_semaphore, #tpu.memory_space<semaphore_mem>>) src(%dma_wait3A_84 : memref<10000x128xf32, #tpu.memory_space<hbm>>) dst(%dma_wait3A_78 : memref<80x128xf32, #tpu.memory_space<vmem>>)
    %dma_start3A_87 = arith.constant 0 : i32
    %dma_start3A_88 = arith.constant 0 : i32
    %dma_start3A_89 = arith.constant 1 : i32
    %dma_start3A_90 = arith.constant 0 : i32
    %dma_start3A_91 = arith.constant 0 : i32
    %dma_start3A_92 = arith.constant 0 : i32
    %dma_start3A_93 = tpu.memref_slice %arg8[%dma_start3A_87, %dma_start3A_91, %dma_start3A_92] : memref<4x80x128xf32, #tpu.memory_space<vmem>> -> memref<1x80x128xf32, #tpu.memory_space<vmem>>
    %dma_start3A_94 = tpu.memref_squeeze %dma_start3A_93 : memref<1x80x128xf32, #tpu.memory_space<vmem>> -> memref<80x128xf32, #tpu.memory_space<vmem>>
    %dma_start3A_95 = arith.constant 0 : i32
    %dma_start3A_96 = tpu.memref_slice %arg7[%dma_start3A_88, %dma_start3A_89, %dma_start3A_95] : memref<4x2x80xi32, #tpu.memory_space<vmem>> -> memref<1x1x80xi32, #tpu.memory_space<vmem>>
    %dma_start3A_97 = tpu.memref_squeeze %dma_start3A_96 : memref<1x1x80xi32, #tpu.memory_space<vmem>> -> memref<80xi32, #tpu.memory_space<vmem>>
    %dma_start3A_98 = arith.constant 0 : i32
    %dma_start3A_99 = arith.constant 0 : i32
    %dma_start3A_100 = tpu.memref_slice %arg9[%dma_start3A_98, %dma_start3A_99] : memref<10000x128xf32, #tpu.memory_space<vmem_shared>> -> memref<10000x128xf32, #tpu.memory_space<vmem_shared>>
    %dma_start3A_101 = tpu.memref_slice %arg12[%dma_start3A_90] : memref<4x!tpu.dma_semaphore, #tpu.memory_space<semaphore_mem>> -> memref<1x!tpu.dma_semaphore, #tpu.memory_space<semaphore_mem>>
    %dma_start3A_102 = tpu.memref_squeeze %dma_start3A_101 : memref<1x!tpu.dma_semaphore, #tpu.memory_space<semaphore_mem>> -> memref<!tpu.dma_semaphore, #tpu.memory_space<semaphore_mem>>
    tpu.enqueue_indirect_dma source(%dma_start3A_94 : memref<80x128xf32, #tpu.memory_space<vmem>>) target(%dma_start3A_100 : memref<10000x128xf32, #tpu.memory_space<vmem_shared>>) offsets(%dma_start3A_97 : memref<80xi32, #tpu.memory_space<vmem>>) semaphore(%dma_start3A_102 : memref<!tpu.dma_semaphore, #tpu.memory_space<semaphore_mem>>) {add = true}
    %dma_wait3A_103 = arith.constant 1 : i32
    %dma_wait3A_104 = arith.constant 1 : i32
    %dma_wait3A_105 = arith.constant 1 : i32
    %dma_wait3A_106 = arith.constant 1 : i32
    %dma_wait3A_107 = arith.constant 0 : i32
    %dma_wait3A_108 = arith.constant 0 : i32
    %dma_wait3A_109 = tpu.memref_slice %arg8[%dma_wait3A_103, %dma_wait3A_107, %dma_wait3A_108] : memref<4x80x128xf32, #tpu.memory_space<vmem>> -> memref<1x80x128xf32, #tpu.memory_space<vmem>>
    %dma_wait3A_110 = tpu.memref_squeeze %dma_wait3A_109 : memref<1x80x128xf32, #tpu.memory_space<vmem>> -> memref<80x128xf32, #tpu.memory_space<vmem>>
    %dma_wait3A_111 = arith.constant 0 : i32
    %dma_wait3A_112 = tpu.memref_slice %arg7[%dma_wait3A_104, %dma_wait3A_105, %dma_wait3A_111] : memref<4x2x80xi32, #tpu.memory_space<vmem>> -> memref<1x1x80xi32, #tpu.memory_space<vmem>>
    %dma_wait3A_113 = tpu.memref_squeeze %dma_wait3A_112 : memref<1x1x80xi32, #tpu.memory_space<vmem>> -> memref<80xi32, #tpu.memory_space<vmem>>
    %dma_wait3A_114 = arith.constant 0 : i32
    %dma_wait3A_115 = arith.constant 0 : i32
    %dma_wait3A_116 = tpu.memref_slice %arg9[%dma_wait3A_114, %dma_wait3A_115] : memref<10000x128xf32, #tpu.memory_space<vmem_shared>> -> memref<10000x128xf32, #tpu.memory_space<vmem_shared>>
    %dma_wait3A_117 = tpu.memref_slice %arg12[%dma_wait3A_106] : memref<4x!tpu.dma_semaphore, #tpu.memory_space<semaphore_mem>> -> memref<1x!tpu.dma_semaphore, #tpu.memory_space<semaphore_mem>>
    %dma_wait3A_118 = tpu.memref_squeeze %dma_wait3A_117 : memref<1x!tpu.dma_semaphore, #tpu.memory_space<semaphore_mem>> -> memref<!tpu.dma_semaphore, #tpu.memory_space<semaphore_mem>>
    tpu.wait_indirect_dma semaphore(%dma_wait3A_118 : memref<!tpu.dma_semaphore, #tpu.memory_space<semaphore_mem>>) src(%dma_wait3A_110 : memref<80x128xf32, #tpu.memory_space<vmem>>) dst(%dma_wait3A_116 : memref<10000x128xf32, #tpu.memory_space<vmem_shared>>)
    %dma_wait3A_119 = arith.constant 2 : i32
    %dma_wait3A_120 = arith.constant 2 : i32
    %dma_wait3A_121 = arith.constant 1 : i32
    %dma_wait3A_122 = arith.constant 2 : i32
    %dma_wait3A_123 = arith.constant 0 : i32
    %dma_wait3A_124 = arith.constant 0 : i32
    %dma_wait3A_125 = tpu.memref_slice %arg8[%dma_wait3A_119, %dma_wait3A_123, %dma_wait3A_124] : memref<4x80x128xf32, #tpu.memory_space<vmem>> -> memref<1x80x128xf32, #tpu.memory_space<vmem>>
    %dma_wait3A_126 = tpu.memref_squeeze %dma_wait3A_125 : memref<1x80x128xf32, #tpu.memory_space<vmem>> -> memref<80x128xf32, #tpu.memory_space<vmem>>
    %dma_wait3A_127 = arith.constant 0 : i32
    %dma_wait3A_128 = tpu.memref_slice %arg7[%dma_wait3A_120, %dma_wait3A_121, %dma_wait3A_127] : memref<4x2x80xi32, #tpu.memory_space<vmem>> -> memref<1x1x80xi32, #tpu.memory_space<vmem>>
    %dma_wait3A_129 = tpu.memref_squeeze %dma_wait3A_128 : memref<1x1x80xi32, #tpu.memory_space<vmem>> -> memref<80xi32, #tpu.memory_space<vmem>>
    %dma_wait3A_130 = arith.constant 0 : i32
    %dma_wait3A_131 = arith.constant 0 : i32
    %dma_wait3A_132 = tpu.memref_slice %arg9[%dma_wait3A_130, %dma_wait3A_131] : memref<10000x128xf32, #tpu.memory_space<vmem_shared>> -> memref<10000x128xf32, #tpu.memory_space<vmem_shared>>
    %dma_wait3A_133 = tpu.memref_slice %arg12[%dma_wait3A_122] : memref<4x!tpu.dma_semaphore, #tpu.memory_space<semaphore_mem>> -> memref<1x!tpu.dma_semaphore, #tpu.memory_space<semaphore_mem>>
    %dma_wait3A_134 = tpu.memref_squeeze %dma_wait3A_133 : memref<1x!tpu.dma_semaphore, #tpu.memory_space<semaphore_mem>> -> memref<!tpu.dma_semaphore, #tpu.memory_space<semaphore_mem>>
    tpu.wait_indirect_dma semaphore(%dma_wait3A_134 : memref<!tpu.dma_semaphore, #tpu.memory_space<semaphore_mem>>) src(%dma_wait3A_126 : memref<80x128xf32, #tpu.memory_space<vmem>>) dst(%dma_wait3A_132 : memref<10000x128xf32, #tpu.memory_space<vmem_shared>>)
    %dma_wait3A_135 = arith.constant 3 : i32
    %dma_wait3A_136 = arith.constant 3 : i32
    %dma_wait3A_137 = arith.constant 1 : i32
    %dma_wait3A_138 = arith.constant 3 : i32
    %dma_wait3A_139 = arith.constant 0 : i32
    %dma_wait3A_140 = arith.constant 0 : i32
    %dma_wait3A_141 = tpu.memref_slice %arg8[%dma_wait3A_135, %dma_wait3A_139, %dma_wait3A_140] : memref<4x80x128xf32, #tpu.memory_space<vmem>> -> memref<1x80x128xf32, #tpu.memory_space<vmem>>
    %dma_wait3A_142 = tpu.memref_squeeze %dma_wait3A_141 : memref<1x80x128xf32, #tpu.memory_space<vmem>> -> memref<80x128xf32, #tpu.memory_space<vmem>>
    %dma_wait3A_143 = arith.constant 0 : i32
    %dma_wait3A_144 = tpu.memref_slice %arg7[%dma_wait3A_136, %dma_wait3A_137, %dma_wait3A_143] : memref<4x2x80xi32, #tpu.memory_space<vmem>> -> memref<1x1x80xi32, #tpu.memory_space<vmem>>
    %dma_wait3A_145 = tpu.memref_squeeze %dma_wait3A_144 : memref<1x1x80xi32, #tpu.memory_space<vmem>> -> memref<80xi32, #tpu.memory_space<vmem>>
    %dma_wait3A_146 = arith.constant 0 : i32
    %dma_wait3A_147 = arith.constant 0 : i32
    %dma_wait3A_148 = tpu.memref_slice %arg9[%dma_wait3A_146, %dma_wait3A_147] : memref<10000x128xf32, #tpu.memory_space<vmem_shared>> -> memref<10000x128xf32, #tpu.memory_space<vmem_shared>>
    %dma_wait3A_149 = tpu.memref_slice %arg12[%dma_wait3A_138] : memref<4x!tpu.dma_semaphore, #tpu.memory_space<semaphore_mem>> -> memref<1x!tpu.dma_semaphore, #tpu.memory_space<semaphore_mem>>
    %dma_wait3A_150 = tpu.memref_squeeze %dma_wait3A_149 : memref<1x!tpu.dma_semaphore, #tpu.memory_space<semaphore_mem>> -> memref<!tpu.dma_semaphore, #tpu.memory_space<semaphore_mem>>
    tpu.wait_indirect_dma semaphore(%dma_wait3A_150 : memref<!tpu.dma_semaphore, #tpu.memory_space<semaphore_mem>>) src(%dma_wait3A_142 : memref<80x128xf32, #tpu.memory_space<vmem>>) dst(%dma_wait3A_148 : memref<10000x128xf32, #tpu.memory_space<vmem_shared>>)
    %dma_wait3A_151 = arith.constant 0 : i32
    %dma_wait3A_152 = arith.constant 0 : i32
    %dma_wait3A_153 = arith.constant 1 : i32
    %dma_wait3A_154 = arith.constant 0 : i32
    %dma_wait3A_155 = arith.constant 0 : i32
    %dma_wait3A_156 = arith.constant 0 : i32
    %dma_wait3A_157 = tpu.memref_slice %arg8[%dma_wait3A_151, %dma_wait3A_155, %dma_wait3A_156] : memref<4x80x128xf32, #tpu.memory_space<vmem>> -> memref<1x80x128xf32, #tpu.memory_space<vmem>>
    %dma_wait3A_158 = tpu.memref_squeeze %dma_wait3A_157 : memref<1x80x128xf32, #tpu.memory_space<vmem>> -> memref<80x128xf32, #tpu.memory_space<vmem>>
    %dma_wait3A_159 = arith.constant 0 : i32
    %dma_wait3A_160 = tpu.memref_slice %arg7[%dma_wait3A_152, %dma_wait3A_153, %dma_wait3A_159] : memref<4x2x80xi32, #tpu.memory_space<vmem>> -> memref<1x1x80xi32, #tpu.memory_space<vmem>>
    %dma_wait3A_161 = tpu.memref_squeeze %dma_wait3A_160 : memref<1x1x80xi32, #tpu.memory_space<vmem>> -> memref<80xi32, #tpu.memory_space<vmem>>
    %dma_wait3A_162 = arith.constant 0 : i32
    %dma_wait3A_163 = arith.constant 0 : i32
    %dma_wait3A_164 = tpu.memref_slice %arg9[%dma_wait3A_162, %dma_wait3A_163] : memref<10000x128xf32, #tpu.memory_space<vmem_shared>> -> memref<10000x128xf32, #tpu.memory_space<vmem_shared>>
    %dma_wait3A_165 = tpu.memref_slice %arg12[%dma_wait3A_154] : memref<4x!tpu.dma_semaphore, #tpu.memory_space<semaphore_mem>> -> memref<1x!tpu.dma_semaphore, #tpu.memory_space<semaphore_mem>>
    %dma_wait3A_166 = tpu.memref_squeeze %dma_wait3A_165 : memref<1x!tpu.dma_semaphore, #tpu.memory_space<semaphore_mem>> -> memref<!tpu.dma_semaphore, #tpu.memory_space<semaphore_mem>>
    tpu.wait_indirect_dma semaphore(%dma_wait3A_166 : memref<!tpu.dma_semaphore, #tpu.memory_space<semaphore_mem>>) src(%dma_wait3A_158 : memref<80x128xf32, #tpu.memory_space<vmem>>) dst(%dma_wait3A_164 : memref<10000x128xf32, #tpu.memory_space<vmem_shared>>)
    %barrier3A_167 = arith.constant 0 : index
    tpu.barrier barrier_id(%barrier3A_167)
    %lt3A_168 = arith.constant 15 : i32
    %lt3A_169 = arith.cmpi slt, %arg1, %lt3A_168 : i32
    %convert_element_type3A_170 = arith.extui %lt3A_169 : i1 to i32
    %cond3A_171 = arith.constant 0 : i32
    %cond3A_172 = arith.cmpi ne, %convert_element_type3A_170, %cond3A_171 : i32
    scf.if %cond3A_172 {
      %mul3A_178 = arith.constant 632 : i32
      %mul3A_179 = arith.muli %arg1, %mul3A_178 : i32
      %mul3A_180 = arith.constant 632 : i32
      %mul3A_181 = arith.muli %arg1, %mul3A_180 : i32
      "tpu.region"() ({
        %run_scoped3A = tpu.sem_alloc : memref<!tpu.dma_semaphore, #tpu.memory_space<semaphore_mem>>
        %dma_start3A_182 = arith.constant 0 : i32
        %dma_start3A_183 = tpu.memref_slice %arg6[%arg0, %mul3A_181, %dma_start3A_182] : memref<2x10000x128xf32, #tpu.memory_space<hbm>> -> memref<1x632x128xf32, #tpu.memory_space<hbm>>
        %dma_start3A_184 = tpu.memref_squeeze %dma_start3A_183 : memref<1x632x128xf32, #tpu.memory_space<hbm>> -> memref<632x128xf32, #tpu.memory_space<hbm>>
        %dma_start3A_185 = arith.constant 0 : i32
        %dma_start3A_186 = tpu.memref_slice %arg9[%mul3A_179, %dma_start3A_185] : memref<10000x128xf32, #tpu.memory_space<vmem_shared>> -> memref<632x128xf32, #tpu.memory_space<vmem_shared>>
        tpu.enqueue_dma source(%dma_start3A_186 : memref<632x128xf32, #tpu.memory_space<vmem_shared>>) target(%dma_start3A_184 : memref<632x128xf32, #tpu.memory_space<hbm>>) target_semaphore(%run_scoped3A : memref<!tpu.dma_semaphore, #tpu.memory_space<semaphore_mem>>)
        %dma_wait3A_187 = arith.constant 0 : i32
        %dma_wait3A_188 = tpu.memref_slice %arg6[%arg0, %mul3A_181, %dma_wait3A_187] : memref<2x10000x128xf32, #tpu.memory_space<hbm>> -> memref<1x632x128xf32, #tpu.memory_space<hbm>>
        %dma_wait3A_189 = tpu.memref_squeeze %dma_wait3A_188 : memref<1x632x128xf32, #tpu.memory_space<hbm>> -> memref<632x128xf32, #tpu.memory_space<hbm>>
        %dma_wait3A_190 = arith.constant 0 : i32
        %dma_wait3A_191 = tpu.memref_slice %arg9[%mul3A_179, %dma_wait3A_190] : memref<10000x128xf32, #tpu.memory_space<vmem_shared>> -> memref<632x128xf32, #tpu.memory_space<vmem_shared>>
        tpu.wait_dma2 semaphore(%run_scoped3A : memref<!tpu.dma_semaphore, #tpu.memory_space<semaphore_mem>>) src(%dma_wait3A_191 : memref<632x128xf32, #tpu.memory_space<vmem_shared>>) dst(%dma_wait3A_189 : memref<632x128xf32, #tpu.memory_space<hbm>>)
        tpu.yield
      }) : () -> ()
    } else {
    }
    %eq3A_173 = arith.constant 15 : i32
    %eq3A_174 = arith.cmpi eq, %arg1, %eq3A_173 : i32
    %convert_element_type3A_175 = arith.extui %eq3A_174 : i1 to i32
    %cond3A_176 = arith.constant 0 : i32
    %cond3A_177 = arith.cmpi ne, %convert_element_type3A_175, %cond3A_176 : i32
    scf.if %cond3A_177 {
      "tpu.region"() ({
        %run_scoped3A = tpu.sem_alloc : memref<!tpu.dma_semaphore, #tpu.memory_space<semaphore_mem>>
        %dma_start3A_178 = arith.constant 9480 : i32
        %dma_start3A_179 = arith.constant 0 : i32
        %dma_start3A_180 = tpu.memref_slice %arg6[%arg0, %dma_start3A_178, %dma_start3A_179] : memref<2x10000x128xf32, #tpu.memory_space<hbm>> -> memref<1x520x128xf32, #tpu.memory_space<hbm>>
        %dma_start3A_181 = tpu.memref_squeeze %dma_start3A_180 : memref<1x520x128xf32, #tpu.memory_space<hbm>> -> memref<520x128xf32, #tpu.memory_space<hbm>>
        %dma_start3A_182 = arith.constant 9480 : i32
        %dma_start3A_183 = arith.constant 0 : i32
        %dma_start3A_184 = tpu.memref_slice %arg9[%dma_start3A_182, %dma_start3A_183] : memref<10000x128xf32, #tpu.memory_space<vmem_shared>> -> memref<520x128xf32, #tpu.memory_space<vmem_shared>>
        tpu.enqueue_dma source(%dma_start3A_184 : memref<520x128xf32, #tpu.memory_space<vmem_shared>>) target(%dma_start3A_181 : memref<520x128xf32, #tpu.memory_space<hbm>>) target_semaphore(%run_scoped3A : memref<!tpu.dma_semaphore, #tpu.memory_space<semaphore_mem>>)
        %dma_wait3A_185 = arith.constant 9480 : i32
        %dma_wait3A_186 = arith.constant 0 : i32
        %dma_wait3A_187 = tpu.memref_slice %arg6[%arg0, %dma_wait3A_185, %dma_wait3A_186] : memref<2x10000x128xf32, #tpu.memory_space<hbm>> -> memref<1x520x128xf32, #tpu.memory_space<hbm>>
        %dma_wait3A_188 = tpu.memref_squeeze %dma_wait3A_187 : memref<1x520x128xf32, #tpu.memory_space<hbm>> -> memref<520x128xf32, #tpu.memory_space<hbm>>
        %dma_wait3A_189 = arith.constant 9480 : i32
        %dma_wait3A_190 = arith.constant 0 : i32
        %dma_wait3A_191 = tpu.memref_slice %arg9[%dma_wait3A_189, %dma_wait3A_190] : memref<10000x128xf32, #tpu.memory_space<vmem_shared>> -> memref<520x128xf32, #tpu.memory_space<vmem_shared>>
        tpu.wait_dma2 semaphore(%run_scoped3A : memref<!tpu.dma_semaphore, #tpu.memory_space<semaphore_mem>>) src(%dma_wait3A_191 : memref<520x128xf32, #tpu.memory_space<vmem_shared>>) dst(%dma_wait3A_188 : memref<520x128xf32, #tpu.memory_space<hbm>>)
        tpu.yield
      }) : () -> ()
    } else {
    }
    return
  }
}

#map = affine_map<(d0, d1) -> (0, 0)>
#map1 = affine_map<(d0, d1) -> (0)>
#map2 = affine_map<(d0, d1) -> (0, 0, 0)>
module attributes {stable_mosaic.version = 14 : i64} {
  func.func @k(%arg0: i32, %arg1: i32, %arg2: memref<10000x128xf32, #tpu.memory_space<hbm>>, %arg3: memref<320000xi32, #tpu.memory_space<hbm>>, %arg4: memref<320000xi32, #tpu.memory_space<hbm>>, %arg5: memref<632x128xf32, #tpu.memory_space<hbm>>, %arg6: memref<2x10000x128xf32, #tpu.memory_space<hbm>>, %arg7: memref<4x2x80xi32, #tpu.memory_space<vmem>>, %arg8: memref<4x80x128xf32, #tpu.memory_space<vmem>>, %arg9: memref<10000x128xf32, #tpu.memory_space<vmem_shared>>, %arg10: memref<4x!tpu.dma_semaphore, #tpu.memory_space<semaphore_mem>>, %arg11: memref<4x!tpu.dma_semaphore, #tpu.memory_space<semaphore_mem>>, %arg12: memref<4x!tpu.dma_semaphore, #tpu.memory_space<semaphore_mem>>) attributes {dimension_semantics = [#tpu.dimension_semantics<core_parallel>, #tpu.dimension_semantics<subcore_parallel>], iteration_bounds = array<i64: 2, 16>, scalar_prefetch = 0 : i64, scratch_operands = 6 : i64, tpu.core_type = #tpu.core_type<sc_vector_subcore>, window_params = [{transform_indices = #map}, {transform_indices = #map1}, {transform_indices = #map1}, {transform_indices = #map}, {transform_indices = #map2}]} {
    %mul3A = arith.constant 16 : i32
    %mul3A_0 = arith.muli %arg0, %mul3A : i32
    %add3A = arith.addi %mul3A_0, %arg1 : i32
    %lt3A = arith.constant 15 : i32
    %lt3A_1 = arith.cmpi slt, %arg1, %lt3A : i32
    %convert_element_type3A = arith.extui %lt3A_1 : i1 to i32
    %cond3A = arith.constant 0 : i32
    %cond3A_2 = arith.cmpi ne, %convert_element_type3A, %cond3A : i32
    scf.if %cond3A_2 {
      %mul3A_178 = arith.constant 632 : i32
      %mul3A_179 = arith.muli %arg1, %mul3A_178 : i32
      "tpu.region"() ({
        %run_scoped3A = tpu.sem_alloc : memref<!tpu.dma_semaphore, #tpu.memory_space<semaphore_mem>>
        %dma_start3A_180 = arith.constant 0 : i32
        %dma_start3A_181 = tpu.memref_slice %arg9[%mul3A_179, %dma_start3A_180] : memref<10000x128xf32, #tpu.memory_space<vmem_shared>> -> memref<632x128xf32, #tpu.memory_space<vmem_shared>>
        tpu.enqueue_dma source(%arg5 : memref<632x128xf32, #tpu.memory_space<hbm>>) target(%dma_start3A_181 : memref<632x128xf32, #tpu.memory_space<vmem_shared>>) target_semaphore(%run_scoped3A : memref<!tpu.dma_semaphore, #tpu.memory_space<semaphore_mem>>)
        %dma_wait3A_182 = arith.constant 0 : i32
        %dma_wait3A_183 = tpu.memref_slice %arg9[%mul3A_179, %dma_wait3A_182] : memref<10000x128xf32, #tpu.memory_space<vmem_shared>> -> memref<632x128xf32, #tpu.memory_space<vmem_shared>>
        tpu.wait_dma2 semaphore(%run_scoped3A : memref<!tpu.dma_semaphore, #tpu.memory_space<semaphore_mem>>) src(%arg5 : memref<632x128xf32, #tpu.memory_space<hbm>>) dst(%dma_wait3A_183 : memref<632x128xf32, #tpu.memory_space<vmem_shared>>)
        tpu.yield
      }) : () -> ()
    } else {
    }
    %eq3A = arith.constant 15 : i32
    %eq3A_3 = arith.cmpi eq, %arg1, %eq3A : i32
    %convert_element_type3A_4 = arith.extui %eq3A_3 : i1 to i32
    %cond3A_5 = arith.constant 0 : i32
    %cond3A_6 = arith.cmpi ne, %convert_element_type3A_4, %cond3A_5 : i32
    scf.if %cond3A_6 {
      "tpu.region"() ({
        %run_scoped3A = tpu.sem_alloc : memref<!tpu.dma_semaphore, #tpu.memory_space<semaphore_mem>>
        %dma_start3A_178 = arith.constant 9480 : i32
        %dma_start3A_179 = arith.constant 0 : i32
        %dma_start3A_180 = tpu.memref_slice %arg9[%dma_start3A_178, %dma_start3A_179] : memref<10000x128xf32, #tpu.memory_space<vmem_shared>> -> memref<520x128xf32, #tpu.memory_space<vmem_shared>>
        %dma_start3A_181 = arith.constant 0 : i32
        %dma_start3A_182 = arith.constant 0 : i32
        %dma_start3A_183 = tpu.memref_slice %arg5[%dma_start3A_181, %dma_start3A_182] : memref<632x128xf32, #tpu.memory_space<hbm>> -> memref<520x128xf32, #tpu.memory_space<hbm>>
        tpu.enqueue_dma source(%dma_start3A_183 : memref<520x128xf32, #tpu.memory_space<hbm>>) target(%dma_start3A_180 : memref<520x128xf32, #tpu.memory_space<vmem_shared>>) target_semaphore(%run_scoped3A : memref<!tpu.dma_semaphore, #tpu.memory_space<semaphore_mem>>)
        %dma_wait3A_184 = arith.constant 9480 : i32
        %dma_wait3A_185 = arith.constant 0 : i32
        %dma_wait3A_186 = tpu.memref_slice %arg9[%dma_wait3A_184, %dma_wait3A_185] : memref<10000x128xf32, #tpu.memory_space<vmem_shared>> -> memref<520x128xf32, #tpu.memory_space<vmem_shared>>
        %dma_wait3A_187 = arith.constant 0 : i32
        %dma_wait3A_188 = arith.constant 0 : i32
        %dma_wait3A_189 = tpu.memref_slice %arg5[%dma_wait3A_187, %dma_wait3A_188] : memref<632x128xf32, #tpu.memory_space<hbm>> -> memref<520x128xf32, #tpu.memory_space<hbm>>
        tpu.wait_dma2 semaphore(%run_scoped3A : memref<!tpu.dma_semaphore, #tpu.memory_space<semaphore_mem>>) src(%dma_wait3A_189 : memref<520x128xf32, #tpu.memory_space<hbm>>) dst(%dma_wait3A_186 : memref<520x128xf32, #tpu.memory_space<vmem_shared>>)
        tpu.yield
      }) : () -> ()
    } else {
    }
    %barrier3A = arith.constant 0 : index
    tpu.barrier barrier_id(%barrier3A)
    %mul3A_7 = arith.constant 10000 : i32
    %mul3A_8 = arith.muli %add3A, %mul3A_7 : i32
    %add3A_9 = arith.constant 0 : i32
    %add3A_10 = arith.addi %mul3A_8, %add3A_9 : i32
    %dma_start3A = arith.constant 0 : i32
    %dma_start3A_11 = arith.constant 0 : i32
    %dma_start3A_12 = arith.constant 0 : i32
    %dma_start3A_13 = arith.constant 0 : i32
    %dma_start3A_14 = tpu.memref_slice %arg7[%dma_start3A, %dma_start3A_11, %dma_start3A_13] : memref<4x2x80xi32, #tpu.memory_space<vmem>> -> memref<1x1x80xi32, #tpu.memory_space<vmem>>
    %dma_start3A_15 = tpu.memref_squeeze %dma_start3A_14 : memref<1x1x80xi32, #tpu.memory_space<vmem>> -> memref<80xi32, #tpu.memory_space<vmem>>
    %dma_start3A_16 = tpu.memref_slice %arg3[%add3A_10] : memref<320000xi32, #tpu.memory_space<hbm>> -> memref<80xi32, #tpu.memory_space<hbm>>
    %dma_start3A_17 = tpu.memref_slice %arg10[%dma_start3A_12] : memref<4x!tpu.dma_semaphore, #tpu.memory_space<semaphore_mem>> -> memref<1x!tpu.dma_semaphore, #tpu.memory_space<semaphore_mem>>
    %dma_start3A_18 = tpu.memref_squeeze %dma_start3A_17 : memref<1x!tpu.dma_semaphore, #tpu.memory_space<semaphore_mem>> -> memref<!tpu.dma_semaphore, #tpu.memory_space<semaphore_mem>>
    %dma_start3A_19 = arith.constant 0 : i32
    %dma_start3A_20 = tpu.memref_slice %arg7[%dma_start3A, %dma_start3A_11, %dma_start3A_19] : memref<4x2x80xi32, #tpu.memory_space<vmem>> -> memref<1x1x80xi32, #tpu.memory_space<vmem>>
    %dma_start3A_21 = tpu.memref_squeeze %dma_start3A_20 : memref<1x1x80xi32, #tpu.memory_space<vmem>> -> memref<80xi32, #tpu.memory_space<vmem>>
    %dma_start3A_22 = tpu.memref_slice %arg3[%add3A_10] : memref<320000xi32, #tpu.memory_space<hbm>> -> memref<80xi32, #tpu.memory_space<hbm>>
    tpu.enqueue_dma source(%dma_start3A_22 : memref<80xi32, #tpu.memory_space<hbm>>) target(%dma_start3A_21 : memref<80xi32, #tpu.memory_space<vmem>>) target_semaphore(%dma_start3A_18 : memref<!tpu.dma_semaphore, #tpu.memory_space<semaphore_mem>>)
    %add3A_23 = arith.constant 0 : i32
    %add3A_24 = arith.addi %mul3A_8, %add3A_23 : i32
    %dma_start3A_25 = arith.constant 0 : i32
    %dma_start3A_26 = arith.constant 1 : i32
    %dma_start3A_27 = arith.constant 0 : i32
    %dma_start3A_28 = arith.constant 0 : i32
    %dma_start3A_29 = tpu.memref_slice %arg7[%dma_start3A_25, %dma_start3A_26, %dma_start3A_28] : memref<4x2x80xi32, #tpu.memory_space<vmem>> -> memref<1x1x80xi32, #tpu.memory_space<vmem>>
    %dma_start3A_30 = tpu.memref_squeeze %dma_start3A_29 : memref<1x1x80xi32, #tpu.memory_space<vmem>> -> memref<80xi32, #tpu.memory_space<vmem>>
    %dma_start3A_31 = tpu.memref_slice %arg4[%add3A_24] : memref<320000xi32, #tpu.memory_space<hbm>> -> memref<80xi32, #tpu.memory_space<hbm>>
    %dma_start3A_32 = tpu.memref_slice %arg10[%dma_start3A_27] : memref<4x!tpu.dma_semaphore, #tpu.memory_space<semaphore_mem>> -> memref<1x!tpu.dma_semaphore, #tpu.memory_space<semaphore_mem>>
    %dma_start3A_33 = tpu.memref_squeeze %dma_start3A_32 : memref<1x!tpu.dma_semaphore, #tpu.memory_space<semaphore_mem>> -> memref<!tpu.dma_semaphore, #tpu.memory_space<semaphore_mem>>
    %dma_start3A_34 = arith.constant 0 : i32
    %dma_start3A_35 = tpu.memref_slice %arg7[%dma_start3A_25, %dma_start3A_26, %dma_start3A_34] : memref<4x2x80xi32, #tpu.memory_space<vmem>> -> memref<1x1x80xi32, #tpu.memory_space<vmem>>
    %dma_start3A_36 = tpu.memref_squeeze %dma_start3A_35 : memref<1x1x80xi32, #tpu.memory_space<vmem>> -> memref<80xi32, #tpu.memory_space<vmem>>
    %dma_start3A_37 = tpu.memref_slice %arg4[%add3A_24] : memref<320000xi32, #tpu.memory_space<hbm>> -> memref<80xi32, #tpu.memory_space<hbm>>
    tpu.enqueue_dma source(%dma_start3A_37 : memref<80xi32, #tpu.memory_space<hbm>>) target(%dma_start3A_36 : memref<80xi32, #tpu.memory_space<vmem>>) target_semaphore(%dma_start3A_33 : memref<!tpu.dma_semaphore, #tpu.memory_space<semaphore_mem>>)
    %add3A_38 = arith.constant 80 : i32
    %add3A_39 = arith.addi %mul3A_8, %add3A_38 : i32
    %dma_start3A_40 = arith.constant 1 : i32
    %dma_start3A_41 = arith.constant 0 : i32
    %dma_start3A_42 = arith.constant 1 : i32
    %dma_start3A_43 = arith.constant 0 : i32
    %dma_start3A_44 = tpu.memref_slice %arg7[%dma_start3A_40, %dma_start3A_41, %dma_start3A_43] : memref<4x2x80xi32, #tpu.memory_space<vmem>> -> memref<1x1x80xi32, #tpu.memory_space<vmem>>
    %dma_start3A_45 = tpu.memref_squeeze %dma_start3A_44 : memref<1x1x80xi32, #tpu.memory_space<vmem>> -> memref<80xi32, #tpu.memory_space<vmem>>
    %dma_start3A_46 = tpu.memref_slice %arg3[%add3A_39] : memref<320000xi32, #tpu.memory_space<hbm>> -> memref<80xi32, #tpu.memory_space<hbm>>
    %dma_start3A_47 = tpu.memref_slice %arg10[%dma_start3A_42] : memref<4x!tpu.dma_semaphore, #tpu.memory_space<semaphore_mem>> -> memref<1x!tpu.dma_semaphore, #tpu.memory_space<semaphore_mem>>
    %dma_start3A_48 = tpu.memref_squeeze %dma_start3A_47 : memref<1x!tpu.dma_semaphore, #tpu.memory_space<semaphore_mem>> -> memref<!tpu.dma_semaphore, #tpu.memory_space<semaphore_mem>>
    %dma_start3A_49 = arith.constant 0 : i32
    %dma_start3A_50 = tpu.memref_slice %arg7[%dma_start3A_40, %dma_start3A_41, %dma_start3A_49] : memref<4x2x80xi32, #tpu.memory_space<vmem>> -> memref<1x1x80xi32, #tpu.memory_space<vmem>>
    %dma_start3A_51 = tpu.memref_squeeze %dma_start3A_50 : memref<1x1x80xi32, #tpu.memory_space<vmem>> -> memref<80xi32, #tpu.memory_space<vmem>>
    %dma_start3A_52 = tpu.memref_slice %arg3[%add3A_39] : memref<320000xi32, #tpu.memory_space<hbm>> -> memref<80xi32, #tpu.memory_space<hbm>>
    tpu.enqueue_dma source(%dma_start3A_52 : memref<80xi32, #tpu.memory_space<hbm>>) target(%dma_start3A_51 : memref<80xi32, #tpu.memory_space<vmem>>) target_semaphore(%dma_start3A_48 : memref<!tpu.dma_semaphore, #tpu.memory_space<semaphore_mem>>)
    %add3A_53 = arith.constant 80 : i32
    %add3A_54 = arith.addi %mul3A_8, %add3A_53 : i32
    %dma_start3A_55 = arith.constant 1 : i32
    %dma_start3A_56 = arith.constant 1 : i32
    %dma_start3A_57 = arith.constant 1 : i32
    %dma_start3A_58 = arith.constant 0 : i32
    %dma_start3A_59 = tpu.memref_slice %arg7[%dma_start3A_55, %dma_start3A_56, %dma_start3A_58] : memref<4x2x80xi32, #tpu.memory_space<vmem>> -> memref<1x1x80xi32, #tpu.memory_space<vmem>>
    %dma_start3A_60 = tpu.memref_squeeze %dma_start3A_59 : memref<1x1x80xi32, #tpu.memory_space<vmem>> -> memref<80xi32, #tpu.memory_space<vmem>>
    %dma_start3A_61 = tpu.memref_slice %arg4[%add3A_54] : memref<320000xi32, #tpu.memory_space<hbm>> -> memref<80xi32, #tpu.memory_space<hbm>>
    %dma_start3A_62 = tpu.memref_slice %arg10[%dma_start3A_57] : memref<4x!tpu.dma_semaphore, #tpu.memory_space<semaphore_mem>> -> memref<1x!tpu.dma_semaphore, #tpu.memory_space<semaphore_mem>>
    %dma_start3A_63 = tpu.memref_squeeze %dma_start3A_62 : memref<1x!tpu.dma_semaphore, #tpu.memory_space<semaphore_mem>> -> memref<!tpu.dma_semaphore, #tpu.memory_space<semaphore_mem>>
    %dma_start3A_64 = arith.constant 0 : i32
    %dma_start3A_65 = tpu.memref_slice %arg7[%dma_start3A_55, %dma_start3A_56, %dma_start3A_64] : memref<4x2x80xi32, #tpu.memory_space<vmem>> -> memref<1x1x80xi32, #tpu.memory_space<vmem>>
    %dma_start3A_66 = tpu.memref_squeeze %dma_start3A_65 : memref<1x1x80xi32, #tpu.memory_space<vmem>> -> memref<80xi32, #tpu.memory_space<vmem>>
    %dma_start3A_67 = tpu.memref_slice %arg4[%add3A_54] : memref<320000xi32, #tpu.memory_space<hbm>> -> memref<80xi32, #tpu.memory_space<hbm>>
    tpu.enqueue_dma source(%dma_start3A_67 : memref<80xi32, #tpu.memory_space<hbm>>) target(%dma_start3A_66 : memref<80xi32, #tpu.memory_space<vmem>>) target_semaphore(%dma_start3A_63 : memref<!tpu.dma_semaphore, #tpu.memory_space<semaphore_mem>>)
    %scan3A = arith.constant 0 : i32
    %scan3A_68 = arith.constant 125 : i32
    %scan3A_69 = arith.addi %scan3A, %scan3A_68 : i32
    %scan3A_70 = arith.constant 1 : i32
    scf.for %scan3A_178 = %scan3A to %scan3A_69 step %scan3A_70  : i32 {
      %mul3A_179 = arith.constant 1 : i32
      %mul3A_180 = arith.muli %scan3A_178, %mul3A_179 : i32
      %add3A_181 = arith.constant 0 : i32
      %add3A_182 = arith.addi %add3A_181, %mul3A_180 : i32
      %rem3A = arith.constant 4 : i32
      %rem3A_183 = arith.remsi %add3A_182, %rem3A : i32
      %mul3A_184 = arith.constant 80 : i32
      %mul3A_185 = arith.muli %add3A_182, %mul3A_184 : i32
      %add3A_186 = arith.addi %mul3A_8, %mul3A_185 : i32
      %dma_wait3A_187 = arith.constant 0 : i32
      %dma_wait3A_188 = arith.constant 0 : i32
      %dma_wait3A_189 = tpu.memref_slice %arg7[%rem3A_183, %dma_wait3A_187, %dma_wait3A_188] : memref<4x2x80xi32, #tpu.memory_space<vmem>> -> memref<1x1x80xi32, #tpu.memory_space<vmem>>
      %dma_wait3A_190 = tpu.memref_squeeze %dma_wait3A_189 : memref<1x1x80xi32, #tpu.memory_space<vmem>> -> memref<80xi32, #tpu.memory_space<vmem>>
      %dma_wait3A_191 = tpu.memref_slice %arg3[%add3A_186] : memref<320000xi32, #tpu.memory_space<hbm>> -> memref<80xi32, #tpu.memory_space<hbm>>
      %dma_wait3A_192 = tpu.memref_slice %arg10[%rem3A_183] : memref<4x!tpu.dma_semaphore, #tpu.memory_space<semaphore_mem>> -> memref<1x!tpu.dma_semaphore, #tpu.memory_space<semaphore_mem>>
      %dma_wait3A_193 = tpu.memref_squeeze %dma_wait3A_192 : memref<1x!tpu.dma_semaphore, #tpu.memory_space<semaphore_mem>> -> memref<!tpu.dma_semaphore, #tpu.memory_space<semaphore_mem>>
      %dma_wait3A_194 = arith.constant 0 : i32
      %dma_wait3A_195 = tpu.memref_slice %arg7[%rem3A_183, %dma_wait3A_187, %dma_wait3A_194] : memref<4x2x80xi32, #tpu.memory_space<vmem>> -> memref<1x1x80xi32, #tpu.memory_space<vmem>>
      %dma_wait3A_196 = tpu.memref_squeeze %dma_wait3A_195 : memref<1x1x80xi32, #tpu.memory_space<vmem>> -> memref<80xi32, #tpu.memory_space<vmem>>
      %dma_wait3A_197 = tpu.memref_slice %arg3[%add3A_186] : memref<320000xi32, #tpu.memory_space<hbm>> -> memref<80xi32, #tpu.memory_space<hbm>>
      tpu.wait_dma2 semaphore(%dma_wait3A_193 : memref<!tpu.dma_semaphore, #tpu.memory_space<semaphore_mem>>) src(%dma_wait3A_197 : memref<80xi32, #tpu.memory_space<hbm>>) dst(%dma_wait3A_196 : memref<80xi32, #tpu.memory_space<vmem>>)
      %mul3A_198 = arith.constant 80 : i32
      %mul3A_199 = arith.muli %add3A_182, %mul3A_198 : i32
      %add3A_200 = arith.addi %mul3A_8, %mul3A_199 : i32
      %dma_wait3A_201 = arith.constant 1 : i32
      %dma_wait3A_202 = arith.constant 0 : i32
      %dma_wait3A_203 = tpu.memref_slice %arg7[%rem3A_183, %dma_wait3A_201, %dma_wait3A_202] : memref<4x2x80xi32, #tpu.memory_space<vmem>> -> memref<1x1x80xi32, #tpu.memory_space<vmem>>
      %dma_wait3A_204 = tpu.memref_squeeze %dma_wait3A_203 : memref<1x1x80xi32, #tpu.memory_space<vmem>> -> memref<80xi32, #tpu.memory_space<vmem>>
      %dma_wait3A_205 = tpu.memref_slice %arg4[%add3A_200] : memref<320000xi32, #tpu.memory_space<hbm>> -> memref<80xi32, #tpu.memory_space<hbm>>
      %dma_wait3A_206 = tpu.memref_slice %arg10[%rem3A_183] : memref<4x!tpu.dma_semaphore, #tpu.memory_space<semaphore_mem>> -> memref<1x!tpu.dma_semaphore, #tpu.memory_space<semaphore_mem>>
      %dma_wait3A_207 = tpu.memref_squeeze %dma_wait3A_206 : memref<1x!tpu.dma_semaphore, #tpu.memory_space<semaphore_mem>> -> memref<!tpu.dma_semaphore, #tpu.memory_space<semaphore_mem>>
      %dma_wait3A_208 = arith.constant 0 : i32
      %dma_wait3A_209 = tpu.memref_slice %arg7[%rem3A_183, %dma_wait3A_201, %dma_wait3A_208] : memref<4x2x80xi32, #tpu.memory_space<vmem>> -> memref<1x1x80xi32, #tpu.memory_space<vmem>>
      %dma_wait3A_210 = tpu.memref_squeeze %dma_wait3A_209 : memref<1x1x80xi32, #tpu.memory_space<vmem>> -> memref<80xi32, #tpu.memory_space<vmem>>
      %dma_wait3A_211 = tpu.memref_slice %arg4[%add3A_200] : memref<320000xi32, #tpu.memory_space<hbm>> -> memref<80xi32, #tpu.memory_space<hbm>>
      tpu.wait_dma2 semaphore(%dma_wait3A_207 : memref<!tpu.dma_semaphore, #tpu.memory_space<semaphore_mem>>) src(%dma_wait3A_211 : memref<80xi32, #tpu.memory_space<hbm>>) dst(%dma_wait3A_210 : memref<80xi32, #tpu.memory_space<vmem>>)
      %dma_start3A_212 = arith.constant 0 : i32
      %dma_start3A_213 = arith.constant 0 : i32
      %dma_start3A_214 = arith.constant 0 : i32
      %dma_start3A_215 = tpu.memref_slice %arg8[%rem3A_183, %dma_start3A_213, %dma_start3A_214] : memref<4x80x128xf32, #tpu.memory_space<vmem>> -> memref<1x80x128xf32, #tpu.memory_space<vmem>>
      %dma_start3A_216 = tpu.memref_squeeze %dma_start3A_215 : memref<1x80x128xf32, #tpu.memory_space<vmem>> -> memref<80x128xf32, #tpu.memory_space<vmem>>
      %dma_start3A_217 = arith.constant 0 : i32
      %dma_start3A_218 = tpu.memref_slice %arg7[%rem3A_183, %dma_start3A_212, %dma_start3A_217] : memref<4x2x80xi32, #tpu.memory_space<vmem>> -> memref<1x1x80xi32, #tpu.memory_space<vmem>>
      %dma_start3A_219 = tpu.memref_squeeze %dma_start3A_218 : memref<1x1x80xi32, #tpu.memory_space<vmem>> -> memref<80xi32, #tpu.memory_space<vmem>>
      %dma_start3A_220 = arith.constant 0 : i32
      %dma_start3A_221 = arith.constant 0 : i32
      %dma_start3A_222 = tpu.memref_slice %arg2[%dma_start3A_220, %dma_start3A_221] : memref<10000x128xf32, #tpu.memory_space<hbm>> -> memref<10000x128xf32, #tpu.memory_space<hbm>>
      %dma_start3A_223 = tpu.memref_slice %arg11[%rem3A_183] : memref<4x!tpu.dma_semaphore, #tpu.memory_space<semaphore_mem>> -> memref<1x!tpu.dma_semaphore, #tpu.memory_space<semaphore_mem>>
      %dma_start3A_224 = tpu.memref_squeeze %dma_start3A_223 : memref<1x!tpu.dma_semaphore, #tpu.memory_space<semaphore_mem>> -> memref<!tpu.dma_semaphore, #tpu.memory_space<semaphore_mem>>
      tpu.enqueue_indirect_dma source(%dma_start3A_222 : memref<10000x128xf32, #tpu.memory_space<hbm>>) target(%dma_start3A_216 : memref<80x128xf32, #tpu.memory_space<vmem>>) offsets(%dma_start3A_219 : memref<80xi32, #tpu.memory_space<vmem>>) semaphore(%dma_start3A_224 : memref<!tpu.dma_semaphore, #tpu.memory_space<semaphore_mem>>)
      %ge3A = arith.constant 1 : i32
      %ge3A_225 = arith.cmpi sge, %add3A_182, %ge3A : i32
      %convert_element_type3A_226 = arith.extui %ge3A_225 : i1 to i32
      %cond3A_227 = arith.constant 0 : i32
      %cond3A_228 = arith.cmpi ne, %convert_element_type3A_226, %cond3A_227 : i32
      scf.if %cond3A_228 {
        %add3A_236 = arith.constant 3 : i32
        %add3A_237 = arith.addi %add3A_182, %add3A_236 : i32
        %rem3A_238 = arith.constant 4 : i32
        %rem3A_239 = arith.remsi %add3A_237, %rem3A_238 : i32
        %dma_wait3A_240 = arith.constant 0 : i32
        %dma_wait3A_241 = arith.constant 0 : i32
        %dma_wait3A_242 = arith.constant 0 : i32
        %dma_wait3A_243 = tpu.memref_slice %arg8[%rem3A_239, %dma_wait3A_241, %dma_wait3A_242] : memref<4x80x128xf32, #tpu.memory_space<vmem>> -> memref<1x80x128xf32, #tpu.memory_space<vmem>>
        %dma_wait3A_244 = tpu.memref_squeeze %dma_wait3A_243 : memref<1x80x128xf32, #tpu.memory_space<vmem>> -> memref<80x128xf32, #tpu.memory_space<vmem>>
        %dma_wait3A_245 = arith.constant 0 : i32
        %dma_wait3A_246 = tpu.memref_slice %arg7[%rem3A_239, %dma_wait3A_240, %dma_wait3A_245] : memref<4x2x80xi32, #tpu.memory_space<vmem>> -> memref<1x1x80xi32, #tpu.memory_space<vmem>>
        %dma_wait3A_247 = tpu.memref_squeeze %dma_wait3A_246 : memref<1x1x80xi32, #tpu.memory_space<vmem>> -> memref<80xi32, #tpu.memory_space<vmem>>
        %dma_wait3A_248 = arith.constant 0 : i32
        %dma_wait3A_249 = arith.constant 0 : i32
        %dma_wait3A_250 = tpu.memref_slice %arg2[%dma_wait3A_248, %dma_wait3A_249] : memref<10000x128xf32, #tpu.memory_space<hbm>> -> memref<10000x128xf32, #tpu.memory_space<hbm>>
        %dma_wait3A_251 = tpu.memref_slice %arg11[%rem3A_239] : memref<4x!tpu.dma_semaphore, #tpu.memory_space<semaphore_mem>> -> memref<1x!tpu.dma_semaphore, #tpu.memory_space<semaphore_mem>>
        %dma_wait3A_252 = tpu.memref_squeeze %dma_wait3A_251 : memref<1x!tpu.dma_semaphore, #tpu.memory_space<semaphore_mem>> -> memref<!tpu.dma_semaphore, #tpu.memory_space<semaphore_mem>>
        tpu.wait_indirect_dma semaphore(%dma_wait3A_252 : memref<!tpu.dma_semaphore, #tpu.memory_space<semaphore_mem>>) src(%dma_wait3A_250 : memref<10000x128xf32, #tpu.memory_space<hbm>>) dst(%dma_wait3A_244 : memref<80x128xf32, #tpu.memory_space<vmem>>)
        %dma_start3A_253 = arith.constant 1 : i32
        %dma_start3A_254 = arith.constant 0 : i32
        %dma_start3A_255 = arith.constant 0 : i32
        %dma_start3A_256 = tpu.memref_slice %arg8[%rem3A_239, %dma_start3A_254, %dma_start3A_255] : memref<4x80x128xf32, #tpu.memory_space<vmem>> -> memref<1x80x128xf32, #tpu.memory_space<vmem>>
        %dma_start3A_257 = tpu.memref_squeeze %dma_start3A_256 : memref<1x80x128xf32, #tpu.memory_space<vmem>> -> memref<80x128xf32, #tpu.memory_space<vmem>>
        %dma_start3A_258 = arith.constant 0 : i32
        %dma_start3A_259 = tpu.memref_slice %arg7[%rem3A_239, %dma_start3A_253, %dma_start3A_258] : memref<4x2x80xi32, #tpu.memory_space<vmem>> -> memref<1x1x80xi32, #tpu.memory_space<vmem>>
        %dma_start3A_260 = tpu.memref_squeeze %dma_start3A_259 : memref<1x1x80xi32, #tpu.memory_space<vmem>> -> memref<80xi32, #tpu.memory_space<vmem>>
        %dma_start3A_261 = arith.constant 0 : i32
        %dma_start3A_262 = arith.constant 0 : i32
        %dma_start3A_263 = tpu.memref_slice %arg9[%dma_start3A_261, %dma_start3A_262] : memref<10000x128xf32, #tpu.memory_space<vmem_shared>> -> memref<10000x128xf32, #tpu.memory_space<vmem_shared>>
        %dma_start3A_264 = tpu.memref_slice %arg12[%rem3A_239] : memref<4x!tpu.dma_semaphore, #tpu.memory_space<semaphore_mem>> -> memref<1x!tpu.dma_semaphore, #tpu.memory_space<semaphore_mem>>
        %dma_start3A_265 = tpu.memref_squeeze %dma_start3A_264 : memref<1x!tpu.dma_semaphore, #tpu.memory_space<semaphore_mem>> -> memref<!tpu.dma_semaphore, #tpu.memory_space<semaphore_mem>>
        tpu.enqueue_indirect_dma source(%dma_start3A_257 : memref<80x128xf32, #tpu.memory_space<vmem>>) target(%dma_start3A_263 : memref<10000x128xf32, #tpu.memory_space<vmem_shared>>) offsets(%dma_start3A_260 : memref<80xi32, #tpu.memory_space<vmem>>) semaphore(%dma_start3A_265 : memref<!tpu.dma_semaphore, #tpu.memory_space<semaphore_mem>>) {add = true}
      } else {
      }
      %add3A_229 = arith.constant 2 : i32
      %add3A_230 = arith.addi %add3A_182, %add3A_229 : i32
      %lt3A_231 = arith.constant 125 : i32
      %lt3A_232 = arith.cmpi slt, %add3A_230, %lt3A_231 : i32
      %convert_element_type3A_233 = arith.extui %lt3A_232 : i1 to i32
      %cond3A_234 = arith.constant 0 : i32
      %cond3A_235 = arith.cmpi ne, %convert_element_type3A_233, %cond3A_234 : i32
      scf.if %cond3A_235 {
        %add3A_236 = arith.constant 2 : i32
        %add3A_237 = arith.addi %add3A_182, %add3A_236 : i32
        %rem3A_238 = arith.constant 4 : i32
        %rem3A_239 = arith.remsi %add3A_237, %rem3A_238 : i32
        %ge3A_240 = arith.constant 2 : i32
        %ge3A_241 = arith.cmpi sge, %add3A_182, %ge3A_240 : i32
        %convert_element_type3A_242 = arith.extui %ge3A_241 : i1 to i32
        %cond3A_243 = arith.constant 0 : i32
        %cond3A_244 = arith.cmpi ne, %convert_element_type3A_242, %cond3A_243 : i32
        scf.if %cond3A_244 {
          %dma_wait3A_275 = arith.constant 1 : i32
          %dma_wait3A_276 = arith.constant 0 : i32
          %dma_wait3A_277 = arith.constant 0 : i32
          %dma_wait3A_278 = tpu.memref_slice %arg8[%rem3A_239, %dma_wait3A_276, %dma_wait3A_277] : memref<4x80x128xf32, #tpu.memory_space<vmem>> -> memref<1x80x128xf32, #tpu.memory_space<vmem>>
          %dma_wait3A_279 = tpu.memref_squeeze %dma_wait3A_278 : memref<1x80x128xf32, #tpu.memory_space<vmem>> -> memref<80x128xf32, #tpu.memory_space<vmem>>
          %dma_wait3A_280 = arith.constant 0 : i32
          %dma_wait3A_281 = tpu.memref_slice %arg7[%rem3A_239, %dma_wait3A_275, %dma_wait3A_280] : memref<4x2x80xi32, #tpu.memory_space<vmem>> -> memref<1x1x80xi32, #tpu.memory_space<vmem>>
          %dma_wait3A_282 = tpu.memref_squeeze %dma_wait3A_281 : memref<1x1x80xi32, #tpu.memory_space<vmem>> -> memref<80xi32, #tpu.memory_space<vmem>>
          %dma_wait3A_283 = arith.constant 0 : i32
          %dma_wait3A_284 = arith.constant 0 : i32
          %dma_wait3A_285 = tpu.memref_slice %arg9[%dma_wait3A_283, %dma_wait3A_284] : memref<10000x128xf32, #tpu.memory_space<vmem_shared>> -> memref<10000x128xf32, #tpu.memory_space<vmem_shared>>
          %dma_wait3A_286 = tpu.memref_slice %arg12[%rem3A_239] : memref<4x!tpu.dma_semaphore, #tpu.memory_space<semaphore_mem>> -> memref<1x!tpu.dma_semaphore, #tpu.memory_space<semaphore_mem>>
          %dma_wait3A_287 = tpu.memref_squeeze %dma_wait3A_286 : memref<1x!tpu.dma_semaphore, #tpu.memory_space<semaphore_mem>> -> memref<!tpu.dma_semaphore, #tpu.memory_space<semaphore_mem>>
          tpu.wait_indirect_dma semaphore(%dma_wait3A_287 : memref<!tpu.dma_semaphore, #tpu.memory_space<semaphore_mem>>) src(%dma_wait3A_279 : memref<80x128xf32, #tpu.memory_space<vmem>>) dst(%dma_wait3A_285 : memref<10000x128xf32, #tpu.memory_space<vmem_shared>>)
        } else {
        }
        %add3A_245 = arith.constant 2 : i32
        %add3A_246 = arith.addi %add3A_182, %add3A_245 : i32
        %mul3A_247 = arith.constant 80 : i32
        %mul3A_248 = arith.muli %add3A_246, %mul3A_247 : i32
        %add3A_249 = arith.addi %mul3A_8, %mul3A_248 : i32
        %dma_start3A_250 = arith.constant 0 : i32
        %dma_start3A_251 = arith.constant 0 : i32
        %dma_start3A_252 = tpu.memref_slice %arg7[%rem3A_239, %dma_start3A_250, %dma_start3A_251] : memref<4x2x80xi32, #tpu.memory_space<vmem>> -> memref<1x1x80xi32, #tpu.memory_space<vmem>>
        %dma_start3A_253 = tpu.memref_squeeze %dma_start3A_252 : memref<1x1x80xi32, #tpu.memory_space<vmem>> -> memref<80xi32, #tpu.memory_space<vmem>>
        %dma_start3A_254 = tpu.memref_slice %arg3[%add3A_249] : memref<320000xi32, #tpu.memory_space<hbm>> -> memref<80xi32, #tpu.memory_space<hbm>>
        %dma_start3A_255 = tpu.memref_slice %arg10[%rem3A_239] : memref<4x!tpu.dma_semaphore, #tpu.memory_space<semaphore_mem>> -> memref<1x!tpu.dma_semaphore, #tpu.memory_space<semaphore_mem>>
        %dma_start3A_256 = tpu.memref_squeeze %dma_start3A_255 : memref<1x!tpu.dma_semaphore, #tpu.memory_space<semaphore_mem>> -> memref<!tpu.dma_semaphore, #tpu.memory_space<semaphore_mem>>
        %dma_start3A_257 = arith.constant 0 : i32
        %dma_start3A_258 = tpu.memref_slice %arg7[%rem3A_239, %dma_start3A_250, %dma_start3A_257] : memref<4x2x80xi32, #tpu.memory_space<vmem>> -> memref<1x1x80xi32, #tpu.memory_space<vmem>>
        %dma_start3A_259 = tpu.memref_squeeze %dma_start3A_258 : memref<1x1x80xi32, #tpu.memory_space<vmem>> -> memref<80xi32, #tpu.memory_space<vmem>>
        %dma_start3A_260 = tpu.memref_slice %arg3[%add3A_249] : memref<320000xi32, #tpu.memory_space<hbm>> -> memref<80xi32, #tpu.memory_space<hbm>>
        tpu.enqueue_dma source(%dma_start3A_260 : memref<80xi32, #tpu.memory_space<hbm>>) target(%dma_start3A_259 : memref<80xi32, #tpu.memory_space<vmem>>) target_semaphore(%dma_start3A_256 : memref<!tpu.dma_semaphore, #tpu.memory_space<semaphore_mem>>)
        %mul3A_261 = arith.constant 80 : i32
        %mul3A_262 = arith.muli %add3A_246, %mul3A_261 : i32
        %add3A_263 = arith.addi %mul3A_8, %mul3A_262 : i32
        %dma_start3A_264 = arith.constant 1 : i32
        %dma_start3A_265 = arith.constant 0 : i32
        %dma_start3A_266 = tpu.memref_slice %arg7[%rem3A_239, %dma_start3A_264, %dma_start3A_265] : memref<4x2x80xi32, #tpu.memory_space<vmem>> -> memref<1x1x80xi32, #tpu.memory_space<vmem>>
        %dma_start3A_267 = tpu.memref_squeeze %dma_start3A_266 : memref<1x1x80xi32, #tpu.memory_space<vmem>> -> memref<80xi32, #tpu.memory_space<vmem>>
        %dma_start3A_268 = tpu.memref_slice %arg4[%add3A_263] : memref<320000xi32, #tpu.memory_space<hbm>> -> memref<80xi32, #tpu.memory_space<hbm>>
        %dma_start3A_269 = tpu.memref_slice %arg10[%rem3A_239] : memref<4x!tpu.dma_semaphore, #tpu.memory_space<semaphore_mem>> -> memref<1x!tpu.dma_semaphore, #tpu.memory_space<semaphore_mem>>
        %dma_start3A_270 = tpu.memref_squeeze %dma_start3A_269 : memref<1x!tpu.dma_semaphore, #tpu.memory_space<semaphore_mem>> -> memref<!tpu.dma_semaphore, #tpu.memory_space<semaphore_mem>>
        %dma_start3A_271 = arith.constant 0 : i32
        %dma_start3A_272 = tpu.memref_slice %arg7[%rem3A_239, %dma_start3A_264, %dma_start3A_271] : memref<4x2x80xi32, #tpu.memory_space<vmem>> -> memref<1x1x80xi32, #tpu.memory_space<vmem>>
        %dma_start3A_273 = tpu.memref_squeeze %dma_start3A_272 : memref<1x1x80xi32, #tpu.memory_space<vmem>> -> memref<80xi32, #tpu.memory_space<vmem>>
        %dma_start3A_274 = tpu.memref_slice %arg4[%add3A_263] : memref<320000xi32, #tpu.memory_space<hbm>> -> memref<80xi32, #tpu.memory_space<hbm>>
        tpu.enqueue_dma source(%dma_start3A_274 : memref<80xi32, #tpu.memory_space<hbm>>) target(%dma_start3A_273 : memref<80xi32, #tpu.memory_space<vmem>>) target_semaphore(%dma_start3A_270 : memref<!tpu.dma_semaphore, #tpu.memory_space<semaphore_mem>>)
      } else {
      }
    }
    %scan3A_71 = arith.constant 125 : i32
    %dma_wait3A = arith.constant 0 : i32
    %dma_wait3A_72 = arith.constant 0 : i32
    %dma_wait3A_73 = arith.constant 0 : i32
    %dma_wait3A_74 = arith.constant 0 : i32
    %dma_wait3A_75 = arith.constant 0 : i32
    %dma_wait3A_76 = arith.constant 0 : i32
    %dma_wait3A_77 = tpu.memref_slice %arg8[%dma_wait3A_73, %dma_wait3A_75, %dma_wait3A_76] : memref<4x80x128xf32, #tpu.memory_space<vmem>> -> memref<1x80x128xf32, #tpu.memory_space<vmem>>
    %dma_wait3A_78 = tpu.memref_squeeze %dma_wait3A_77 : memref<1x80x128xf32, #tpu.memory_space<vmem>> -> memref<80x128xf32, #tpu.memory_space<vmem>>
    %dma_wait3A_79 = arith.constant 0 : i32
    %dma_wait3A_80 = tpu.memref_slice %arg7[%dma_wait3A, %dma_wait3A_72, %dma_wait3A_79] : memref<4x2x80xi32, #tpu.memory_space<vmem>> -> memref<1x1x80xi32, #tpu.memory_space<vmem>>
    %dma_wait3A_81 = tpu.memref_squeeze %dma_wait3A_80 : memref<1x1x80xi32, #tpu.memory_space<vmem>> -> memref<80xi32, #tpu.memory_space<vmem>>
    %dma_wait3A_82 = arith.constant 0 : i32
    %dma_wait3A_83 = arith.constant 0 : i32
    %dma_wait3A_84 = tpu.memref_slice %arg2[%dma_wait3A_82, %dma_wait3A_83] : memref<10000x128xf32, #tpu.memory_space<hbm>> -> memref<10000x128xf32, #tpu.memory_space<hbm>>
    %dma_wait3A_85 = tpu.memref_slice %arg11[%dma_wait3A_74] : memref<4x!tpu.dma_semaphore, #tpu.memory_space<semaphore_mem>> -> memref<1x!tpu.dma_semaphore, #tpu.memory_space<semaphore_mem>>
    %dma_wait3A_86 = tpu.memref_squeeze %dma_wait3A_85 : memref<1x!tpu.dma_semaphore, #tpu.memory_space<semaphore_mem>> -> memref<!tpu.dma_semaphore, #tpu.memory_space<semaphore_mem>>
    tpu.wait_indirect_dma semaphore(%dma_wait3A_86 : memref<!tpu.dma_semaphore, #tpu.memory_space<semaphore_mem>>) src(%dma_wait3A_84 : memref<10000x128xf32, #tpu.memory_space<hbm>>) dst(%dma_wait3A_78 : memref<80x128xf32, #tpu.memory_space<vmem>>)
    %dma_start3A_87 = arith.constant 0 : i32
    %dma_start3A_88 = arith.constant 0 : i32
    %dma_start3A_89 = arith.constant 1 : i32
    %dma_start3A_90 = arith.constant 0 : i32
    %dma_start3A_91 = arith.constant 0 : i32
    %dma_start3A_92 = arith.constant 0 : i32
    %dma_start3A_93 = tpu.memref_slice %arg8[%dma_start3A_87, %dma_start3A_91, %dma_start3A_92] : memref<4x80x128xf32, #tpu.memory_space<vmem>> -> memref<1x80x128xf32, #tpu.memory_space<vmem>>
    %dma_start3A_94 = tpu.memref_squeeze %dma_start3A_93 : memref<1x80x128xf32, #tpu.memory_space<vmem>> -> memref<80x128xf32, #tpu.memory_space<vmem>>
    %dma_start3A_95 = arith.constant 0 : i32
    %dma_start3A_96 = tpu.memref_slice %arg7[%dma_start3A_88, %dma_start3A_89, %dma_start3A_95] : memref<4x2x80xi32, #tpu.memory_space<vmem>> -> memref<1x1x80xi32, #tpu.memory_space<vmem>>
    %dma_start3A_97 = tpu.memref_squeeze %dma_start3A_96 : memref<1x1x80xi32, #tpu.memory_space<vmem>> -> memref<80xi32, #tpu.memory_space<vmem>>
    %dma_start3A_98 = arith.constant 0 : i32
    %dma_start3A_99 = arith.constant 0 : i32
    %dma_start3A_100 = tpu.memref_slice %arg9[%dma_start3A_98, %dma_start3A_99] : memref<10000x128xf32, #tpu.memory_space<vmem_shared>> -> memref<10000x128xf32, #tpu.memory_space<vmem_shared>>
    %dma_start3A_101 = tpu.memref_slice %arg12[%dma_start3A_90] : memref<4x!tpu.dma_semaphore, #tpu.memory_space<semaphore_mem>> -> memref<1x!tpu.dma_semaphore, #tpu.memory_space<semaphore_mem>>
    %dma_start3A_102 = tpu.memref_squeeze %dma_start3A_101 : memref<1x!tpu.dma_semaphore, #tpu.memory_space<semaphore_mem>> -> memref<!tpu.dma_semaphore, #tpu.memory_space<semaphore_mem>>
    tpu.enqueue_indirect_dma source(%dma_start3A_94 : memref<80x128xf32, #tpu.memory_space<vmem>>) target(%dma_start3A_100 : memref<10000x128xf32, #tpu.memory_space<vmem_shared>>) offsets(%dma_start3A_97 : memref<80xi32, #tpu.memory_space<vmem>>) semaphore(%dma_start3A_102 : memref<!tpu.dma_semaphore, #tpu.memory_space<semaphore_mem>>) {add = true}
    %dma_wait3A_103 = arith.constant 1 : i32
    %dma_wait3A_104 = arith.constant 1 : i32
    %dma_wait3A_105 = arith.constant 1 : i32
    %dma_wait3A_106 = arith.constant 1 : i32
    %dma_wait3A_107 = arith.constant 0 : i32
    %dma_wait3A_108 = arith.constant 0 : i32
    %dma_wait3A_109 = tpu.memref_slice %arg8[%dma_wait3A_103, %dma_wait3A_107, %dma_wait3A_108] : memref<4x80x128xf32, #tpu.memory_space<vmem>> -> memref<1x80x128xf32, #tpu.memory_space<vmem>>
    %dma_wait3A_110 = tpu.memref_squeeze %dma_wait3A_109 : memref<1x80x128xf32, #tpu.memory_space<vmem>> -> memref<80x128xf32, #tpu.memory_space<vmem>>
    %dma_wait3A_111 = arith.constant 0 : i32
    %dma_wait3A_112 = tpu.memref_slice %arg7[%dma_wait3A_104, %dma_wait3A_105, %dma_wait3A_111] : memref<4x2x80xi32, #tpu.memory_space<vmem>> -> memref<1x1x80xi32, #tpu.memory_space<vmem>>
    %dma_wait3A_113 = tpu.memref_squeeze %dma_wait3A_112 : memref<1x1x80xi32, #tpu.memory_space<vmem>> -> memref<80xi32, #tpu.memory_space<vmem>>
    %dma_wait3A_114 = arith.constant 0 : i32
    %dma_wait3A_115 = arith.constant 0 : i32
    %dma_wait3A_116 = tpu.memref_slice %arg9[%dma_wait3A_114, %dma_wait3A_115] : memref<10000x128xf32, #tpu.memory_space<vmem_shared>> -> memref<10000x128xf32, #tpu.memory_space<vmem_shared>>
    %dma_wait3A_117 = tpu.memref_slice %arg12[%dma_wait3A_106] : memref<4x!tpu.dma_semaphore, #tpu.memory_space<semaphore_mem>> -> memref<1x!tpu.dma_semaphore, #tpu.memory_space<semaphore_mem>>
    %dma_wait3A_118 = tpu.memref_squeeze %dma_wait3A_117 : memref<1x!tpu.dma_semaphore, #tpu.memory_space<semaphore_mem>> -> memref<!tpu.dma_semaphore, #tpu.memory_space<semaphore_mem>>
    tpu.wait_indirect_dma semaphore(%dma_wait3A_118 : memref<!tpu.dma_semaphore, #tpu.memory_space<semaphore_mem>>) src(%dma_wait3A_110 : memref<80x128xf32, #tpu.memory_space<vmem>>) dst(%dma_wait3A_116 : memref<10000x128xf32, #tpu.memory_space<vmem_shared>>)
    %dma_wait3A_119 = arith.constant 2 : i32
    %dma_wait3A_120 = arith.constant 2 : i32
    %dma_wait3A_121 = arith.constant 1 : i32
    %dma_wait3A_122 = arith.constant 2 : i32
    %dma_wait3A_123 = arith.constant 0 : i32
    %dma_wait3A_124 = arith.constant 0 : i32
    %dma_wait3A_125 = tpu.memref_slice %arg8[%dma_wait3A_119, %dma_wait3A_123, %dma_wait3A_124] : memref<4x80x128xf32, #tpu.memory_space<vmem>> -> memref<1x80x128xf32, #tpu.memory_space<vmem>>
    %dma_wait3A_126 = tpu.memref_squeeze %dma_wait3A_125 : memref<1x80x128xf32, #tpu.memory_space<vmem>> -> memref<80x128xf32, #tpu.memory_space<vmem>>
    %dma_wait3A_127 = arith.constant 0 : i32
    %dma_wait3A_128 = tpu.memref_slice %arg7[%dma_wait3A_120, %dma_wait3A_121, %dma_wait3A_127] : memref<4x2x80xi32, #tpu.memory_space<vmem>> -> memref<1x1x80xi32, #tpu.memory_space<vmem>>
    %dma_wait3A_129 = tpu.memref_squeeze %dma_wait3A_128 : memref<1x1x80xi32, #tpu.memory_space<vmem>> -> memref<80xi32, #tpu.memory_space<vmem>>
    %dma_wait3A_130 = arith.constant 0 : i32
    %dma_wait3A_131 = arith.constant 0 : i32
    %dma_wait3A_132 = tpu.memref_slice %arg9[%dma_wait3A_130, %dma_wait3A_131] : memref<10000x128xf32, #tpu.memory_space<vmem_shared>> -> memref<10000x128xf32, #tpu.memory_space<vmem_shared>>
    %dma_wait3A_133 = tpu.memref_slice %arg12[%dma_wait3A_122] : memref<4x!tpu.dma_semaphore, #tpu.memory_space<semaphore_mem>> -> memref<1x!tpu.dma_semaphore, #tpu.memory_space<semaphore_mem>>
    %dma_wait3A_134 = tpu.memref_squeeze %dma_wait3A_133 : memref<1x!tpu.dma_semaphore, #tpu.memory_space<semaphore_mem>> -> memref<!tpu.dma_semaphore, #tpu.memory_space<semaphore_mem>>
    tpu.wait_indirect_dma semaphore(%dma_wait3A_134 : memref<!tpu.dma_semaphore, #tpu.memory_space<semaphore_mem>>) src(%dma_wait3A_126 : memref<80x128xf32, #tpu.memory_space<vmem>>) dst(%dma_wait3A_132 : memref<10000x128xf32, #tpu.memory_space<vmem_shared>>)
    %dma_wait3A_135 = arith.constant 3 : i32
    %dma_wait3A_136 = arith.constant 3 : i32
    %dma_wait3A_137 = arith.constant 1 : i32
    %dma_wait3A_138 = arith.constant 3 : i32
    %dma_wait3A_139 = arith.constant 0 : i32
    %dma_wait3A_140 = arith.constant 0 : i32
    %dma_wait3A_141 = tpu.memref_slice %arg8[%dma_wait3A_135, %dma_wait3A_139, %dma_wait3A_140] : memref<4x80x128xf32, #tpu.memory_space<vmem>> -> memref<1x80x128xf32, #tpu.memory_space<vmem>>
    %dma_wait3A_142 = tpu.memref_squeeze %dma_wait3A_141 : memref<1x80x128xf32, #tpu.memory_space<vmem>> -> memref<80x128xf32, #tpu.memory_space<vmem>>
    %dma_wait3A_143 = arith.constant 0 : i32
    %dma_wait3A_144 = tpu.memref_slice %arg7[%dma_wait3A_136, %dma_wait3A_137, %dma_wait3A_143] : memref<4x2x80xi32, #tpu.memory_space<vmem>> -> memref<1x1x80xi32, #tpu.memory_space<vmem>>
    %dma_wait3A_145 = tpu.memref_squeeze %dma_wait3A_144 : memref<1x1x80xi32, #tpu.memory_space<vmem>> -> memref<80xi32, #tpu.memory_space<vmem>>
    %dma_wait3A_146 = arith.constant 0 : i32
    %dma_wait3A_147 = arith.constant 0 : i32
    %dma_wait3A_148 = tpu.memref_slice %arg9[%dma_wait3A_146, %dma_wait3A_147] : memref<10000x128xf32, #tpu.memory_space<vmem_shared>> -> memref<10000x128xf32, #tpu.memory_space<vmem_shared>>
    %dma_wait3A_149 = tpu.memref_slice %arg12[%dma_wait3A_138] : memref<4x!tpu.dma_semaphore, #tpu.memory_space<semaphore_mem>> -> memref<1x!tpu.dma_semaphore, #tpu.memory_space<semaphore_mem>>
    %dma_wait3A_150 = tpu.memref_squeeze %dma_wait3A_149 : memref<1x!tpu.dma_semaphore, #tpu.memory_space<semaphore_mem>> -> memref<!tpu.dma_semaphore, #tpu.memory_space<semaphore_mem>>
    tpu.wait_indirect_dma semaphore(%dma_wait3A_150 : memref<!tpu.dma_semaphore, #tpu.memory_space<semaphore_mem>>) src(%dma_wait3A_142 : memref<80x128xf32, #tpu.memory_space<vmem>>) dst(%dma_wait3A_148 : memref<10000x128xf32, #tpu.memory_space<vmem_shared>>)
    %dma_wait3A_151 = arith.constant 0 : i32
    %dma_wait3A_152 = arith.constant 0 : i32
    %dma_wait3A_153 = arith.constant 1 : i32
    %dma_wait3A_154 = arith.constant 0 : i32
    %dma_wait3A_155 = arith.constant 0 : i32
    %dma_wait3A_156 = arith.constant 0 : i32
    %dma_wait3A_157 = tpu.memref_slice %arg8[%dma_wait3A_151, %dma_wait3A_155, %dma_wait3A_156] : memref<4x80x128xf32, #tpu.memory_space<vmem>> -> memref<1x80x128xf32, #tpu.memory_space<vmem>>
    %dma_wait3A_158 = tpu.memref_squeeze %dma_wait3A_157 : memref<1x80x128xf32, #tpu.memory_space<vmem>> -> memref<80x128xf32, #tpu.memory_space<vmem>>
    %dma_wait3A_159 = arith.constant 0 : i32
    %dma_wait3A_160 = tpu.memref_slice %arg7[%dma_wait3A_152, %dma_wait3A_153, %dma_wait3A_159] : memref<4x2x80xi32, #tpu.memory_space<vmem>> -> memref<1x1x80xi32, #tpu.memory_space<vmem>>
    %dma_wait3A_161 = tpu.memref_squeeze %dma_wait3A_160 : memref<1x1x80xi32, #tpu.memory_space<vmem>> -> memref<80xi32, #tpu.memory_space<vmem>>
    %dma_wait3A_162 = arith.constant 0 : i32
    %dma_wait3A_163 = arith.constant 0 : i32
    %dma_wait3A_164 = tpu.memref_slice %arg9[%dma_wait3A_162, %dma_wait3A_163] : memref<10000x128xf32, #tpu.memory_space<vmem_shared>> -> memref<10000x128xf32, #tpu.memory_space<vmem_shared>>
    %dma_wait3A_165 = tpu.memref_slice %arg12[%dma_wait3A_154] : memref<4x!tpu.dma_semaphore, #tpu.memory_space<semaphore_mem>> -> memref<1x!tpu.dma_semaphore, #tpu.memory_space<semaphore_mem>>
    %dma_wait3A_166 = tpu.memref_squeeze %dma_wait3A_165 : memref<1x!tpu.dma_semaphore, #tpu.memory_space<semaphore_mem>> -> memref<!tpu.dma_semaphore, #tpu.memory_space<semaphore_mem>>
    tpu.wait_indirect_dma semaphore(%dma_wait3A_166 : memref<!tpu.dma_semaphore, #tpu.memory_space<semaphore_mem>>) src(%dma_wait3A_158 : memref<80x128xf32, #tpu.memory_space<vmem>>) dst(%dma_wait3A_164 : memref<10000x128xf32, #tpu.memory_space<vmem_shared>>)
    %barrier3A_167 = arith.constant 0 : index
    tpu.barrier barrier_id(%barrier3A_167)
    %lt3A_168 = arith.constant 15 : i32
    %lt3A_169 = arith.cmpi slt, %arg1, %lt3A_168 : i32
    %convert_element_type3A_170 = arith.extui %lt3A_169 : i1 to i32
    %cond3A_171 = arith.constant 0 : i32
    %cond3A_172 = arith.cmpi ne, %convert_element_type3A_170, %cond3A_171 : i32
    scf.if %cond3A_172 {
      %mul3A_178 = arith.constant 632 : i32
      %mul3A_179 = arith.muli %arg1, %mul3A_178 : i32
      %mul3A_180 = arith.constant 632 : i32
      %mul3A_181 = arith.muli %arg1, %mul3A_180 : i32
      "tpu.region"() ({
        %run_scoped3A = tpu.sem_alloc : memref<!tpu.dma_semaphore, #tpu.memory_space<semaphore_mem>>
        %dma_start3A_182 = arith.constant 0 : i32
        %dma_start3A_183 = tpu.memref_slice %arg6[%arg0, %mul3A_181, %dma_start3A_182] : memref<2x10000x128xf32, #tpu.memory_space<hbm>> -> memref<1x632x128xf32, #tpu.memory_space<hbm>>
        %dma_start3A_184 = tpu.memref_squeeze %dma_start3A_183 : memref<1x632x128xf32, #tpu.memory_space<hbm>> -> memref<632x128xf32, #tpu.memory_space<hbm>>
        %dma_start3A_185 = arith.constant 0 : i32
        %dma_start3A_186 = tpu.memref_slice %arg9[%mul3A_179, %dma_start3A_185] : memref<10000x128xf32, #tpu.memory_space<vmem_shared>> -> memref<632x128xf32, #tpu.memory_space<vmem_shared>>
        tpu.enqueue_dma source(%dma_start3A_186 : memref<632x128xf32, #tpu.memory_space<vmem_shared>>) target(%dma_start3A_184 : memref<632x128xf32, #tpu.memory_space<hbm>>) target_semaphore(%run_scoped3A : memref<!tpu.dma_semaphore, #tpu.memory_space<semaphore_mem>>)
        %dma_wait3A_187 = arith.constant 0 : i32
        %dma_wait3A_188 = tpu.memref_slice %arg6[%arg0, %mul3A_181, %dma_wait3A_187] : memref<2x10000x128xf32, #tpu.memory_space<hbm>> -> memref<1x632x128xf32, #tpu.memory_space<hbm>>
        %dma_wait3A_189 = tpu.memref_squeeze %dma_wait3A_188 : memref<1x632x128xf32, #tpu.memory_space<hbm>> -> memref<632x128xf32, #tpu.memory_space<hbm>>
        %dma_wait3A_190 = arith.constant 0 : i32
        %dma_wait3A_191 = tpu.memref_slice %arg9[%mul3A_179, %dma_wait3A_190] : memref<10000x128xf32, #tpu.memory_space<vmem_shared>> -> memref<632x128xf32, #tpu.memory_space<vmem_shared>>
        tpu.wait_dma2 semaphore(%run_scoped3A : memref<!tpu.dma_semaphore, #tpu.memory_space<semaphore_mem>>) src(%dma_wait3A_191 : memref<632x128xf32, #tpu.memory_space<vmem_shared>>) dst(%dma_wait3A_189 : memref<632x128xf32, #tpu.memory_space<hbm>>)
        tpu.yield
      }) : () -> ()
    } else {
    }
    %eq3A_173 = arith.constant 15 : i32
    %eq3A_174 = arith.cmpi eq, %arg1, %eq3A_173 : i32
    %convert_element_type3A_175 = arith.extui %eq3A_174 : i1 to i32
    %cond3A_176 = arith.constant 0 : i32
    %cond3A_177 = arith.cmpi ne, %convert_element_type3A_175, %cond3A_176 : i32
    scf.if %cond3A_177 {
      "tpu.region"() ({
        %run_scoped3A = tpu.sem_alloc : memref<!tpu.dma_semaphore, #tpu.memory_space<semaphore_mem>>
        %dma_start3A_178 = arith.constant 9480 : i32
        %dma_start3A_179 = arith.constant 0 : i32
        %dma_start3A_180 = tpu.memref_slice %arg6[%arg0, %dma_start3A_178, %dma_start3A_179] : memref<2x10000x128xf32, #tpu.memory_space<hbm>> -> memref<1x520x128xf32, #tpu.memory_space<hbm>>
        %dma_start3A_181 = tpu.memref_squeeze %dma_start3A_180 : memref<1x520x128xf32, #tpu.memory_space<hbm>> -> memref<520x128xf32, #tpu.memory_space<hbm>>
        %dma_start3A_182 = arith.constant 9480 : i32
        %dma_start3A_183 = arith.constant 0 : i32
        %dma_start3A_184 = tpu.memref_slice %arg9[%dma_start3A_182, %dma_start3A_183] : memref<10000x128xf32, #tpu.memory_space<vmem_shared>> -> memref<520x128xf32, #tpu.memory_space<vmem_shared>>
        tpu.enqueue_dma source(%dma_start3A_184 : memref<520x128xf32, #tpu.memory_space<vmem_shared>>) target(%dma_start3A_181 : memref<520x128xf32, #tpu.memory_space<hbm>>) target_semaphore(%run_scoped3A : memref<!tpu.dma_semaphore, #tpu.memory_space<semaphore_mem>>)
        %dma_wait3A_185 = arith.constant 9480 : i32
        %dma_wait3A_186 = arith.constant 0 : i32
        %dma_wait3A_187 = tpu.memref_slice %arg6[%arg0, %dma_wait3A_185, %dma_wait3A_186] : memref<2x10000x128xf32, #tpu.memory_space<hbm>> -> memref<1x520x128xf32, #tpu.memory_space<hbm>>
        %dma_wait3A_188 = tpu.memref_squeeze %dma_wait3A_187 : memref<1x520x128xf32, #tpu.memory_space<hbm>> -> memref<520x128xf32, #tpu.memory_space<hbm>>
        %dma_wait3A_189 = arith.constant 9480 : i32
        %dma_wait3A_190 = arith.constant 0 : i32
        %dma_wait3A_191 = tpu.memref_slice %arg9[%dma_wait3A_189, %dma_wait3A_190] : memref<10000x128xf32, #tpu.memory_space<vmem_shared>> -> memref<520x128xf32, #tpu.memory_space<vmem_shared>>
        tpu.wait_dma2 semaphore(%run_scoped3A : memref<!tpu.dma_semaphore, #tpu.memory_space<semaphore_mem>>) src(%dma_wait3A_191 : memref<520x128xf32, #tpu.memory_space<vmem_shared>>) dst(%dma_wait3A_188 : memref<520x128xf32, #tpu.memory_space<hbm>>)
        tpu.yield
      }) : () -> ()
    } else {
    }
    return
  }
}

module attributes {stable_mosaic.version = 14 : i64} {
  func.func @body(%arg0: i32, %arg1: i32, %arg2: memref<2x1000x128xf32, #tpu.memory_space<vmem>>, %arg3: memref<1000x128xf32, #tpu.memory_space<vmem>>, %arg4: memref<1000x1xf32, #tpu.memory_space<vmem>>, %arg5: memref<1x128xf32, #tpu.memory_space<vmem>>, %arg6: memref<1x128xf32, #tpu.memory_space<vmem>>, %arg7: memref<1x128xf32, #tpu.memory_space<vmem>>, %arg8: memref<128x128xf32, #tpu.memory_space<vmem>>, %arg9: memref<1000x128xf32, #tpu.memory_space<vmem>>, %arg10: memref<10000x128xf32, #tpu.memory_space<vmem>>, %arg11: memref<2x128xf32, #tpu.memory_space<vmem>>) attributes {dimension_semantics = [#tpu.dimension_semantics<arbitrary>, #tpu.dimension_semantics<arbitrary>], iteration_bounds = array<i64: 2, 10>, scalar_prefetch = 0 : i64, scratch_operands = 2 : i64, tpu.core_type = #tpu.core_type<tc>, window_params = [{transform_indices = @transform_0, window_bounds = array<i64: 2, 1000, 128>}, {transform_indices = @transform_1, window_bounds = array<i64: 1000, 128>}, {transform_indices = @transform_2, window_bounds = array<i64: 1000, 1>}, {pipeline_mode = #tpu.pipeline_mode<synchronous>, transform_indices = @transform_3, window_bounds = array<i64: 1, 128>}, {pipeline_mode = #tpu.pipeline_mode<synchronous>, transform_indices = @transform_4, window_bounds = array<i64: 1, 128>}, {pipeline_mode = #tpu.pipeline_mode<synchronous>, transform_indices = @transform_5, window_bounds = array<i64: 1, 128>}, {pipeline_mode = #tpu.pipeline_mode<synchronous>, transform_indices = @transform_6, window_bounds = array<i64: 128, 128>}, {transform_indices = @transform_7, window_bounds = array<i64: 1000, 128>}]} {
    %eq3A = arith.constant 0 : i32
    %eq3A_0 = arith.cmpi eq, %arg0, %eq3A : i32
    %convert_element_type3A = arith.extui %eq3A_0 : i1 to i32
    %cond3A = arith.constant 0 : i32
    %cond3A_1 = arith.cmpi ne, %convert_element_type3A, %cond3A : i32
    scf.if %cond3A_1 {
      %get3A = arith.constant 0 : index
      %get3A_7 = arith.constant 0 : index
      %get3A_8 = arith.constant 0 : index
      %get3A_9 = vector.load %arg2[%get3A, %get3A_7, %get3A_8] : memref<2x1000x128xf32, #tpu.memory_space<vmem>>, vector<2x1000x128xf32>
      %get3A_10 = arith.constant 0 : index
      %get3A_11 = arith.constant 0 : index
      %get3A_12 = vector.load %arg4[%get3A_10, %get3A_11] : memref<1000x1xf32, #tpu.memory_space<vmem>>, vector<1000x1xf32>
      %slice3A = vector.extract_strided_slice %get3A_9 {offsets = [0, 0, 0], sizes = [1, 1000, 128], strides = [1, 1, 1]} : vector<2x1000x128xf32> to vector<1x1000x128xf32>
      %squeeze3A = vector.shape_cast %slice3A : vector<1x1000x128xf32> to vector<1000x128xf32>
      %slice3A_13 = vector.extract_strided_slice %get3A_9 {offsets = [1, 0, 0], sizes = [1, 1000, 128], strides = [1, 1, 1]} : vector<2x1000x128xf32> to vector<1x1000x128xf32>
      %squeeze3A_14 = vector.shape_cast %slice3A_13 : vector<1x1000x128xf32> to vector<1000x128xf32>
      %add3A = arith.addf %squeeze3A, %squeeze3A_14 : vector<1000x128xf32>
      %get3A_15 = arith.constant 0 : index
      %get3A_16 = arith.constant 0 : index
      %get3A_17 = vector.load %arg3[%get3A_15, %get3A_16] : memref<1000x128xf32, #tpu.memory_space<vmem>>, vector<1000x128xf32>
      %add3A_18 = arith.addf %add3A, %get3A_17 : vector<1000x128xf32>
      %mul3A = vector.broadcast %get3A_12 : vector<1000x1xf32> to vector<1000x128xf32>
      %mul3A_19 = arith.mulf %mul3A, %add3A_18 : vector<1000x128xf32>
      %get3A_20 = arith.constant 0 : index
      %get3A_21 = arith.constant 0 : index
      %get3A_22 = vector.load %arg5[%get3A_20, %get3A_21] : memref<1x128xf32, #tpu.memory_space<vmem>>, vector<1x128xf32>
      %add3A_23 = vector.broadcast %get3A_22 : vector<1x128xf32> to vector<1000x128xf32>
      %add3A_24 = arith.addf %mul3A_19, %add3A_23 : vector<1000x128xf32>
      %mul3A_25 = arith.constant 1000 : i32
      %mul3A_26 = arith.muli %arg1, %mul3A_25 : i32
      %swap3A = arith.index_cast %mul3A_26 : i32 to index
      %swap3A_27 = arith.constant 0 : index
      %swap3A_28 = vector.load %arg10[%swap3A, %swap3A_27] : memref<10000x128xf32, #tpu.memory_space<vmem>>, vector<1000x128xf32>
      tpu.vector_store %arg10[%swap3A, %swap3A_27], %add3A_24 {strides = array<i32>} : memref<10000x128xf32, #tpu.memory_space<vmem>>, vector<1000x128xf32>,
      %eq3A_29 = arith.constant 0 : i32
      %eq3A_30 = arith.cmpi eq, %arg1, %eq3A_29 : i32
      %convert_element_type3A_31 = arith.extui %eq3A_30 : i1 to i32
      %cond3A_32 = arith.constant 0 : i32
      %cond3A_33 = arith.cmpi ne, %convert_element_type3A_31, %cond3A_32 : i32
      scf.if %cond3A_33 {
        %broadcast_in_dim3A = arith.constant 0.000000e+00 : f32
        %broadcast_in_dim3A_47 = vector.broadcast %broadcast_in_dim3A : f32 to vector<2x128xf32>
        %swap3A_48 = arith.constant 0 : index
        %swap3A_49 = arith.constant 0 : index
        %swap3A_50 = vector.load %arg11[%swap3A_48, %swap3A_49] : memref<2x128xf32, #tpu.memory_space<vmem>>, vector<2x128xf32>
        tpu.vector_store %arg11[%swap3A_48, %swap3A_49], %broadcast_in_dim3A_47 {strides = array<i32>} : memref<2x128xf32, #tpu.memory_space<vmem>>, vector<2x128xf32>,
      } else {
      }
      %get3A_34 = arith.constant 0 : index
      %get3A_35 = arith.constant 0 : index
      %get3A_36 = vector.load %arg11[%get3A_34, %get3A_35] : memref<2x128xf32, #tpu.memory_space<vmem>>, vector<2x128xf32>
      %reduce_sum3A = arith.constant dense<0.000000e+00> : vector<128xf32>
      %reduce_sum3A_37 = vector.multi_reduction <add>, %add3A_24, %reduce_sum3A [0] : vector<1000x128xf32> to vector<128xf32>
      %mul3A_38 = arith.mulf %add3A_24, %add3A_24 : vector<1000x128xf32>
      %reduce_sum3A_39 = arith.constant dense<0.000000e+00> : vector<128xf32>
      %reduce_sum3A_40 = vector.multi_reduction <add>, %mul3A_38, %reduce_sum3A_39 [0] : vector<1000x128xf32> to vector<128xf32>
      %stack3A = vector.shape_cast %reduce_sum3A_37 : vector<128xf32> to vector<1x128xf32>
      %stack3A_41 = vector.shape_cast %reduce_sum3A_40 : vector<128xf32> to vector<1x128xf32>
      %stack3A_42 = tpu.concatenate %stack3A, %stack3A_41 in 0 : vector<1x128xf32>, vector<1x128xf32> -> vector<2x128xf32>
      %add3A_43 = arith.addf %get3A_36, %stack3A_42 : vector<2x128xf32>
      %swap3A_44 = arith.constant 0 : index
      %swap3A_45 = arith.constant 0 : index
      %swap3A_46 = vector.load %arg11[%swap3A_44, %swap3A_45] : memref<2x128xf32, #tpu.memory_space<vmem>>, vector<2x128xf32>
      tpu.vector_store %arg11[%swap3A_44, %swap3A_45], %add3A_43 {strides = array<i32>} : memref<2x128xf32, #tpu.memory_space<vmem>>, vector<2x128xf32>,
    } else {
    }
    %eq3A_2 = arith.constant 1 : i32
    %eq3A_3 = arith.cmpi eq, %arg0, %eq3A_2 : i32
    %convert_element_type3A_4 = arith.extui %eq3A_3 : i1 to i32
    %cond3A_5 = arith.constant 0 : i32
    %cond3A_6 = arith.cmpi ne, %convert_element_type3A_4, %cond3A_5 : i32
    scf.if %cond3A_6 {
      %get3A = arith.constant 0 : index
      %get3A_7 = arith.constant 0 : index
      %get3A_8 = vector.load %arg11[%get3A, %get3A_7] : memref<2x128xf32, #tpu.memory_space<vmem>>, vector<2x128xf32>
      %slice3A = vector.extract_strided_slice %get3A_8 {offsets = [0, 0], sizes = [1, 128], strides = [1, 1]} : vector<2x128xf32> to vector<1x128xf32>
      %mul3A = arith.constant 9.99999974E-5 : f32
      %mul3A_9 = vector.broadcast %mul3A : f32 to vector<1x128xf32>
      %mul3A_10 = arith.mulf %slice3A, %mul3A_9 : vector<1x128xf32>
      %slice3A_11 = vector.extract_strided_slice %get3A_8 {offsets = [1, 0], sizes = [1, 128], strides = [1, 1]} : vector<2x128xf32> to vector<1x128xf32>
      %mul3A_12 = arith.constant 9.99999974E-5 : f32
      %mul3A_13 = vector.broadcast %mul3A_12 : f32 to vector<1x128xf32>
      %mul3A_14 = arith.mulf %slice3A_11, %mul3A_13 : vector<1x128xf32>
      %mul3A_15 = arith.mulf %mul3A_10, %mul3A_10 : vector<1x128xf32>
      %sub3A = arith.subf %mul3A_14, %mul3A_15 : vector<1x128xf32>
      %mul3A_16 = arith.constant 1000 : i32
      %mul3A_17 = arith.muli %arg1, %mul3A_16 : i32
      %get3A_18 = arith.index_cast %mul3A_17 : i32 to index
      %get3A_19 = arith.constant 0 : index
      %get3A_20 = vector.load %arg10[%get3A_18, %get3A_19] : memref<10000x128xf32, #tpu.memory_space<vmem>>, vector<1000x128xf32>
      %sub3A_21 = vector.broadcast %mul3A_10 : vector<1x128xf32> to vector<1000x128xf32>
      %sub3A_22 = arith.subf %get3A_20, %sub3A_21 : vector<1000x128xf32>
      %add3A = arith.constant 9.99999974E-6 : f32
      %add3A_23 = vector.broadcast %add3A : f32 to vector<1x128xf32>
      %add3A_24 = arith.addf %sub3A, %add3A_23 : vector<1x128xf32>
      %rsqrt3A = math.rsqrt %add3A_24 : vector<1x128xf32>
      %mul3A_25 = vector.broadcast %rsqrt3A : vector<1x128xf32> to vector<1000x128xf32>
      %mul3A_26 = arith.mulf %sub3A_22, %mul3A_25 : vector<1000x128xf32>
      %get3A_27 = arith.constant 0 : index
      %get3A_28 = arith.constant 0 : index
      %get3A_29 = vector.load %arg6[%get3A_27, %get3A_28] : memref<1x128xf32, #tpu.memory_space<vmem>>, vector<1x128xf32>
      %mul3A_30 = vector.broadcast %get3A_29 : vector<1x128xf32> to vector<1000x128xf32>
      %mul3A_31 = arith.mulf %mul3A_26, %mul3A_30 : vector<1000x128xf32>
      %get3A_32 = arith.constant 0 : index
      %get3A_33 = arith.constant 0 : index
      %get3A_34 = vector.load %arg7[%get3A_32, %get3A_33] : memref<1x128xf32, #tpu.memory_space<vmem>>, vector<1x128xf32>
      %add3A_35 = vector.broadcast %get3A_34 : vector<1x128xf32> to vector<1000x128xf32>
      %add3A_36 = arith.addf %mul3A_31, %add3A_35 : vector<1000x128xf32>
      %max3A = arith.constant 0.000000e+00 : f32
      %max3A_37 = vector.broadcast %max3A : f32 to vector<1000x128xf32>
      %max3A_38 = arith.maximumf %add3A_36, %max3A_37 : vector<1000x128xf32>
      %get3A_39 = arith.constant 0 : index
      %get3A_40 = arith.constant 0 : index
      %get3A_41 = vector.load %arg4[%get3A_39, %get3A_40] : memref<1000x1xf32, #tpu.memory_space<vmem>>, vector<1000x1xf32>
      %get3A_42 = arith.constant 0 : index
      %get3A_43 = arith.constant 0 : index
      %get3A_44 = vector.load %arg8[%get3A_42, %get3A_43] : memref<128x128xf32, #tpu.memory_space<vmem>>, vector<128x128xf32>
      %dot_general3A = arith.constant dense<0.000000e+00> : vector<1000x128xf32>
      %dot_general3A_45 = tpu.matmul %max3A_38, %get3A_44, %dot_general3A {dimension_numbers = #tpu.dot_dimension_numbers<[1], [0], [0], [1], [0, 0, 1, 1], [], []>, transpose_lhs_hint = false} : vector<1000x128xf32>, vector<128x128xf32>, vector<1000x128xf32> -> vector<1000x128xf32>
      %mul3A_46 = vector.broadcast %get3A_41 : vector<1000x1xf32> to vector<1000x128xf32>
      %mul3A_47 = arith.mulf %mul3A_46, %dot_general3A_45 : vector<1000x128xf32>
      %swap3A = arith.constant 0 : index
      %swap3A_48 = arith.constant 0 : index
      %swap3A_49 = vector.load %arg9[%swap3A, %swap3A_48] : memref<1000x128xf32, #tpu.memory_space<vmem>>, vector<1000x128xf32>
      tpu.vector_store %arg9[%swap3A, %swap3A_48], %mul3A_47 {strides = array<i32>} : memref<1000x128xf32, #tpu.memory_space<vmem>>, vector<1000x128xf32>,
    } else {
    }
    return
  }
  func.func @transform_0(%arg0: i32, %arg1: i32) -> (i32, i32, i32) {
    %eq3A = arith.constant 0 : i32
    %eq3A_0 = arith.cmpi eq, %arg0, %eq3A : i32
    %jit3A = arith.constant 0 : i32
    %select_n3A = arith.select %eq3A_0, %arg1, %jit3A : i32
    %c0_i32 = arith.constant 0 : i32
    %c0_i32_1 = arith.constant 0 : i32
    %c0_i32_2 = arith.constant 0 : i32
    return %c0_i32, %select_n3A, %c0_i32_1 : i32, i32, i32
  }
  func.func @transform_1(%arg0: i32, %arg1: i32) -> (i32, i32) {
    %eq3A = arith.constant 0 : i32
    %eq3A_0 = arith.cmpi eq, %arg0, %eq3A : i32
    %jit3A = arith.constant 0 : i32
    %select_n3A = arith.select %eq3A_0, %arg1, %jit3A : i32
    %c0_i32 = arith.constant 0 : i32
    %c0_i32_1 = arith.constant 0 : i32
    return %select_n3A, %c0_i32 : i32, i32
  }
  func.func @transform_2(%arg0: i32, %arg1: i32) -> (i32, i32) {
    %c0_i32 = arith.constant 0 : i32
    %c0_i32_0 = arith.constant 0 : i32
    return %arg1, %c0_i32 : i32, i32
  }
  func.func @transform_3(%arg0: i32, %arg1: i32) -> (i32, i32) {
    %c0_i32 = arith.constant 0 : i32
    %c0_i32_0 = arith.constant 0 : i32
    %c0_i32_1 = arith.constant 0 : i32
    return %c0_i32, %c0_i32_0 : i32, i32
  }
  func.func @transform_4(%arg0: i32, %arg1: i32) -> (i32, i32) {
    %c0_i32 = arith.constant 0 : i32
    %c0_i32_0 = arith.constant 0 : i32
    %c0_i32_1 = arith.constant 0 : i32
    return %c0_i32, %c0_i32_0 : i32, i32
  }
  func.func @transform_5(%arg0: i32, %arg1: i32) -> (i32, i32) {
    %c0_i32 = arith.constant 0 : i32
    %c0_i32_0 = arith.constant 0 : i32
    %c0_i32_1 = arith.constant 0 : i32
    return %c0_i32, %c0_i32_0 : i32, i32
  }
  func.func @transform_6(%arg0: i32, %arg1: i32) -> (i32, i32) {
    %c0_i32 = arith.constant 0 : i32
    %c0_i32_0 = arith.constant 0 : i32
    %c0_i32_1 = arith.constant 0 : i32
    return %c0_i32, %c0_i32_0 : i32, i32
  }
  func.func @transform_7(%arg0: i32, %arg1: i32) -> (i32, i32) {
    %eq3A = arith.constant 0 : i32
    %eq3A_0 = arith.cmpi eq, %arg0, %eq3A : i32
    %jit3A = arith.constant 0 : i32
    %select_n3A = arith.select %eq3A_0, %jit3A, %arg1 : i32
    %c0_i32 = arith.constant 0 : i32
    %c0_i32_1 = arith.constant 0 : i32
    return %select_n3A, %c0_i32 : i32, i32
  }
}

module attributes {stable_mosaic.version = 14 : i64} {
  func.func @body(%arg0: i32, %arg1: memref<1000x128xf32, #tpu.memory_space<vmem>>, %arg2: memref<128x128xf32, #tpu.memory_space<vmem>>, %arg3: memref<32x1x1x1000xf32, #tpu.memory_space<vmem>>, %arg4: memref<1000x128xf32, #tpu.memory_space<vmem>>, %arg5: memref<1000x1xf32, #tpu.memory_space<vmem>>) attributes {dimension_semantics = [#tpu.dimension_semantics<arbitrary>], iteration_bounds = array<i64: 10>, scalar_prefetch = 0 : i64, scratch_operands = 0 : i64, tpu.core_type = #tpu.core_type<tc>, window_params = [{transform_indices = @transform_0, window_bounds = array<i64: 1000, 128>}, {pipeline_mode = #tpu.pipeline_mode<synchronous>, transform_indices = @transform_1, window_bounds = array<i64: 128, 128>}, {transform_indices = @transform_2, window_bounds = array<i64: 32, 1, 1, 1000>}, {transform_indices = @transform_3, window_bounds = array<i64: 1000, 128>}, {transform_indices = @transform_4, window_bounds = array<i64: 1000, 1>}]} {
    %get3A = arith.constant 0 : index
    %get3A_0 = arith.constant 0 : index
    %get3A_1 = arith.constant 0 : index
    %get3A_2 = arith.constant 0 : index
    %get3A_3 = vector.load %arg3[%get3A, %get3A_0, %get3A_1, %get3A_2] : memref<32x1x1x1000xf32, #tpu.memory_space<vmem>>, vector<32x1x1x1000xf32>
    %reshape3A = vector.shape_cast %get3A_3 : vector<32x1x1x1000xf32> to vector<32x1000xf32>
    %broadcast_in_dim3A = arith.constant 1.000000e+00 : f32
    %broadcast_in_dim3A_4 = vector.broadcast %broadcast_in_dim3A : f32 to vector<32x1xf32>
    %dot_general3A = arith.constant dense<0.000000e+00> : vector<1000x1xf32>
    %dot_general3A_5 = tpu.matmul %reshape3A, %broadcast_in_dim3A_4, %dot_general3A {dimension_numbers = #tpu.dot_dimension_numbers<[0], [0], [1], [1], [0, 1, 1, 1], [], []>, transpose_lhs_hint = false} : vector<32x1000xf32>, vector<32x1xf32>, vector<1000x1xf32> -> vector<1000x1xf32>
    %add3A = arith.constant 1.000000e+00 : f32
    %add3A_6 = vector.broadcast %add3A : f32 to vector<1000x1xf32>
    %add3A_7 = arith.addf %dot_general3A_5, %add3A_6 : vector<1000x1xf32>
    %rsqrt3A = math.rsqrt %add3A_7 : vector<1000x1xf32>
    %get3A_8 = arith.constant 0 : index
    %get3A_9 = arith.constant 0 : index
    %get3A_10 = vector.load %arg1[%get3A_8, %get3A_9] : memref<1000x128xf32, #tpu.memory_space<vmem>>, vector<1000x128xf32>
    %get3A_11 = arith.constant 0 : index
    %get3A_12 = arith.constant 0 : index
    %get3A_13 = vector.load %arg2[%get3A_11, %get3A_12] : memref<128x128xf32, #tpu.memory_space<vmem>>, vector<128x128xf32>
    %dot_general3A_14 = arith.constant dense<0.000000e+00> : vector<1000x128xf32>
    %dot_general3A_15 = tpu.matmul %get3A_10, %get3A_13, %dot_general3A_14 {dimension_numbers = #tpu.dot_dimension_numbers<[1], [0], [0], [1], [0, 0, 1, 1], [], []>, transpose_lhs_hint = false} : vector<1000x128xf32>, vector<128x128xf32>, vector<1000x128xf32> -> vector<1000x128xf32>
    %mul3A = vector.broadcast %rsqrt3A : vector<1000x1xf32> to vector<1000x128xf32>
    %mul3A_16 = arith.mulf %mul3A, %dot_general3A_15 : vector<1000x128xf32>
    %swap3A = arith.constant 0 : index
    %swap3A_17 = arith.constant 0 : index
    %swap3A_18 = vector.load %arg4[%swap3A, %swap3A_17] : memref<1000x128xf32, #tpu.memory_space<vmem>>, vector<1000x128xf32>
    tpu.vector_store %arg4[%swap3A, %swap3A_17], %mul3A_16 {strides = array<i32>} : memref<1000x128xf32, #tpu.memory_space<vmem>>, vector<1000x128xf32>,
    %swap3A_19 = arith.constant 0 : index
    %swap3A_20 = arith.constant 0 : index
    %swap3A_21 = vector.load %arg5[%swap3A_19, %swap3A_20] : memref<1000x1xf32, #tpu.memory_space<vmem>>, vector<1000x1xf32>
    tpu.vector_store %arg5[%swap3A_19, %swap3A_20], %rsqrt3A {strides = array<i32>} : memref<1000x1xf32, #tpu.memory_space<vmem>>, vector<1000x1xf32>,
    return
  }
  func.func @transform_0(%arg0: i32) -> (i32, i32) {
    %c0_i32 = arith.constant 0 : i32
    %c0_i32_0 = arith.constant 0 : i32
    return %arg0, %c0_i32 : i32, i32
  }
  func.func @transform_1(%arg0: i32) -> (i32, i32) {
    %c0_i32 = arith.constant 0 : i32
    %c0_i32_0 = arith.constant 0 : i32
    %c0_i32_1 = arith.constant 0 : i32
    return %c0_i32, %c0_i32_0 : i32, i32
  }
  func.func @transform_2(%arg0: i32) -> (i32, i32, i32, i32) {
    %c0_i32 = arith.constant 0 : i32
    %c0_i32_0 = arith.constant 0 : i32
    %c0_i32_1 = arith.constant 0 : i32
    %c0_i32_2 = arith.constant 0 : i32
    return %c0_i32, %arg0, %c0_i32_0, %c0_i32_1 : i32, i32, i32, i32
  }
  func.func @transform_3(%arg0: i32) -> (i32, i32) {
    %c0_i32 = arith.constant 0 : i32
    %c0_i32_0 = arith.constant 0 : i32
    return %arg0, %c0_i32 : i32, i32
  }
  func.func @transform_4(%arg0: i32) -> (i32, i32) {
    %c0_i32 = arith.constant 0 : i32
    %c0_i32_0 = arith.constant 0 : i32
    return %arg0, %c0_i32 : i32, i32
  }
}

module attributes {stable_mosaic.version = 14 : i64} {
  func.func @body(%arg0: i32, %arg1: i32, %arg2: memref<2x1000x128xf32, #tpu.memory_space<vmem>>, %arg3: memref<1000x128xf32, #tpu.memory_space<vmem>>, %arg4: memref<1000x1xf32, #tpu.memory_space<vmem>>, %arg5: memref<1x128xf32, #tpu.memory_space<vmem>>, %arg6: memref<1x128xf32, #tpu.memory_space<vmem>>, %arg7: memref<1x128xf32, #tpu.memory_space<vmem>>, %arg8: memref<1x1x1000xi32, #tpu.memory_space<vmem>>, %arg9: memref<128x128xf32, #tpu.memory_space<vmem>>, %arg10: memref<1x128xf32, #tpu.memory_space<vmem>>, %arg11: memref<128x64xf32, #tpu.memory_space<vmem>>, %arg12: memref<1x64xf32, #tpu.memory_space<vmem>>, %arg13: memref<64x32xf32, #tpu.memory_space<vmem>>, %arg14: memref<1x32xf32, #tpu.memory_space<vmem>>, %arg15: memref<32x64xf32, #tpu.memory_space<vmem>>, %arg16: memref<1x64xf32, #tpu.memory_space<vmem>>, %arg17: memref<64x64xf32, #tpu.memory_space<vmem>>, %arg18: memref<10000x128xf32, #tpu.memory_space<vmem>>, %arg19: memref<2x128xf32, #tpu.memory_space<vmem>>, %arg20: memref<64x128xf32, #tpu.memory_space<vmem>>, %arg21: memref<64x1xf32, #tpu.memory_space<vmem>>) attributes {dimension_semantics = [#tpu.dimension_semantics<arbitrary>, #tpu.dimension_semantics<arbitrary>], iteration_bounds = array<i64: 2, 10>, scalar_prefetch = 0 : i64, scratch_operands = 4 : i64, tpu.core_type = #tpu.core_type<tc>, window_params = [{transform_indices = @transform_0, window_bounds = array<i64: 2, 1000, 128>}, {transform_indices = @transform_1, window_bounds = array<i64: 1000, 128>}, {transform_indices = @transform_2, window_bounds = array<i64: 1000, 1>}, {pipeline_mode = #tpu.pipeline_mode<synchronous>, transform_indices = @transform_3, window_bounds = array<i64: 1, 128>}, {pipeline_mode = #tpu.pipeline_mode<synchronous>, transform_indices = @transform_4, window_bounds = array<i64: 1, 128>}, {pipeline_mode = #tpu.pipeline_mode<synchronous>, transform_indices = @transform_5, window_bounds = array<i64: 1, 128>}, {transform_indices = @transform_6, window_bounds = array<i64: 1, 1, 1000>}, {pipeline_mode = #tpu.pipeline_mode<synchronous>, transform_indices = @transform_7, window_bounds = array<i64: 128, 128>}, {pipeline_mode = #tpu.pipeline_mode<synchronous>, transform_indices = @transform_8, window_bounds = array<i64: 1, 128>}, {pipeline_mode = #tpu.pipeline_mode<synchronous>, transform_indices = @transform_9, window_bounds = array<i64: 128, 64>}, {pipeline_mode = #tpu.pipeline_mode<synchronous>, transform_indices = @transform_10, window_bounds = array<i64: 1, 64>}, {pipeline_mode = #tpu.pipeline_mode<synchronous>, transform_indices = @transform_11, window_bounds = array<i64: 64, 32>}, {pipeline_mode = #tpu.pipeline_mode<synchronous>, transform_indices = @transform_12, window_bounds = array<i64: 1, 32>}, {pipeline_mode = #tpu.pipeline_mode<synchronous>, transform_indices = @transform_13, window_bounds = array<i64: 32, 64>}, {pipeline_mode = #tpu.pipeline_mode<synchronous>, transform_indices = @transform_14, window_bounds = array<i64: 1, 64>}, {pipeline_mode = #tpu.pipeline_mode<synchronous>, transform_indices = @transform_15, window_bounds = array<i64: 64, 64>}]} {
    %eq3A = arith.constant 0 : i32
    %eq3A_0 = arith.cmpi eq, %arg0, %eq3A : i32
    %convert_element_type3A = arith.extui %eq3A_0 : i1 to i32
    %cond3A = arith.constant 0 : i32
    %cond3A_1 = arith.cmpi ne, %convert_element_type3A, %cond3A : i32
    scf.if %cond3A_1 {
      %get3A = arith.constant 0 : index
      %get3A_7 = arith.constant 0 : index
      %get3A_8 = arith.constant 0 : index
      %get3A_9 = vector.load %arg2[%get3A, %get3A_7, %get3A_8] : memref<2x1000x128xf32, #tpu.memory_space<vmem>>, vector<2x1000x128xf32>
      %get3A_10 = arith.constant 0 : index
      %get3A_11 = arith.constant 0 : index
      %get3A_12 = vector.load %arg4[%get3A_10, %get3A_11] : memref<1000x1xf32, #tpu.memory_space<vmem>>, vector<1000x1xf32>
      %slice3A = vector.extract_strided_slice %get3A_9 {offsets = [0, 0, 0], sizes = [1, 1000, 128], strides = [1, 1, 1]} : vector<2x1000x128xf32> to vector<1x1000x128xf32>
      %squeeze3A = vector.shape_cast %slice3A : vector<1x1000x128xf32> to vector<1000x128xf32>
      %slice3A_13 = vector.extract_strided_slice %get3A_9 {offsets = [1, 0, 0], sizes = [1, 1000, 128], strides = [1, 1, 1]} : vector<2x1000x128xf32> to vector<1x1000x128xf32>
      %squeeze3A_14 = vector.shape_cast %slice3A_13 : vector<1x1000x128xf32> to vector<1000x128xf32>
      %add3A = arith.addf %squeeze3A, %squeeze3A_14 : vector<1000x128xf32>
      %get3A_15 = arith.constant 0 : index
      %get3A_16 = arith.constant 0 : index
      %get3A_17 = vector.load %arg3[%get3A_15, %get3A_16] : memref<1000x128xf32, #tpu.memory_space<vmem>>, vector<1000x128xf32>
      %add3A_18 = arith.addf %add3A, %get3A_17 : vector<1000x128xf32>
      %mul3A = vector.broadcast %get3A_12 : vector<1000x1xf32> to vector<1000x128xf32>
      %mul3A_19 = arith.mulf %mul3A, %add3A_18 : vector<1000x128xf32>
      %get3A_20 = arith.constant 0 : index
      %get3A_21 = arith.constant 0 : index
      %get3A_22 = vector.load %arg5[%get3A_20, %get3A_21] : memref<1x128xf32, #tpu.memory_space<vmem>>, vector<1x128xf32>
      %add3A_23 = vector.broadcast %get3A_22 : vector<1x128xf32> to vector<1000x128xf32>
      %add3A_24 = arith.addf %mul3A_19, %add3A_23 : vector<1000x128xf32>
      %mul3A_25 = arith.constant 1000 : i32
      %mul3A_26 = arith.muli %arg1, %mul3A_25 : i32
      %swap3A = arith.index_cast %mul3A_26 : i32 to index
      %swap3A_27 = arith.constant 0 : index
      %swap3A_28 = vector.load %arg18[%swap3A, %swap3A_27] : memref<10000x128xf32, #tpu.memory_space<vmem>>, vector<1000x128xf32>
      tpu.vector_store %arg18[%swap3A, %swap3A_27], %add3A_24 {strides = array<i32>} : memref<10000x128xf32, #tpu.memory_space<vmem>>, vector<1000x128xf32>,
      %eq3A_29 = arith.constant 0 : i32
      %eq3A_30 = arith.cmpi eq, %arg1, %eq3A_29 : i32
      %convert_element_type3A_31 = arith.extui %eq3A_30 : i1 to i32
      %cond3A_32 = arith.constant 0 : i32
      %cond3A_33 = arith.cmpi ne, %convert_element_type3A_31, %cond3A_32 : i32
      scf.if %cond3A_33 {
        %broadcast_in_dim3A = arith.constant 0.000000e+00 : f32
        %broadcast_in_dim3A_47 = vector.broadcast %broadcast_in_dim3A : f32 to vector<2x128xf32>
        %swap3A_48 = arith.constant 0 : index
        %swap3A_49 = arith.constant 0 : index
        %swap3A_50 = vector.load %arg19[%swap3A_48, %swap3A_49] : memref<2x128xf32, #tpu.memory_space<vmem>>, vector<2x128xf32>
        tpu.vector_store %arg19[%swap3A_48, %swap3A_49], %broadcast_in_dim3A_47 {strides = array<i32>} : memref<2x128xf32, #tpu.memory_space<vmem>>, vector<2x128xf32>,
        %broadcast_in_dim3A_51 = arith.constant 0.000000e+00 : f32
        %broadcast_in_dim3A_52 = vector.broadcast %broadcast_in_dim3A_51 : f32 to vector<64x128xf32>
        %swap3A_53 = arith.constant 0 : index
        %swap3A_54 = arith.constant 0 : index
        %swap3A_55 = vector.load %arg20[%swap3A_53, %swap3A_54] : memref<64x128xf32, #tpu.memory_space<vmem>>, vector<64x128xf32>
        tpu.vector_store %arg20[%swap3A_53, %swap3A_54], %broadcast_in_dim3A_52 {strides = array<i32>} : memref<64x128xf32, #tpu.memory_space<vmem>>, vector<64x128xf32>,
        %broadcast_in_dim3A_56 = arith.constant 0.000000e+00 : f32
        %broadcast_in_dim3A_57 = vector.broadcast %broadcast_in_dim3A_56 : f32 to vector<64x1xf32>
        %swap3A_58 = arith.constant 0 : index
        %swap3A_59 = arith.constant 0 : index
        %swap3A_60 = vector.load %arg21[%swap3A_58, %swap3A_59] : memref<64x1xf32, #tpu.memory_space<vmem>>, vector<64x1xf32>
        tpu.vector_store %arg21[%swap3A_58, %swap3A_59], %broadcast_in_dim3A_57 {strides = array<i32>} : memref<64x1xf32, #tpu.memory_space<vmem>>, vector<64x1xf32>,
      } else {
      }
      %get3A_34 = arith.constant 0 : index
      %get3A_35 = arith.constant 0 : index
      %get3A_36 = vector.load %arg19[%get3A_34, %get3A_35] : memref<2x128xf32, #tpu.memory_space<vmem>>, vector<2x128xf32>
      %reduce_sum3A = arith.constant dense<0.000000e+00> : vector<128xf32>
      %reduce_sum3A_37 = vector.multi_reduction <add>, %add3A_24, %reduce_sum3A [0] : vector<1000x128xf32> to vector<128xf32>
      %mul3A_38 = arith.mulf %add3A_24, %add3A_24 : vector<1000x128xf32>
      %reduce_sum3A_39 = arith.constant dense<0.000000e+00> : vector<128xf32>
      %reduce_sum3A_40 = vector.multi_reduction <add>, %mul3A_38, %reduce_sum3A_39 [0] : vector<1000x128xf32> to vector<128xf32>
      %stack3A = vector.shape_cast %reduce_sum3A_37 : vector<128xf32> to vector<1x128xf32>
      %stack3A_41 = vector.shape_cast %reduce_sum3A_40 : vector<128xf32> to vector<1x128xf32>
      %stack3A_42 = tpu.concatenate %stack3A, %stack3A_41 in 0 : vector<1x128xf32>, vector<1x128xf32> -> vector<2x128xf32>
      %add3A_43 = arith.addf %get3A_36, %stack3A_42 : vector<2x128xf32>
      %swap3A_44 = arith.constant 0 : index
      %swap3A_45 = arith.constant 0 : index
      %swap3A_46 = vector.load %arg19[%swap3A_44, %swap3A_45] : memref<2x128xf32, #tpu.memory_space<vmem>>, vector<2x128xf32>
      tpu.vector_store %arg19[%swap3A_44, %swap3A_45], %add3A_43 {strides = array<i32>} : memref<2x128xf32, #tpu.memory_space<vmem>>, vector<2x128xf32>,
    } else {
    }
    %eq3A_2 = arith.constant 1 : i32
    %eq3A_3 = arith.cmpi eq, %arg0, %eq3A_2 : i32
    %convert_element_type3A_4 = arith.extui %eq3A_3 : i1 to i32
    %cond3A_5 = arith.constant 0 : i32
    %cond3A_6 = arith.cmpi ne, %convert_element_type3A_4, %cond3A_5 : i32
    scf.if %cond3A_6 {
      %get3A = arith.constant 0 : index
      %get3A_7 = arith.constant 0 : index
      %get3A_8 = vector.load %arg19[%get3A, %get3A_7] : memref<2x128xf32, #tpu.memory_space<vmem>>, vector<2x128xf32>
      %slice3A = vector.extract_strided_slice %get3A_8 {offsets = [0, 0], sizes = [1, 128], strides = [1, 1]} : vector<2x128xf32> to vector<1x128xf32>
      %mul3A = arith.constant 9.99999974E-5 : f32
      %mul3A_9 = vector.broadcast %mul3A : f32 to vector<1x128xf32>
      %mul3A_10 = arith.mulf %slice3A, %mul3A_9 : vector<1x128xf32>
      %slice3A_11 = vector.extract_strided_slice %get3A_8 {offsets = [1, 0], sizes = [1, 128], strides = [1, 1]} : vector<2x128xf32> to vector<1x128xf32>
      %mul3A_12 = arith.constant 9.99999974E-5 : f32
      %mul3A_13 = vector.broadcast %mul3A_12 : f32 to vector<1x128xf32>
      %mul3A_14 = arith.mulf %slice3A_11, %mul3A_13 : vector<1x128xf32>
      %mul3A_15 = arith.mulf %mul3A_10, %mul3A_10 : vector<1x128xf32>
      %sub3A = arith.subf %mul3A_14, %mul3A_15 : vector<1x128xf32>
      %mul3A_16 = arith.constant 1000 : i32
      %mul3A_17 = arith.muli %arg1, %mul3A_16 : i32
      %get3A_18 = arith.index_cast %mul3A_17 : i32 to index
      %get3A_19 = arith.constant 0 : index
      %get3A_20 = vector.load %arg18[%get3A_18, %get3A_19] : memref<10000x128xf32, #tpu.memory_space<vmem>>, vector<1000x128xf32>
      %sub3A_21 = vector.broadcast %mul3A_10 : vector<1x128xf32> to vector<1000x128xf32>
      %sub3A_22 = arith.subf %get3A_20, %sub3A_21 : vector<1000x128xf32>
      %add3A = arith.constant 9.99999974E-6 : f32
      %add3A_23 = vector.broadcast %add3A : f32 to vector<1x128xf32>
      %add3A_24 = arith.addf %sub3A, %add3A_23 : vector<1x128xf32>
      %rsqrt3A = math.rsqrt %add3A_24 : vector<1x128xf32>
      %mul3A_25 = vector.broadcast %rsqrt3A : vector<1x128xf32> to vector<1000x128xf32>
      %mul3A_26 = arith.mulf %sub3A_22, %mul3A_25 : vector<1000x128xf32>
      %get3A_27 = arith.constant 0 : index
      %get3A_28 = arith.constant 0 : index
      %get3A_29 = vector.load %arg6[%get3A_27, %get3A_28] : memref<1x128xf32, #tpu.memory_space<vmem>>, vector<1x128xf32>
      %mul3A_30 = vector.broadcast %get3A_29 : vector<1x128xf32> to vector<1000x128xf32>
      %mul3A_31 = arith.mulf %mul3A_26, %mul3A_30 : vector<1000x128xf32>
      %get3A_32 = arith.constant 0 : index
      %get3A_33 = arith.constant 0 : index
      %get3A_34 = vector.load %arg7[%get3A_32, %get3A_33] : memref<1x128xf32, #tpu.memory_space<vmem>>, vector<1x128xf32>
      %add3A_35 = vector.broadcast %get3A_34 : vector<1x128xf32> to vector<1000x128xf32>
      %add3A_36 = arith.addf %mul3A_31, %add3A_35 : vector<1000x128xf32>
      %max3A = arith.constant 0.000000e+00 : f32
      %max3A_37 = vector.broadcast %max3A : f32 to vector<1000x128xf32>
      %max3A_38 = arith.maximumf %add3A_36, %max3A_37 : vector<1000x128xf32>
      %get3A_39 = arith.constant 0 : index
      %get3A_40 = arith.constant 0 : index
      %get3A_41 = arith.constant 0 : index
      %get3A_42 = vector.load %arg8[%get3A_39, %get3A_40, %get3A_41] : memref<1x1x1000xi32, #tpu.memory_space<vmem>>, vector<1x1x1000xi32>
      %get3A_43 = vector.shape_cast %get3A_42 : vector<1x1x1000xi32> to vector<1x1000xi32>
      %iota3A = tpu.iota {dimensions = array<i32: 0>} : vector<64x1000xi32>
      %eq3A_44 = vector.broadcast %get3A_43 : vector<1x1000xi32> to vector<64x1000xi32>
      %eq3A_45 = arith.cmpi eq, %eq3A_44, %iota3A : vector<64x1000xi32>
      %jit3A = arith.constant 1.000000e+00 : f32
      %jit3A_46 = arith.constant 0.000000e+00 : f32
      %broadcast_in_dim3A = vector.broadcast %jit3A : f32 to vector<64x1000xf32>
      %broadcast_in_dim3A_47 = vector.broadcast %jit3A_46 : f32 to vector<64x1000xf32>
      %select_n3A = arith.select %eq3A_45, %broadcast_in_dim3A, %broadcast_in_dim3A_47 : vector<64x1000xi1>, vector<64x1000xf32>
      %get3A_48 = arith.constant 0 : index
      %get3A_49 = arith.constant 0 : index
      %get3A_50 = vector.load %arg20[%get3A_48, %get3A_49] : memref<64x128xf32, #tpu.memory_space<vmem>>, vector<64x128xf32>
      %dot_general3A = arith.constant dense<0.000000e+00> : vector<64x128xf32>
      %dot_general3A_51 = tpu.matmul %select_n3A, %max3A_38, %dot_general3A {dimension_numbers = #tpu.dot_dimension_numbers<[1], [0], [0], [1], [0, 0, 1, 1], [], []>, transpose_lhs_hint = false} : vector<64x1000xf32>, vector<1000x128xf32>, vector<64x128xf32> -> vector<64x128xf32>
      %add3A_52 = arith.addf %get3A_50, %dot_general3A_51 : vector<64x128xf32>
      %swap3A = arith.constant 0 : index
      %swap3A_53 = arith.constant 0 : index
      %swap3A_54 = vector.load %arg20[%swap3A, %swap3A_53] : memref<64x128xf32, #tpu.memory_space<vmem>>, vector<64x128xf32>
      tpu.vector_store %arg20[%swap3A, %swap3A_53], %add3A_52 {strides = array<i32>} : memref<64x128xf32, #tpu.memory_space<vmem>>, vector<64x128xf32>,
      %get3A_55 = arith.constant 0 : index
      %get3A_56 = arith.constant 0 : index
      %get3A_57 = vector.load %arg21[%get3A_55, %get3A_56] : memref<64x1xf32, #tpu.memory_space<vmem>>, vector<64x1xf32>
      %reduce_sum3A = arith.constant dense<0.000000e+00> : vector<64xf32>
      %reduce_sum3A_58 = vector.multi_reduction <add>, %select_n3A, %reduce_sum3A [1] : vector<64x1000xf32> to vector<64xf32>
      %broadcast_in_dim3A_59 = vector.shape_cast %reduce_sum3A_58 : vector<64xf32> to vector<64x1xf32>
      %add3A_60 = arith.addf %get3A_57, %broadcast_in_dim3A_59 : vector<64x1xf32>
      %swap3A_61 = arith.constant 0 : index
      %swap3A_62 = arith.constant 0 : index
      %swap3A_63 = vector.load %arg21[%swap3A_61, %swap3A_62] : memref<64x1xf32, #tpu.memory_space<vmem>>, vector<64x1xf32>
      tpu.vector_store %arg21[%swap3A_61, %swap3A_62], %add3A_60 {strides = array<i32>} : memref<64x1xf32, #tpu.memory_space<vmem>>, vector<64x1xf32>,
      %eq3A_64 = arith.constant 9 : i32
      %eq3A_65 = arith.cmpi eq, %arg1, %eq3A_64 : i32
      %convert_element_type3A_66 = arith.extui %eq3A_65 : i1 to i32
      %cond3A_67 = arith.constant 0 : i32
      %cond3A_68 = arith.cmpi ne, %convert_element_type3A_66, %cond3A_67 : i32
      scf.if %cond3A_68 {
        %get3A_69 = arith.constant 0 : index
        %get3A_70 = arith.constant 0 : index
        %get3A_71 = vector.load %arg20[%get3A_69, %get3A_70] : memref<64x128xf32, #tpu.memory_space<vmem>>, vector<64x128xf32>
        %get3A_72 = arith.constant 0 : index
        %get3A_73 = arith.constant 0 : index
        %get3A_74 = vector.load %arg21[%get3A_72, %get3A_73] : memref<64x1xf32, #tpu.memory_space<vmem>>, vector<64x1xf32>
        %max3A_75 = arith.constant 1.000000e+00 : f32
        %max3A_76 = vector.broadcast %max3A_75 : f32 to vector<64x1xf32>
        %max3A_77 = arith.maximumf %get3A_74, %max3A_76 : vector<64x1xf32>
        %div3A = vector.broadcast %max3A_77 : vector<64x1xf32> to vector<64x128xf32>
        %div3A_78 = arith.divf %get3A_71, %div3A : vector<64x128xf32>
        %get3A_79 = arith.constant 0 : index
        %get3A_80 = arith.constant 0 : index
        %get3A_81 = vector.load %arg9[%get3A_79, %get3A_80] : memref<128x128xf32, #tpu.memory_space<vmem>>, vector<128x128xf32>
        %dot_general3A_82 = arith.constant dense<0.000000e+00> : vector<64x128xf32>
        %dot_general3A_83 = tpu.matmul %div3A_78, %get3A_81, %dot_general3A_82 {dimension_numbers = #tpu.dot_dimension_numbers<[1], [0], [0], [1], [0, 0, 1, 1], [], []>, transpose_lhs_hint = false} : vector<64x128xf32>, vector<128x128xf32>, vector<64x128xf32> -> vector<64x128xf32>
        %get3A_84 = arith.constant 0 : index
        %get3A_85 = arith.constant 0 : index
        %get3A_86 = vector.load %arg10[%get3A_84, %get3A_85] : memref<1x128xf32, #tpu.memory_space<vmem>>, vector<1x128xf32>
        %add3A_87 = vector.broadcast %get3A_86 : vector<1x128xf32> to vector<64x128xf32>
        %add3A_88 = arith.addf %dot_general3A_83, %add3A_87 : vector<64x128xf32>
        %max3A_89 = arith.constant 0.000000e+00 : f32
        %max3A_90 = vector.broadcast %max3A_89 : f32 to vector<64x128xf32>
        %max3A_91 = arith.maximumf %add3A_88, %max3A_90 : vector<64x128xf32>
        %get3A_92 = arith.constant 0 : index
        %get3A_93 = arith.constant 0 : index
        %get3A_94 = vector.load %arg11[%get3A_92, %get3A_93] : memref<128x64xf32, #tpu.memory_space<vmem>>, vector<128x64xf32>
        %dot_general3A_95 = arith.constant dense<0.000000e+00> : vector<64x64xf32>
        %dot_general3A_96 = tpu.matmul %max3A_91, %get3A_94, %dot_general3A_95 {dimension_numbers = #tpu.dot_dimension_numbers<[1], [0], [0], [1], [0, 0, 1, 1], [], []>, transpose_lhs_hint = false} : vector<64x128xf32>, vector<128x64xf32>, vector<64x64xf32> -> vector<64x64xf32>
        %get3A_97 = arith.constant 0 : index
        %get3A_98 = arith.constant 0 : index
        %get3A_99 = vector.load %arg12[%get3A_97, %get3A_98] : memref<1x64xf32, #tpu.memory_space<vmem>>, vector<1x64xf32>
        %add3A_100 = vector.broadcast %get3A_99 : vector<1x64xf32> to vector<64x64xf32>
        %add3A_101 = arith.addf %dot_general3A_96, %add3A_100 : vector<64x64xf32>
        %max3A_102 = arith.constant 0.000000e+00 : f32
        %max3A_103 = vector.broadcast %max3A_102 : f32 to vector<64x64xf32>
        %max3A_104 = arith.maximumf %add3A_101, %max3A_103 : vector<64x64xf32>
        %get3A_105 = arith.constant 0 : index
        %get3A_106 = arith.constant 0 : index
        %get3A_107 = vector.load %arg13[%get3A_105, %get3A_106] : memref<64x32xf32, #tpu.memory_space<vmem>>, vector<64x32xf32>
        %dot_general3A_108 = arith.constant dense<0.000000e+00> : vector<64x32xf32>
        %dot_general3A_109 = tpu.matmul %max3A_104, %get3A_107, %dot_general3A_108 {dimension_numbers = #tpu.dot_dimension_numbers<[1], [0], [0], [1], [0, 0, 1, 1], [], []>, transpose_lhs_hint = false} : vector<64x64xf32>, vector<64x32xf32>, vector<64x32xf32> -> vector<64x32xf32>
        %get3A_110 = arith.constant 0 : index
        %get3A_111 = arith.constant 0 : index
        %get3A_112 = vector.load %arg14[%get3A_110, %get3A_111] : memref<1x32xf32, #tpu.memory_space<vmem>>, vector<1x32xf32>
        %add3A_113 = vector.broadcast %get3A_112 : vector<1x32xf32> to vector<64x32xf32>
        %add3A_114 = arith.addf %dot_general3A_109, %add3A_113 : vector<64x32xf32>
        %max3A_115 = arith.constant 0.000000e+00 : f32
        %max3A_116 = vector.broadcast %max3A_115 : f32 to vector<64x32xf32>
        %max3A_117 = arith.maximumf %add3A_114, %max3A_116 : vector<64x32xf32>
        %get3A_118 = arith.constant 0 : index
        %get3A_119 = arith.constant 0 : index
        %get3A_120 = vector.load %arg15[%get3A_118, %get3A_119] : memref<32x64xf32, #tpu.memory_space<vmem>>, vector<32x64xf32>
        %dot_general3A_121 = arith.constant dense<0.000000e+00> : vector<64x64xf32>
        %dot_general3A_122 = tpu.matmul %max3A_117, %get3A_120, %dot_general3A_121 {dimension_numbers = #tpu.dot_dimension_numbers<[1], [0], [0], [1], [0, 0, 1, 1], [], []>, transpose_lhs_hint = false} : vector<64x32xf32>, vector<32x64xf32>, vector<64x64xf32> -> vector<64x64xf32>
        %get3A_123 = arith.constant 0 : index
        %get3A_124 = arith.constant 0 : index
        %get3A_125 = vector.load %arg16[%get3A_123, %get3A_124] : memref<1x64xf32, #tpu.memory_space<vmem>>, vector<1x64xf32>
        %add3A_126 = vector.broadcast %get3A_125 : vector<1x64xf32> to vector<64x64xf32>
        %add3A_127 = arith.addf %dot_general3A_122, %add3A_126 : vector<64x64xf32>
        %swap3A_128 = arith.constant 0 : index
        %swap3A_129 = arith.constant 0 : index
        %swap3A_130 = vector.load %arg17[%swap3A_128, %swap3A_129] : memref<64x64xf32, #tpu.memory_space<vmem>>, vector<64x64xf32>
        tpu.vector_store %arg17[%swap3A_128, %swap3A_129], %add3A_127 {strides = array<i32>} : memref<64x64xf32, #tpu.memory_space<vmem>>, vector<64x64xf32>,
      } else {
      }
    } else {
    }
    return
  }
  func.func @transform_0(%arg0: i32, %arg1: i32) -> (i32, i32, i32) {
    %eq3A = arith.constant 0 : i32
    %eq3A_0 = arith.cmpi eq, %arg0, %eq3A : i32
    %jit3A = arith.constant 0 : i32
    %select_n3A = arith.select %eq3A_0, %arg1, %jit3A : i32
    %c0_i32 = arith.constant 0 : i32
    %c0_i32_1 = arith.constant 0 : i32
    %c0_i32_2 = arith.constant 0 : i32
    return %c0_i32, %select_n3A, %c0_i32_1 : i32, i32, i32
  }
  func.func @transform_1(%arg0: i32, %arg1: i32) -> (i32, i32) {
    %eq3A = arith.constant 0 : i32
    %eq3A_0 = arith.cmpi eq, %arg0, %eq3A : i32
    %jit3A = arith.constant 0 : i32
    %select_n3A = arith.select %eq3A_0, %arg1, %jit3A : i32
    %c0_i32 = arith.constant 0 : i32
    %c0_i32_1 = arith.constant 0 : i32
    return %select_n3A, %c0_i32 : i32, i32
  }
  func.func @transform_2(%arg0: i32, %arg1: i32) -> (i32, i32) {
    %c0_i32 = arith.constant 0 : i32
    %c0_i32_0 = arith.constant 0 : i32
    return %arg1, %c0_i32 : i32, i32
  }
  func.func @transform_3(%arg0: i32, %arg1: i32) -> (i32, i32) {
    %c0_i32 = arith.constant 0 : i32
    %c0_i32_0 = arith.constant 0 : i32
    %c0_i32_1 = arith.constant 0 : i32
    return %c0_i32, %c0_i32_0 : i32, i32
  }
  func.func @transform_4(%arg0: i32, %arg1: i32) -> (i32, i32) {
    %c0_i32 = arith.constant 0 : i32
    %c0_i32_0 = arith.constant 0 : i32
    %c0_i32_1 = arith.constant 0 : i32
    return %c0_i32, %c0_i32_0 : i32, i32
  }
  func.func @transform_5(%arg0: i32, %arg1: i32) -> (i32, i32) {
    %c0_i32 = arith.constant 0 : i32
    %c0_i32_0 = arith.constant 0 : i32
    %c0_i32_1 = arith.constant 0 : i32
    return %c0_i32, %c0_i32_0 : i32, i32
  }
  func.func @transform_6(%arg0: i32, %arg1: i32) -> (i32, i32, i32) {
    %c0_i32 = arith.constant 0 : i32
    %c0_i32_0 = arith.constant 0 : i32
    %c0_i32_1 = arith.constant 0 : i32
    return %arg1, %c0_i32, %c0_i32_0 : i32, i32, i32
  }
  func.func @transform_7(%arg0: i32, %arg1: i32) -> (i32, i32) {
    %c0_i32 = arith.constant 0 : i32
    %c0_i32_0 = arith.constant 0 : i32
    %c0_i32_1 = arith.constant 0 : i32
    return %c0_i32, %c0_i32_0 : i32, i32
  }
  func.func @transform_8(%arg0: i32, %arg1: i32) -> (i32, i32) {
    %c0_i32 = arith.constant 0 : i32
    %c0_i32_0 = arith.constant 0 : i32
    %c0_i32_1 = arith.constant 0 : i32
    return %c0_i32, %c0_i32_0 : i32, i32
  }
  func.func @transform_9(%arg0: i32, %arg1: i32) -> (i32, i32) {
    %c0_i32 = arith.constant 0 : i32
    %c0_i32_0 = arith.constant 0 : i32
    %c0_i32_1 = arith.constant 0 : i32
    return %c0_i32, %c0_i32_0 : i32, i32
  }
  func.func @transform_10(%arg0: i32, %arg1: i32) -> (i32, i32) {
    %c0_i32 = arith.constant 0 : i32
    %c0_i32_0 = arith.constant 0 : i32
    %c0_i32_1 = arith.constant 0 : i32
    return %c0_i32, %c0_i32_0 : i32, i32
  }
  func.func @transform_11(%arg0: i32, %arg1: i32) -> (i32, i32) {
    %c0_i32 = arith.constant 0 : i32
    %c0_i32_0 = arith.constant 0 : i32
    %c0_i32_1 = arith.constant 0 : i32
    return %c0_i32, %c0_i32_0 : i32, i32
  }
  func.func @transform_12(%arg0: i32, %arg1: i32) -> (i32, i32) {
    %c0_i32 = arith.constant 0 : i32
    %c0_i32_0 = arith.constant 0 : i32
    %c0_i32_1 = arith.constant 0 : i32
    return %c0_i32, %c0_i32_0 : i32, i32
  }
  func.func @transform_13(%arg0: i32, %arg1: i32) -> (i32, i32) {
    %c0_i32 = arith.constant 0 : i32
    %c0_i32_0 = arith.constant 0 : i32
    %c0_i32_1 = arith.constant 0 : i32
    return %c0_i32, %c0_i32_0 : i32, i32
  }
  func.func @transform_14(%arg0: i32, %arg1: i32) -> (i32, i32) {
    %c0_i32 = arith.constant 0 : i32
    %c0_i32_0 = arith.constant 0 : i32
    %c0_i32_1 = arith.constant 0 : i32
    return %c0_i32, %c0_i32_0 : i32, i32
  }
  func.func @transform_15(%arg0: i32, %arg1: i32) -> (i32, i32) {
    %c0_i32 = arith.constant 0 : i32
    %c0_i32_0 = arith.constant 0 : i32
    %c0_i32_1 = arith.constant 0 : i32
    return %c0_i32, %c0_i32_0 : i32, i32
  }
}

</mosaic_0001>

<sc_bundles>
// kernel: kernel.10.cloned.1.call-start
scs
__scs_entry_jumppad:
0x0: {  	(pc) =	sbr.rel $0x88, $3  }
0x1: {  	(tag) =	ssettag $0x0;
	lr =	simm.s32 $0x1  }
0x2: {  	[smem:$0x3F8A] =	sst lr;
	_ =	strace $0xD0000000  }
0x3: {  	_ = 	snop  }
0x4: {  	_ = 	snop  }
0x5: {  	_ = 	snop  }
0x6: {  	_ = 	snop  }
0x7: {  	_ = 	snop  }
__scs_overlays_trampoline_lowered:
0x8: {  	[smem:$0x3F99] =	sst s0  }
0x9: {  	[smem:$0x3F9A] =	sst s1  }
0xa: {  	[smem:$0x3F9B] =	sst s2  }
0xb: {  	[smem:$0x3F9C] =	sst s3  }
0xc: {  	[smem:$0x3F9D] =	sst s4  }
0xd: {  	[smem:$0x3F9E] =	sst s5  }
0xe: {  	[smem:$0x3F9F] =	sst s6  }
0xf: {  	[smem:$0x3FA0] =	sst s7  }
0x10: {  	[smem:$0x3FA1] =	sst s8  }
0x11: {  	[smem:$0x3FA2] =	sst s9;
	s0 =	simm.s32 @!p0 $0x0  }
0x12: {  	s1 =	sld [smem:$0x3F88];
	s0 =	simm.s32 @p0 $0x1  }
0x13: {  	[smem:$0x3FA3] =	sst s0;
	s0 =	simm.s32 @!p1 $0x0  }
0x14: {  	s2 =	sld [smem:$0x3F87];
	s0 =	simm.s32 @p1 $0x1  }
0x15: {  	[smem:$0x3FA4] =	sst s0;
	s0 =	simm.s32 @!p2 $0x0  }
0x16: {  	s3 =	sld [smem:$0x3FDB];
	s0 =	simm.s32 @p2 $0x1  }
0x17: {  	s4 =	simm.s32 $0x1BF5;
	[smem:$0x3FA6] =	sst s0  }
0x18: {  	s0 =	sld [smem:$0x3F89];
	_ =	swait.ge [sflag:s4], $0x0  }
0x19: {  	s7 =	sld [smem:$0x3F8A]  }
0x1a: {  	s8 =	sadd.s32 $0xFFFFE003, lr  }
0x1b: {  	s9 =	sadd.s32 $0xFFFFFEF7, lr;
	s5 =	simm.s32 $0xFFFFFFFF;
	p2 =	slt.u32 s8, $0xFFFFF086  }
0x1c: {  	p1 =	slt.u32 s9, $0xF7A;
	s5 =	simm.s32 @!p2 $0x0  }
0x1d: {  	s5 =	simm.s32 @p1 $0x1;
	p0 =	seq.s32 s7, s2  }
0x1e: {  	s7 =	smul.u32 @!p0 $0xF7A, s2;
	p2 =	seq.s32 @!p0 s5, $0x0  }
0x1f: {  	s9 =	smul.u32 $0xF7A, s1;
	s8 =	simm.s32 @!p0 $0x1BF5;
	p2 =	por !p2, p0  }
0x20: {  	[sflag:s8] =	ssyncset.s32 @!p0 $0xFFFFF086;
	s6 =	sadd.s32 @!p0 s3, s7;
	s7 =	simm.s32 @!p0 $0x108  }
0x21: {  	s3 =	sadd.s32 s3, s9;
	s6 =	sadd.s32 @!p0 $0x88, s6;
	s7 =	simm.s32 @p2 $0x1082  }
0x22: {  	[simem:s7], [sflag:s8] =	dma.local @!p0 [hbm:s6], $0xF7A  }
0x23: {  	s9 =	sor.u32 $0xD0000000, s2;
	s6 =	simm.s32 $0x108;
	_ =	swait.ge @!p0 [sflag:s8], $0x0  }
0x24: {  	s3 =	sadd.s32 $0x88, s3;
	s6 =	simm.s32 @!p1 $0x1082;
	[sflag:s4] =	ssyncset.s32 $0xFFFFF086  }
0x25: {  	[simem:s6], [sflag:s4] =	dma.local [hbm:s3], $0xF7A  }
0x26: {  	[smem:$0x3F8A] =	sst s1;
	(tag) =	ssettag s2;
	_ =	strace s9  }
0x27: {  	s1 =	sld [smem:$0x3F9A]  }
0x28: {  	s2 =	sld [smem:$0x3F9B]  }
0x29: {  	s4 =	sld [smem:$0x3F9D]  }
0x2a: {  	p0 =	seq.s32 s5, $0x0;
	s5 =	sld [smem:$0x3F9E]  }
0x2b: {  	s6 =	sld [smem:$0x3F9F]  }
0x2c: {  	s7 =	sld [smem:$0x3FA0]  }
0x2d: {  	s3 =	simm.s32 $0x108;
	s8 =	sld [smem:$0x3FA1]  }
0x2e: {  	s3 =	simm.s32 @!p0 $0x1082;
	s9 =	sld [smem:$0x3FA2]  }
0x2f: {  	lr =	sadd.s32 s0, s3;
	s0 =	sld [smem:$0x3F99]  }
0x30: {  	s3 =	sld [smem:$0x3F9C]  }
0x31: {  	[smem:$0x3FA5] =	sst s10  }
0x32: {  	s10 =	sld [smem:$0x3FA3];
	_ =	sdelay $0x3  }
0x33: {  	p0 =	seq.s32 s10, $0x1;
	s10 =	sld [smem:$0x3FA5];
	_ =	sdelay $0x3  }
0x34: {  	[smem:$0x3FA5] =	sst s10  }
0x35: {  	s10 =	sld [smem:$0x3FA4];
	_ =	sdelay $0x3  }
0x36: {  	p1 =	seq.s32 s10, $0x1;
	s10 =	sld [smem:$0x3FA5];
	_ =	sdelay $0x3  }
0x37: {  	[smem:$0x3FA5] =	sst s10  }
0x38: {  	s10 =	sld [smem:$0x3FA6]  }
0x39: {  	_ = 	snop;
	(pc) =	sbr.ind lr, $3  }
0x3a: {  	_ = 	snop  }
0x3b: {  	_ = 	snop  }
0x3c: {  	p2 =	seq.s32 s10, $0x1;
	s10 =	sld [smem:$0x3FA5]  }
0x3d: {  	_ =	shalt  }
0x3e: {  	_ =	shalt  }
0x3f: {  	_ =	shalt  }
0x40: {  	_ =	shalt  }
0x41: {  	_ =	shalt  }
0x42: {  	_ =	shalt  }
0x43: {  	_ =	shalt  }
0x44: {  	_ =	shalt  }
0x45: {  	_ =	shalt  }
0x46: {  	_ =	shalt  }
0x47: {  	_ =	shalt  }
0x48: {  	_ =	shalt  }
0x49: {  	_ =	shalt  }
0x4a: {  	_ =	shalt  }
0x4b: {  	_ =	shalt  }
0x4c: {  	_ =	shalt  }
0x4d: {  	_ =	shalt  }
0x4e: {  	_ =	shalt  }
0x4f: {  	_ =	shalt  }
0x50: {  	_ =	shalt  }
0x51: {  	_ =	shalt  }
0x52: {  	_ =	shalt  }
0x53: {  	_ =	shalt  }
0x54: {  	_ =	shalt  }
0x55: {  	_ =	shalt  }
0x56: {  	_ =	shalt  }
0x57: {  	_ =	shalt  }
0x58: {  	_ =	shalt  }
0x59: {  	_ =	shalt  }
0x5a: {  	_ =	shalt  }
0x5b: {  	_ =	shalt  }
0x5c: {  	_ =	shalt  }
0x5d: {  	_ =	shalt  }
0x5e: {  	_ =	shalt  }
0x5f: {  	_ =	shalt  }
0x60: {  	_ =	shalt  }
0x61: {  	_ =	shalt  }
0x62: {  	_ =	shalt  }
0x63: {  	_ =	shalt  }
0x64: {  	_ =	shalt  }
0x65: {  	_ =	shalt  }
0x66: {  	_ =	shalt  }
0x67: {  	_ =	shalt  }
0x68: {  	_ =	shalt  }
0x69: {  	_ =	shalt  }
0x6a: {  	_ =	shalt  }
0x6b: {  	_ =	shalt  }
0x6c: {  	_ =	shalt  }
0x6d: {  	_ =	shalt  }
0x6e: {  	_ =	shalt  }
0x6f: {  	_ =	shalt  }
0x70: {  	_ =	shalt  }
0x71: {  	_ =	shalt  }
0x72: {  	_ =	shalt  }
0x73: {  	_ =	shalt  }
0x74: {  	_ =	shalt  }
0x75: {  	_ =	shalt  }
0x76: {  	_ =	shalt  }
0x77: {  	_ =	shalt  }
0x78: {  	_ =	shalt  }
0x79: {  	_ =	shalt  }
0x7a: {  	_ =	shalt  }
0x7b: {  	_ =	shalt  }
0x7c: {  	_ =	shalt  }
0x7d: {  	_ =	shalt  }
0x7e: {  	_ =	shalt  }
0x7f: {  	_ =	shalt  }
0x80: {  	_ =	shalt  }
0x81: {  	_ =	shalt  }
0x82: {  	_ =	shalt  }
0x83: {  	_ =	shalt  }
0x84: {  	_ =	shalt  }
0x85: {  	_ =	shalt  }
0x86: {  	_ =	shalt  }
0x87: {  	_ =	shalt  }
.Lfunc_end0:
.L_simem_size_0:
called_computation_lowered:
.L_overlay_start_0:
0x88: {  	s2 =	sld [smem:$0x3FD9]  }
0x89: {  	s3 =	sld [smem:$0x3FFE];
	_ =	sdelay $0x1  }
0x8a: {  	s1 =	srdreg.scid  }
0x8b: {  	s0 =	sand.u32 $0x1, s1  }
0x8c: {  	s16 =	sshll.u32 s0, $0xA;
	s2 =	sadd.s32 s3, s2  }
0x8d: {  	s2 =	sadd.s32 s2, s16  }
0x8e: {  	[smem:$0x3FB1] =	sst s2  }
0x8f: {  	_ = 	snop  }
0x90: {  	(tm) =	ssettm $0x1  }
0x91: {  	s17 =	sld [smem:$0x3FFB];
	_ =	sdelay $0x3  }
0x92: {  	_ =	strace s17  }
0x93: {  	s2 =	sld [smem:$0x3FFC];
	_ =	sdelay $0x3  }
0x94: {  	_ =	strace s2  }
0x95: {  	s2 =	sld [smem:$0x3FFD];
	_ =	sdelay $0x3  }
0x96: {  	_ =	strace s2  }
0x97: {  	_ =	strace $0x8FFFFFFF  }
0x98: {  	s18 =	sld [smem:$0x3FDB];
	_ =	sdelay $0x1  }
0x99: {  	s19 =	simm.s32 $_scs_section_size  }
0x9a: {  	s4 =	simm.s32 $_size__tile_overlayer_lowered;
	s5 =	simm.s32 $_tile_overlayer_lowered  }
0x9b: {  	s22 =	simm.s32 $0x1BFF;
	s21 =	sshll.u32 s5, $0x1;
	s2 =	sadd.s32 s19, s18  }
0x9c: {  	s6 =	simm.s32 $0x0;
	s20 =	sshll.u32 s4, $0x1;
	s4 =	sadd.s32 s21, s2  }
0x9d: {  	[timem:s6], [sflag:s22] =	dma.local [hbm:s4], s20  }
0x9e: {  	_ =	swait.ge [sflag:s22], s20  }
0x9f: {  	s3 =	ssub.s32 $0x0, s20;
	[sflag:s22] =	ssyncset.done $0x0  }
0xa0: {  	[sflag:s22] =	ssyncadd.s32 s3;
	_ =	sdelay $0x1  }
0xa1: {  	s23 =	simm.s32 $0x1B8B  }
0xa2: {  	_ =	swait.ge [sflag:s23], $0x1  }
0xa3: {  	[sflag:s23] =	ssyncset.done $0x0  }
0xa4: {  	s25 =	simm.s32 $0x1B8E;
	s24 =	sld [smem:$0x3FFE];
	[sflag:s23] =	ssyncadd.s32 $0xFFFFFFFF  }
0xa5: {  	s26 =	simm.s32 $execute0_lowered;
	[smem:$0x3FD2] =	sst s25  }
0xa6: {  	s4 =	sshll.u32 s26, $0x1;
	_ =	strace $0x80000046;
	[dreg:$0x1] =	wrdreg $0xFFFFFFFF  }
0xa7: {  	s28 =	simm.s32 $_size_execute0_lowered;
	s2 =	sadd.s32 s2, s4;
	[dreg:$0x0] =	wrdreg $0x0  }
0xa8: {  	s4 =	sshll.u32 s28, $0x1;
	[dreg:$0x2] =	wrdreg s2  }
0xa9: {  	[dreg:$0x3] =	wrdreg s4  }
0xaa: {  	[dreg:$0x4] =	wrdreg $0xC0  }
0xab: {  	_ =	task [dreg:s6], $0x5FFFF  }
0xac: {  	[dreg:$0x1] =	wrdreg $0xFFFFFFFF  }
0xad: {  	[dreg:$0x0] =	wrdreg $0x60  }
0xae: {  	[dreg:$0x2] =	wrdreg s24  }
0xaf: {  	[dreg:$0x3] =	wrdreg $0x9  }
0xb0: {  	_ =	task.clear_ibuf [dreg:s6], $0x4FFFF;
	_ =	strace $0x90000046  }
0xb1: {  	s29 =	simm.s32 $0x9;
	_ =	strace $0x80000048  }
0xb2: {  	_ =	swait.ge [sflag:s29], $0x1  }
0xb3: {  	[sflag:s29] =	ssyncadd.s32 $0xFFFFFFFF  }
0xb4: {  	_ =	strace $0x90000048  }
0xb5: {  	_ =	sfence  }
0xb6: {  	s30 =	sld [smem:$0x0];
	_ =	sdelay $0x2  }
0xb7: {  	s31 =	sshll.u32 s1, $0xD;
	s1 =	sshrl.u32 s1, $0x2  }
0xb8: {  	s3 =	sand.u32 $0x4000, s31;
	s1 =	sadd.s32 s1, s30  }
0xb9: {  	s0 =	sor.u32 s3, s0;
	s1 =	sshll.u32 s1, $0x11  }
0xba: {  	s0 =	sor.u32 s1, s0  }
0xbb: {  	s0 =	sadd.s32 $0x8F2B, s0  }
0xbc: {  	[sflag:s0] =	ssyncadd.remote.s32 $0x1  }
0xbd: {  	_ =	sfence.sel $0xFFFF  }
0xbe: {  	[dreg:$0x0] =	wrdreg $0xFFFFFFFF;
	(pc) =	sbr.abs _section_cstart, $3  }
0xbf: {  	[dreg:$0x1] =	wrdreg $0xFFFFFFFF  }
0xc0: {  	_ =	task.clear_ibuf [dreg:s6], $0x2FFFF;
	_ =	strace $0x9FFFFFFF  }
0xc1: {  	(tm) =	ssettm $0x7FFFFFFF  }
tec
execute0_lowered:
.L_overlay_start_1:
0x0: {  	(tag) =	ssettag $0x1  }
0x1: {  	s0 =	srdreg.scid;
	s4 =	rddreg [dreg:$0x0]  }
0x2: {  	s2 =	simm.s32 $0x0;
	s10 =	simm.s32 $0x2780;
	s3 =	sand.u32 $0x1, s0  }
0x3: {  	s11 =	simm.s32 $0x1;
	s0 =	stileid.u32;
	s1 =	sshll.u32 s3, $0x4  }
0x4: {  	s12 =	simm.s32 $0x2F50;
	s13 =	simm.s32 $0x2;
	s1 =	sor.u32 s0, s1  }
0x5: {  	s14 =	simm.s32 $0x3;
	s3 =	ssub.s32 $0x2, s3;
	s5 =	smul.u32 $0x2710, s1  }
0x6: {  	s15 =	simm.s32 $0x0;
	[smem:$0x7FF] =	sst s2;
	s30 =	sshrl.u32 s3, $0x1  }
0x7: {  	s1 =	rddreg [dreg:$0x1];
	s31 =	ssub.s32 s3, s30;
	s5 =	sshrl.u32 s5, $0x3  }
0x8: {  	_ =	strace $0x80000047;
	s9 =	sadd.s32 s5, s4;
	s5 =	smax.u32 s31, $0x1  }
0x9: {  	s3 =	sadd.s32 $0xEE00, s9;
	s4 =	sadd.s32 $0x18C00, s9;
	s6 =	sadd.s32 $0xEEFA, s9  }
0xa: {  	v0 =	vimm.f32 $0.0e+00;
	v1 =	vimm.f32 $1.000000000e+00;
	s7 =	sadd.s32 $0xEFF4, s9;
	s8 =	sadd.s32 $0xF0EE, s9;
	s9 =	sadd.s32 $0xF1E8, s9  }
.LBB2_1:
0xb: {  	s16 =	simm.s32 $0x40;
	s17 =	simm.s32 $0x0  }
.LBB2_2:
0xc: {  	p0 =	seq.s32 s16, $0x9C00;
	[tilespmem:s17+$0x0] =	vst v0;
	s17 =	smov.u32 s16;
	s16 =	sadd.s32 $0x40, s16  }
.Ltmp0:
0xd: {  	(pc) =	sbr.rel @!p0 .LBB2_2-.Ltmp0, $2  }
0xe: {  	_ =	sdelay $0x2  }
0xf: {  	s17 =	sshra.s32 s17, $0x2  }
0x10: {  	[tilespmem:s17+$0x0] =	vst v0;
	s16 =	simm.s32 $0x0  }
0x11: {  	[tilespmem:s10], [sflag:$0x1] =	stream.linear.gather [hbm4b:s3+s16], $0x7D0, $0x38;
	[tilespmem:$0x3780] =	vst v63  }
0x12: {  	_ =	swait.ge [sflag:s11], $0x7D0  }
0x13: {  	[sflag:s11] =	ssyncset.done $0x0  }
0x14: {  	[sflag:s11] =	ssyncadd.s32 $0xFFFFF830  }
0x15: {  	[tilespmem:s12], [sflag:$0x2] =	stream.linear.gather [hbm4b:s6+s16], $0x7D0, $0x38;
	[tilespmem:$0x3780] =	vst v63  }
0x16: {  	s17 =	simm.s32 $0x0;
	s16 =	simm.s32 $0x40  }
.LBB2_4:
0x17: {  	p0 =	seq.s32 s16, $0x1F00;
	v2 =	vld [tilespmem:s17+$0x2780];
	_ =	sdelay $0x3  }
.Ltmp1:
0x18: {  	(pc) =	sbr.rel @!p0 .LBB2_4-.Ltmp1, $2  }
0x19: {  	_ =	sdelay $0x2  }
0x1a: {  	s17 =	sshra.s32 s16, $0x2;
	s16 =	sadd.s32 $0x40, s16;
	[tilespmem:v2+s2+$0x0] =	vst.idx.add.f32.msk $0xffff, v1  }
0x1b: {  	v2 =	vld [tilespmem:s17+$0x2780];
	_ =	sdelay $0x7  }
0x1c: {  	[tilespmem:v2+s2+$0x0] =	vst.idx.add.f32.msk $0xffff, v1  }
0x1d: {  	_ =	swait.ge [sflag:s13], $0x7D0  }
0x1e: {  	[sflag:s13] =	ssyncset.done $0x0  }
0x1f: {  	s16 =	simm.s32 $0x0;
	[sflag:s13] =	ssyncadd.s32 $0xFFFFF830  }
0x20: {  	[tilespmem:s10], [sflag:$0x1] =	stream.linear.gather [hbm4b:s7+s16], $0x7D0, $0x38;
	[tilespmem:$0x3780] =	vst v63  }
0x21: {  	s17 =	simm.s32 $0x0;
	s16 =	simm.s32 $0x40  }
.LBB2_6:
0x22: {  	p0 =	sne.s32 s16, $0x1F00;
	v2 =	vld [tilespmem:s17+$0x2F50];
	_ =	sdelay $0x3  }
.Ltmp2:
0x23: {  	(pc) =	sbr.rel @p0 .LBB2_6-.Ltmp2, $2  }
0x24: {  	_ =	sdelay $0x2  }
0x25: {  	s17 =	sshra.s32 s16, $0x2;
	s16 =	sadd.s32 $0x40, s16;
	[tilespmem:v2+s2+$0x0] =	vst.idx.add.f32.msk $0xffff, v1  }
0x26: {  	v2 =	vld [tilespmem:s17+$0x2F50];
	_ =	sdelay $0x7  }
0x27: {  	[tilespmem:v2+s2+$0x0] =	vst.idx.add.f32.msk $0xffff, v1  }
0x28: {  	_ =	swait.ge [sflag:s11], $0x7D0  }
0x29: {  	[sflag:s11] =	ssyncset.done $0x0  }
0x2a: {  	s16 =	simm.s32 $0x0;
	[sflag:s11] =	ssyncadd.s32 $0xFFFFF830  }
0x2b: {  	[tilespmem:s12], [sflag:$0x2] =	stream.linear.gather [hbm4b:s8+s16], $0x7D0, $0x38;
	[tilespmem:$0x3780] =	vst v63  }
0x2c: {  	s17 =	simm.s32 $0x0;
	s16 =	simm.s32 $0x40  }
.LBB2_8:
0x2d: {  	p0 =	sne.s32 s16, $0x1F00;
	v2 =	vld [tilespmem:s17+$0x2780];
	_ =	sdelay $0x3  }
.Ltmp3:
0x2e: {  	(pc) =	sbr.rel @p0 .LBB2_8-.Ltmp3, $2  }
0x2f: {  	_ =	sdelay $0x2  }
0x30: {  	s17 =	sshra.s32 s16, $0x2;
	s16 =	sadd.s32 $0x40, s16;
	[tilespmem:v2+s2+$0x0] =	vst.idx.add.f32.msk $0xffff, v1  }
0x31: {  	v2 =	vld [tilespmem:s17+$0x2780];
	_ =	sdelay $0x7  }
0x32: {  	[tilespmem:v2+s2+$0x0] =	vst.idx.add.f32.msk $0xffff, v1  }
0x33: {  	_ =	swait.ge [sflag:s13], $0x7D0  }
0x34: {  	[sflag:s13] =	ssyncset.done $0x0  }
0x35: {  	s16 =	simm.s32 $0x0;
	[sflag:s13] =	ssyncadd.s32 $0xFFFFF830  }
0x36: {  	[tilespmem:s10], [sflag:$0x1] =	stream.linear.gather [hbm4b:s9+s16], $0x7D0, $0x38;
	[tilespmem:$0x3780] =	vst v63  }
0x37: {  	s17 =	simm.s32 $0x0;
	s16 =	simm.s32 $0x40  }
.LBB2_10:
0x38: {  	p0 =	sne.s32 s16, $0x1F00;
	v2 =	vld [tilespmem:s17+$0x2F50];
	_ =	sdelay $0x3  }
.Ltmp4:
0x39: {  	(pc) =	sbr.rel @p0 .LBB2_10-.Ltmp4, $2  }
0x3a: {  	_ =	sdelay $0x2  }
0x3b: {  	s17 =	sshra.s32 s16, $0x2;
	s16 =	sadd.s32 $0x40, s16;
	[tilespmem:v2+s2+$0x0] =	vst.idx.add.f32.msk $0xffff, v1  }
0x3c: {  	v2 =	vld [tilespmem:s17+$0x2F50];
	_ =	sdelay $0x7  }
0x3d: {  	[tilespmem:v2+s2+$0x0] =	vst.idx.add.f32.msk $0xffff, v1  }
0x3e: {  	_ =	swait.ge [sflag:s11], $0x7D0  }
0x3f: {  	[sflag:s11] =	ssyncset.done $0x0  }
0x40: {  	s17 =	simm.s32 $0x0;
	s16 =	simm.s32 $0x40;
	[sflag:s11] =	ssyncadd.s32 $0xFFFFF830  }
.LBB2_12:
0x41: {  	p0 =	sne.s32 s16, $0x1F00;
	v2 =	vld [tilespmem:s17+$0x2780];
	_ =	sdelay $0x3  }
.Ltmp5:
0x42: {  	(pc) =	sbr.rel @p0 .LBB2_12-.Ltmp5, $2  }
0x43: {  	_ =	sdelay $0x2  }
0x44: {  	s17 =	sshra.s32 s16, $0x2;
	s16 =	sadd.s32 $0x40, s16;
	[tilespmem:v2+s2+$0x0] =	vst.idx.add.f32.msk $0xffff, v1  }
0x45: {  	v2 =	vld [tilespmem:s17+$0x2780];
	_ =	sdelay $0x5  }
0x46: {  	s15 =	sadd.s32 $0x1, s15  }
0x47: {  	p0 =	seq.s32 s15, s5  }
.Ltmp6:
0x48: {  	[tilespmem:v2+s2+$0x0] =	vst.idx.add.f32.msk $0xffff, v1;
	(pc) =	sbr.rel @!p0 .LBB2_1-.Ltmp6, $4  }
0x49: {  	[hbm4b:s4+s2] =	stream.linear.scatter [tilespmem:s2], [sflag:$0x3], $0x2710, $0x38;
	[tilespmem:$0x3780] =	vst v63  }
0x4a: {  	_ =	swait.ge [sflag:s14], $0x2710  }
0x4b: {  	[sflag:s14] =	ssyncset.done $0x0  }
0x4c: {  	[sflag:s14] =	ssyncadd.s32 $0xFFFFD8F0  }
0x4d: {  	_ =	sfence.sel $0x180000  }
0x4e: {  	[bflag:$0x0] =	sbarrier.arrive $0xFFFF  }
0x4f: {  	p0 =	sne.s32 s0, $0x0;
	_ =	strace $0x90000047  }
0x50: {  	s0 =	sadd.s32 @!p0 $0x100000, s1;
	[bflag:$0x2] =	sbarrier.arrive $0xFFFF  }
0x51: {  	[sflag:s0] =	ssyncadd.tile.s32 @!p0 $0x1;
	_ =	shalt  }
.Lfunc_end2:
_tile_overlayer_lowered:
.L_overlay_start_2:
0x52: {  	(tag) =	ssettag $0x2  }
0x53: {  	s0 =	rddreg [dreg:$0x0];
	s2 =	stileid.u32  }
0x54: {  	s1 =	rddreg [dreg:$0x1];
	p0 =	sne.s32 s2, $0x0  }
0x55: {  	s3 =	rddreg [dreg:$0x2];
	[bflag:$0x3] =	sbarrier.arrive $0xFFFF;
	s2 =	simm.s32 @!p0 $0x1C03  }
0x56: {  	[timem:s3], [sflag:s2] =	dma.local @!p0 [hbm:s0], s1  }
0x57: {  	s0 =	simm.s32 @!p0 $0x3  }
0x58: {  	_ =	swait.ge @!p0 [sflag:s0], s1  }
0x59: {  	s1 =	ssub.s32 @!p0 $0x0, s1;
	[sflag:s0] =	ssyncset.done @!p0 $0x0  }
0x5a: {  	[sflag:s0] =	ssyncadd.s32 @!p0 s1  }
0x5b: {  	[bflag:$0x3] =	sbarrier.arrive $0xFFFF  }
0x5c: {  	_ =	shalt  }

// kernel: kernel.13.cloned.1.call-start
scs
__scs_entry_jumppad:
0x0: {  	(pc) =	sbr.rel $0x88, $3  }
0x1: {  	(tag) =	ssettag $0x0;
	lr =	simm.s32 $0x1  }
0x2: {  	[smem:$0x3F8A] =	sst lr;
	_ =	strace $0xD0000000  }
0x3: {  	_ = 	snop  }
0x4: {  	_ = 	snop  }
0x5: {  	_ = 	snop  }
0x6: {  	_ = 	snop  }
0x7: {  	_ = 	snop  }
__scs_overlays_trampoline_lowered:
0x8: {  	[smem:$0x3F99] =	sst s0  }
0x9: {  	[smem:$0x3F9A] =	sst s1  }
0xa: {  	[smem:$0x3F9B] =	sst s2  }
0xb: {  	[smem:$0x3F9C] =	sst s3  }
0xc: {  	[smem:$0x3F9D] =	sst s4  }
0xd: {  	[smem:$0x3F9E] =	sst s5  }
0xe: {  	[smem:$0x3F9F] =	sst s6  }
0xf: {  	[smem:$0x3FA0] =	sst s7  }
0x10: {  	[smem:$0x3FA1] =	sst s8  }
0x11: {  	[smem:$0x3FA2] =	sst s9;
	s0 =	simm.s32 @!p0 $0x0  }
0x12: {  	s1 =	sld [smem:$0x3F88];
	s0 =	simm.s32 @p0 $0x1  }
0x13: {  	[smem:$0x3FA3] =	sst s0;
	s0 =	simm.s32 @!p1 $0x0  }
0x14: {  	s2 =	sld [smem:$0x3F87];
	s0 =	simm.s32 @p1 $0x1  }
0x15: {  	[smem:$0x3FA4] =	sst s0;
	s0 =	simm.s32 @!p2 $0x0  }
0x16: {  	s3 =	sld [smem:$0x3FDB];
	s0 =	simm.s32 @p2 $0x1  }
0x17: {  	s4 =	simm.s32 $0x1BF5;
	[smem:$0x3FA6] =	sst s0  }
0x18: {  	s0 =	sld [smem:$0x3F89];
	_ =	swait.ge [sflag:s4], $0x0  }
0x19: {  	s7 =	sld [smem:$0x3F8A]  }
0x1a: {  	s8 =	sadd.s32 $0xFFFFE003, lr  }
0x1b: {  	s9 =	sadd.s32 $0xFFFFFEF7, lr;
	s5 =	simm.s32 $0xFFFFFFFF;
	p2 =	slt.u32 s8, $0xFFFFF086  }
0x1c: {  	p1 =	slt.u32 s9, $0xF7A;
	s5 =	simm.s32 @!p2 $0x0  }
0x1d: {  	s5 =	simm.s32 @p1 $0x1;
	p0 =	seq.s32 s7, s2  }
0x1e: {  	s7 =	smul.u32 @!p0 $0xF7A, s2;
	p2 =	seq.s32 @!p0 s5, $0x0  }
0x1f: {  	s9 =	smul.u32 $0xF7A, s1;
	s8 =	simm.s32 @!p0 $0x1BF5;
	p2 =	por !p2, p0  }
0x20: {  	[sflag:s8] =	ssyncset.s32 @!p0 $0xFFFFF086;
	s6 =	sadd.s32 @!p0 s3, s7;
	s7 =	simm.s32 @!p0 $0x108  }
0x21: {  	s3 =	sadd.s32 s3, s9;
	s6 =	sadd.s32 @!p0 $0x88, s6;
	s7 =	simm.s32 @p2 $0x1082  }
0x22: {  	[simem:s7], [sflag:s8] =	dma.local @!p0 [hbm:s6], $0xF7A  }
0x23: {  	s9 =	sor.u32 $0xD0000000, s2;
	s6 =	simm.s32 $0x108;
	_ =	swait.ge @!p0 [sflag:s8], $0x0  }
0x24: {  	s3 =	sadd.s32 $0x88, s3;
	s6 =	simm.s32 @!p1 $0x1082;
	[sflag:s4] =	ssyncset.s32 $0xFFFFF086  }
0x25: {  	[simem:s6], [sflag:s4] =	dma.local [hbm:s3], $0xF7A  }
0x26: {  	[smem:$0x3F8A] =	sst s1;
	(tag) =	ssettag s2;
	_ =	strace s9  }
0x27: {  	s1 =	sld [smem:$0x3F9A]  }
0x28: {  	s2 =	sld [smem:$0x3F9B]  }
0x29: {  	s4 =	sld [smem:$0x3F9D]  }
0x2a: {  	p0 =	seq.s32 s5, $0x0;
	s5 =	sld [smem:$0x3F9E]  }
0x2b: {  	s6 =	sld [smem:$0x3F9F]  }
0x2c: {  	s7 =	sld [smem:$0x3FA0]  }
0x2d: {  	s3 =	simm.s32 $0x108;
	s8 =	sld [smem:$0x3FA1]  }
0x2e: {  	s3 =	simm.s32 @!p0 $0x1082;
	s9 =	sld [smem:$0x3FA2]  }
0x2f: {  	lr =	sadd.s32 s0, s3;
	s0 =	sld [smem:$0x3F99]  }
0x30: {  	s3 =	sld [smem:$0x3F9C]  }
0x31: {  	[smem:$0x3FA5] =	sst s10  }
0x32: {  	s10 =	sld [smem:$0x3FA3];
	_ =	sdelay $0x3  }
0x33: {  	p0 =	seq.s32 s10, $0x1;
	s10 =	sld [smem:$0x3FA5];
	_ =	sdelay $0x3  }
0x34: {  	[smem:$0x3FA5] =	sst s10  }
0x35: {  	s10 =	sld [smem:$0x3FA4];
	_ =	sdelay $0x3  }
0x36: {  	p1 =	seq.s32 s10, $0x1;
	s10 =	sld [smem:$0x3FA5];
	_ =	sdelay $0x3  }
0x37: {  	[smem:$0x3FA5] =	sst s10  }
0x38: {  	s10 =	sld [smem:$0x3FA6]  }
0x39: {  	_ = 	snop;
	(pc) =	sbr.ind lr, $3  }
0x3a: {  	_ = 	snop  }
0x3b: {  	_ = 	snop  }
0x3c: {  	p2 =	seq.s32 s10, $0x1;
	s10 =	sld [smem:$0x3FA5]  }
0x3d: {  	_ =	shalt  }
0x3e: {  	_ =	shalt  }
0x3f: {  	_ =	shalt  }
0x40: {  	_ =	shalt  }
0x41: {  	_ =	shalt  }
0x42: {  	_ =	shalt  }
0x43: {  	_ =	shalt  }
0x44: {  	_ =	shalt  }
0x45: {  	_ =	shalt  }
0x46: {  	_ =	shalt  }
0x47: {  	_ =	shalt  }
0x48: {  	_ =	shalt  }
0x49: {  	_ =	shalt  }
0x4a: {  	_ =	shalt  }
0x4b: {  	_ =	shalt  }
0x4c: {  	_ =	shalt  }
0x4d: {  	_ =	shalt  }
0x4e: {  	_ =	shalt  }
0x4f: {  	_ =	shalt  }
0x50: {  	_ =	shalt  }
0x51: {  	_ =	shalt  }
0x52: {  	_ =	shalt  }
0x53: {  	_ =	shalt  }
0x54: {  	_ =	shalt  }
0x55: {  	_ =	shalt  }
0x56: {  	_ =	shalt  }
0x57: {  	_ =	shalt  }
0x58: {  	_ =	shalt  }
0x59: {  	_ =	shalt  }
0x5a: {  	_ =	shalt  }
0x5b: {  	_ =	shalt  }
0x5c: {  	_ =	shalt  }
0x5d: {  	_ =	shalt  }
0x5e: {  	_ =	shalt  }
0x5f: {  	_ =	shalt  }
0x60: {  	_ =	shalt  }
0x61: {  	_ =	shalt  }
0x62: {  	_ =	shalt  }
0x63: {  	_ =	shalt  }
0x64: {  	_ =	shalt  }
0x65: {  	_ =	shalt  }
0x66: {  	_ =	shalt  }
0x67: {  	_ =	shalt  }
0x68: {  	_ =	shalt  }
0x69: {  	_ =	shalt  }
0x6a: {  	_ =	shalt  }
0x6b: {  	_ =	shalt  }
0x6c: {  	_ =	shalt  }
0x6d: {  	_ =	shalt  }
0x6e: {  	_ =	shalt  }
0x6f: {  	_ =	shalt  }
0x70: {  	_ =	shalt  }
0x71: {  	_ =	shalt  }
0x72: {  	_ =	shalt  }
0x73: {  	_ =	shalt  }
0x74: {  	_ =	shalt  }
0x75: {  	_ =	shalt  }
0x76: {  	_ =	shalt  }
0x77: {  	_ =	shalt  }
0x78: {  	_ =	shalt  }
0x79: {  	_ =	shalt  }
0x7a: {  	_ =	shalt  }
0x7b: {  	_ =	shalt  }
0x7c: {  	_ =	shalt  }
0x7d: {  	_ =	shalt  }
0x7e: {  	_ =	shalt  }
0x7f: {  	_ =	shalt  }
0x80: {  	_ =	shalt  }
0x81: {  	_ =	shalt  }
0x82: {  	_ =	shalt  }
0x83: {  	_ =	shalt  }
0x84: {  	_ =	shalt  }
0x85: {  	_ =	shalt  }
0x86: {  	_ =	shalt  }
0x87: {  	_ =	shalt  }
.Lfunc_end0:
.L_simem_size_0:
called_computation.1_lowered:
.L_overlay_start_0:
0x88: {  	s2 =	sld [smem:$0x3FD9]  }
0x89: {  	s3 =	sld [smem:$0x3FFE];
	_ =	sdelay $0x1  }
0x8a: {  	s1 =	srdreg.scid  }
0x8b: {  	s0 =	sand.u32 $0x1, s1  }
0x8c: {  	s16 =	sshll.u32 s0, $0xA;
	s2 =	sadd.s32 s3, s2  }
0x8d: {  	s2 =	sadd.s32 s2, s16  }
0x8e: {  	[smem:$0x3FB1] =	sst s2  }
0x8f: {  	_ = 	snop  }
0x90: {  	(tm) =	ssettm $0x1  }
0x91: {  	s17 =	sld [smem:$0x3FFB];
	_ =	sdelay $0x3  }
0x92: {  	_ =	strace s17  }
0x93: {  	s2 =	sld [smem:$0x3FFC];
	_ =	sdelay $0x3  }
0x94: {  	_ =	strace s2  }
0x95: {  	s2 =	sld [smem:$0x3FFD];
	_ =	sdelay $0x3  }
0x96: {  	_ =	strace s2  }
0x97: {  	_ =	strace $0x8FFFFFFF  }
0x98: {  	s18 =	sld [smem:$0x3FDB];
	_ =	sdelay $0x1  }
0x99: {  	s19 =	simm.s32 $_scs_section_size  }
0x9a: {  	s4 =	simm.s32 $_size__tile_overlayer_lowered;
	s5 =	simm.s32 $_tile_overlayer_lowered  }
0x9b: {  	s22 =	simm.s32 $0x1BFF;
	s21 =	sshll.u32 s5, $0x1;
	s2 =	sadd.s32 s19, s18  }
0x9c: {  	s6 =	simm.s32 $0x0;
	s20 =	sshll.u32 s4, $0x1;
	s4 =	sadd.s32 s21, s2  }
0x9d: {  	[timem:s6], [sflag:s22] =	dma.local [hbm:s4], s20  }
0x9e: {  	_ =	swait.ge [sflag:s22], s20  }
0x9f: {  	s3 =	ssub.s32 $0x0, s20;
	[sflag:s22] =	ssyncset.done $0x0  }
0xa0: {  	[sflag:s22] =	ssyncadd.s32 s3;
	_ =	sdelay $0x1  }
0xa1: {  	s23 =	simm.s32 $0x1B8B  }
0xa2: {  	_ =	swait.ge [sflag:s23], $0x1  }
0xa3: {  	[sflag:s23] =	ssyncset.done $0x0  }
0xa4: {  	s25 =	simm.s32 $0x1B8E;
	s24 =	sld [smem:$0x3FFE];
	[sflag:s23] =	ssyncadd.s32 $0xFFFFFFFF  }
0xa5: {  	s26 =	simm.s32 $execute0_lowered;
	[smem:$0x3FD2] =	sst s25  }
0xa6: {  	s4 =	sshll.u32 s26, $0x1;
	_ =	strace $0x80000049;
	[dreg:$0x1] =	wrdreg $0xFFFFFFFF  }
0xa7: {  	s28 =	simm.s32 $_size_execute0_lowered;
	s2 =	sadd.s32 s2, s4;
	[dreg:$0x0] =	wrdreg $0x0  }
0xa8: {  	s4 =	sshll.u32 s28, $0x1;
	[dreg:$0x2] =	wrdreg s2  }
0xa9: {  	[dreg:$0x3] =	wrdreg s4  }
0xaa: {  	[dreg:$0x4] =	wrdreg $0xC0  }
0xab: {  	_ =	task [dreg:s6], $0x5FFFF  }
0xac: {  	[dreg:$0x1] =	wrdreg $0xFFFFFFFF  }
0xad: {  	[dreg:$0x0] =	wrdreg $0x60  }
0xae: {  	[dreg:$0x2] =	wrdreg s24  }
0xaf: {  	[dreg:$0x3] =	wrdreg $0xA4000  }
0xb0: {  	[dreg:$0x4] =	wrdreg $0x9  }
0xb1: {  	_ =	task.clear_ibuf [dreg:s6], $0x5FFFF;
	_ =	strace $0x90000049  }
0xb2: {  	s29 =	simm.s32 $0x9;
	_ =	strace $0x8000004B  }
0xb3: {  	_ =	swait.ge [sflag:s29], $0x1  }
0xb4: {  	[sflag:s29] =	ssyncadd.s32 $0xFFFFFFFF  }
0xb5: {  	_ =	strace $0x9000004B  }
0xb6: {  	_ =	sfence  }
0xb7: {  	s30 =	sld [smem:$0x0];
	_ =	sdelay $0x2  }
0xb8: {  	s31 =	sshll.u32 s1, $0xD;
	s1 =	sshrl.u32 s1, $0x2  }
0xb9: {  	s3 =	sand.u32 $0x4000, s31;
	s1 =	sadd.s32 s1, s30  }
0xba: {  	s0 =	sor.u32 s3, s0;
	s1 =	sshll.u32 s1, $0x11  }
0xbb: {  	s0 =	sor.u32 s1, s0  }
0xbc: {  	s0 =	sadd.s32 $0x8F2B, s0  }
0xbd: {  	[sflag:s0] =	ssyncadd.remote.s32 $0x1  }
0xbe: {  	_ =	sfence.sel $0xFFFF  }
0xbf: {  	[dreg:$0x0] =	wrdreg $0xFFFFFFFF;
	(pc) =	sbr.abs _section_cstart, $3  }
0xc0: {  	[dreg:$0x1] =	wrdreg $0xFFFFFFFF  }
0xc1: {  	_ =	task.clear_ibuf [dreg:s6], $0x2FFFF;
	_ =	strace $0x9FFFFFFF  }
0xc2: {  	(tm) =	ssettm $0x7FFFFFFF  }
0xc3: {  	_ =	shalt  }
tec
execute0_lowered:
.L_overlay_start_1:
0x0: {  	(tag) =	ssettag $0x1  }
0x1: {  	s0 =	rddreg [dreg:$0x0]  }
0x2: {  	s1 =	rddreg [dreg:$0x1];
	s2 =	simm.s32 $0x0;
	s3 =	srdreg.scid  }
0x3: {  	s13 =	stileid.u32;
	s30 =	simm.s32 $0x2;
	[smem:$0x7FF] =	sst s2  }
0x4: {  	s4 =	sadd.s32 $0x18C00, s0;
	s6 =	sadd.s32 $0x5000, s0;
	s3 =	sand.u32 $0x1, s3  }
0x5: {  	s7 =	sadd.s32 $0xEE00, s0;
	s9 =	smul.u32 $0x4F000, s13;
	s5 =	sadd.s32 $0x3FE00, s0  }
0x6: {  	s0 =	sadd.s32 $0x42600, s0;
	s17 =	sadd.s32 $0x128400, s1;
	s12 =	smul.u32 $0x13C00, s13  }
0x7: {  	s23 =	smul.u32 $0x2710, s13;
	p0 =	seq.s32 s13, $0xF;
	_ =	strace $0x8000004A  }
0x8: {  	s8 =	sshll.u32 s3, $0x4;
	s10 =	ssub.s32 $0x2, s3;
	s18 =	smul.u32 $0x138800, s3  }
0x9: {  	[dreg:$0x4] =	wrdreg s17;
	s3 =	smul.u32 $0x27100, s3;
	s8 =	sor.u32 s13, s8  }
0xa: {  	s11 =	sshrl.u32 s10, $0x1;
	s9 =	sshrl.u32 s9, $0x2;
	s13 =	simm.s32 $0x400  }
0xb: {  	s8 =	smul.u32 $0x2710, s8;
	s10 =	ssub.s32 s10, s11;
	s9 =	sadd.s32 s9, s1  }
0xc: {  	s22 =	sadd.s32 s12, s18;
	s3 =	sadd.s32 s23, s3;
	s23 =	simm.s32 $0x5  }
0xd: {  	[dreg:$0x3] =	wrdreg s9;
	s9 =	sshrl.u32 s18, $0x3;
	s26 =	smax.u32 s10, $0x1  }
0xe: {  	s3 =	sadd.s32 $0x140, s3;
	s8 =	sshrl.u32 s8, $0x3;
	s9 =	sadd.s32 s0, s9  }
0xf: {  	[dreg:$0xb] =	wrdreg s26;
	s31 =	sshrl.u32 s3, $0x3;
	s19 =	sadd.s32 s6, s8  }
0x10: {  	s3 =	simm.s32 $0x0;
	s14 =	sadd.s32 s7, s8;
	[dreg:$0x5] =	wrdreg s19  }
0x11: {  	s20 =	sadd.s32 $0xA, s8;
	s24 =	sadd.s32 $0x25080, s9;
	[dreg:$0x6] =	wrdreg s14  }
0x12: {  	s25 =	sadd.s32 $0x14, s8;
	s21 =	sadd.s32 s6, s20;
	[dreg:$0xa] =	wrdreg s24  }
0x13: {  	s29 =	sadd.s32 $0x1E, s8;
	s11 =	sadd.s32 s7, s20;
	[dreg:$0x7] =	wrdreg s21  }
0x14: {  	s15 =	sadd.s32 s31, s7;
	s28 =	sadd.s32 s6, s25;
	[dreg:$0x8] =	wrdreg s11  }
0x15: {  	s8 =	sadd.s32 s6, s29;
	s11 =	sshrl.u32 s22, $0x3;
	[dreg:$0xc] =	wrdreg s28  }
0x16: {  	s14 =	sadd.s32 s31, s6;
	[dreg:$0xe] =	wrdreg s8;
	s0 =	sadd.s32 s0, s11  }
0x17: {  	s24 =	simm.s32 $0x1;
	[dreg:$0x9] =	wrdreg s0;
	s0 =	sadd.s32 s7, s25  }
0x18: {  	s11 =	simm.s32 $0x80;
	[dreg:$0xd] =	wrdreg s0;
	s0 =	sadd.s32 s7, s29  }
0x19: {  	s25 =	simm.s32 $0x50;
	[dreg:$0xf] =	wrdreg s0;
	s0 =	simm.s32 $0x9  }
.LBB2_1:
0x1a: {  	s6 =	rddreg [dreg:$0x4]  }
0x1b: {  	s7 =	simm.s32 @p0 $0x1FCD;
	s6 =	sshrl.u32 @p0 s6, $0x3  }
0x1c: {  	[spmem:s6], [sflag:s7] =	dma.local @p0 [hbm:s5], $0x2080  }
0x1d: {  	s7 =	simm.s32 @p0 $0xD  }
0x1e: {  	s8 =	stileid.u32;
	_ =	swait.ge @p0 [sflag:s7], $0x2080  }
0x1f: {  	s8 =	sshll.u32 @!p0 s8, $0x6;
	[sflag:s7] =	ssyncset.done @p0 $0x0  }
0x20: {  	[sflag:s7] =	ssyncadd.s32 @p0 $0xFFFFDF80;
	s7 =	sor.u32 @!p0 $0x1C0D, s8;
	s8 =	rddreg [dreg:$0x3]  }
0x21: {  	s9 =	simm.s32 @!p0 $0xD;
	s8 =	sshrl.u32 @!p0 s8, $0x3  }
0x22: {  	[spmem:s8], [sflag:s7] =	dma.local @!p0 [hbm:s5], $0x2780  }
0x23: {  	_ =	swait.ge @!p0 [sflag:s9], $0x2780  }
0x24: {  	[sflag:s9] =	ssyncset.done @!p0 $0x0  }
0x25: {  	[sflag:s9] =	ssyncadd.s32 @!p0 $0xFFFFD880  }
0x26: {  	[bflag:$0x0] =	sbarrier.arrive $0xFFFF  }
0x27: {  	s19 =	rddreg [dreg:$0x5]  }
0x28: {  	[tilespmem:s2], [sflag:$0x1] =	stream.linear.gather [hbm4b:s19+s2], $0x50, $0x38;
	[tilespmem:$0x1DC80] =	vst v63  }
0x29: {  	s20 =	rddreg [dreg:$0x6]  }
0x2a: {  	[tilespmem:s11], [sflag:$0x1] =	stream.linear.gather [hbm4b:s20+s2], $0x50, $0x38;
	[tilespmem:$0x1DC80] =	vst v63  }
0x2b: {  	s10 =	simm.s32 $0x100;
	s21 =	rddreg [dreg:$0x7]  }
0x2c: {  	[tilespmem:s10], [sflag:$0x2] =	stream.linear.gather [hbm4b:s21+s2], $0x50, $0x38;
	[tilespmem:$0x1DC80] =	vst v63  }
0x2d: {  	s12 =	simm.s32 $0x180;
	s22 =	rddreg [dreg:$0x8]  }
0x2e: {  	[tilespmem:s12], [sflag:$0x2] =	stream.linear.gather [hbm4b:s22+s2], $0x50, $0x38;
	[tilespmem:$0x1DC80] =	vst v63  }
0x2f: {  	_ =	swait.ge [sflag:s24], $0x50  }
0x30: {  	[sflag:s24] =	ssyncset.done $0x0  }
0x31: {  	[sflag:s24] =	ssyncadd.s32 $0xFFFFFFB0  }
0x32: {  	_ =	swait.ge [sflag:s24], $0x50  }
0x33: {  	[sflag:s24] =	ssyncset.done $0x0  }
0x34: {  	[sflag:s24] =	ssyncadd.s32 $0xFFFFFFB0  }
0x35: {  	[tilespmem:s13], [sflag:$0x5] =	stream.indirect.gather [hbm4b:s4+s25], $0x80, s2, s25, $0xb8;
	[tilespmem:$0x1DC80] =	vst v63  }
0x36: {  	s28 =	simm.s32 $0x200;
	s26 =	rddreg [dreg:$0xc]  }
0x37: {  	[tilespmem:s28], [sflag:$0x3] =	stream.linear.gather [hbm4b:s26+s2], $0x50, $0x38;
	[tilespmem:$0x1DC80] =	vst v63  }
0x38: {  	s31 =	simm.s32 $0x280;
	s29 =	rddreg [dreg:$0xd]  }
0x39: {  	[tilespmem:s31], [sflag:$0x3] =	stream.linear.gather [hbm4b:s29+s2], $0x50, $0x38;
	[tilespmem:$0x1DC80] =	vst v63  }
0x3a: {  	_ =	swait.ge [sflag:s30], $0x50  }
0x3b: {  	[sflag:s30] =	ssyncset.done $0x0  }
0x3c: {  	[sflag:s30] =	ssyncadd.s32 $0xFFFFFFB0  }
0x3d: {  	_ =	swait.ge [sflag:s30], $0x50  }
0x3e: {  	[sflag:s30] =	ssyncset.done $0x0  }
0x3f: {  	s12 =	simm.s32 $0x2C00;
	[sflag:s30] =	ssyncadd.s32 $0xFFFFFFB0  }
0x40: {  	[tilespmem:s12], [sflag:$0x6] =	stream.indirect.gather [hbm4b:s4+s25], $0x80, s10, s25, $0xb8;
	[tilespmem:$0x1DC80] =	vst v63  }
0x41: {  	s16 =	simm.s32 $0x300;
	_ =	swait.ge [sflag:s23], $0x2800  }
0x42: {  	s18 =	simm.s32 $0x380;
	p1 =	por $0x0, $0x0;
	[sflag:s23] =	ssyncset.done $0x0  }
0x43: {  	s9 =	simm.s32 $0x3;
	s19 =	simm.s32 $0x2;
	[sflag:s23] =	ssyncadd.s32 $0xFFFFD800  }
0x44: {  	[spmem:s1] =	stream.indirect.scatter.add.f32 [tilespmem:s13], [sflag:$0x9], $0x80, s11, s25, $0xb8;
	[tilespmem:$0x1DC80] =	vst v63  }
0x45: {  	s20 =	sand.u32 $0x3, s19;
	s19 =	simm.s32 @!p1 $0x4;
	s13 =	rddreg [dreg:$0xe]  }
0x46: {  	[tilespmem:s16], [sflag:$0x4] =	stream.linear.gather [hbm4b:s13+s2], $0x50, $0x38;
	[tilespmem:$0x1DC80] =	vst v63  }
0x47: {  	s19 =	sand.u32 @!p1 $0x3, s19;
	s21 =	sadd.s32 $0x1, s20;
	s17 =	rddreg [dreg:$0xf]  }
0x48: {  	[tilespmem:s18], [sflag:$0x4] =	stream.linear.gather [hbm4b:s17+s2], $0x50, $0x38;
	[tilespmem:$0x1DC80] =	vst v63  }
0x49: {  	s22 =	smul.u32 $0xA000, s20;
	s10 =	sshll.u32 s20, $0x8;
	_ =	swait.ge [sflag:s21], $0x50  }
0x4a: {  	s12 =	sadd.s32 $0xA, s14;
	s11 =	simm.s32 $0x6;
	[sflag:s21] =	ssyncset.done $0x0  }
0x4b: {  	s13 =	sshrl.u32 s22, $0x2;
	s16 =	sadd.s32 $0x5, s20;
	[sflag:s21] =	ssyncadd.s32 $0xFFFFFFB0  }
0x4c: {  	s22 =	simm.s32 @!p1 $0x0;
	s17 =	sand.u32 $0x3, s23;
	_ =	swait.ge [sflag:s21], $0x50  }
0x4d: {  	s13 =	sor.u32 $0x400, s13;
	s18 =	sadd.s32 $0x5, s17;
	[sflag:s21] =	ssyncset.done $0x0  }
0x4e: {  	s26 =	smul.u32 $0xA000, s17;
	s20 =	sshll.u32 s17, $0x8;
	[sflag:s21] =	ssyncadd.s32 $0xFFFFFFB0  }
0x4f: {  	[tilespmem:s13], [sflag:s16] =	stream.indirect.gather [hbm4b:s4+s25], $0x80, s10, s25, $0xb8;
	[tilespmem:$0x1DC80] =	vst v63  }
0x50: {  	s31 =	sadd.s32 $0x9, s17;
	s17 =	sshll.u32 @!p1 s19, $0x8;
	_ =	swait.ge [sflag:s18], $0x2800  }
0x51: {  	s29 =	sor.u32 $0x80, s20;
	s28 =	sshrl.u32 s26, $0x2;
	[sflag:s18] =	ssyncset.done $0x0  }
0x52: {  	s20 =	sadd.s32 @!p1 $0x9, s19;
	s10 =	sor.u32 $0x400, s28;
	[sflag:s18] =	ssyncadd.s32 $0xFFFFD800  }
0x53: {  	[spmem:s1] =	stream.indirect.scatter.add.f32 [tilespmem:s10], [sflag:s31], $0x80, s29, s25, $0xb8;
	[tilespmem:$0x1DC80] =	vst v63  }
0x54: {  	s13 =	simm.s32 $0x7;
	s16 =	sor.u32 @!p1 $0x80, s17;
	_ =	swait.ge @!p1 [sflag:s20], $0x2800  }
0x55: {  	s18 =	sadd.s32 @!p1 $0x1, s19;
	s19 =	smov.u32 s15;
	[sflag:s20] =	ssyncset.done @!p1 $0x0  }
0x56: {  	s10 =	sadd.s32 $0xA, s15;
	[sflag:s20] =	ssyncadd.s32 @!p1 $0xFFFFD800;
	s20 =	smov.u32 s14  }
.LBB2_2:
0x57: {  	[tilespmem:s17], [sflag:s18] =	stream.linear.gather @!p1 [hbm4b:s20+s22], $0x50, $0x38;
	[tilespmem:$0x1DC80] =	vst v63  }
0x58: {  	s21 =	smov.u32 s13;
	s20 =	smov.u32 s12  }
0x59: {  	s13 =	sadd.s32 $0x1, s13;
	s26 =	sand.u32 $0x3, s9;
	s17 =	sadd.s32 $0xFFFFFFFD, s21  }
0x5a: {  	p2 =	sne.s32 s13, $0x80;
	s28 =	sadd.s32 $0x1, s26;
	s29 =	smul.u32 $0xA000, s26  }
0x5b: {  	[tilespmem:s16], [sflag:s18] =	stream.linear.gather @!p1 [hbm4b:s19+s22], $0x50, $0x38;
	[tilespmem:$0x1DC80] =	vst v63  }
0x5c: {  	s16 =	sshrl.u32 s29, $0x2;
	s19 =	smov.u32 s10;
	_ =	swait.ge [sflag:s28], $0x50  }
0x5d: {  	p1 =	sgt.u32 s9, $0x7A;
	[sflag:s28] =	ssyncset.done $0x0  }
0x5e: {  	s9 =	smov.u32 s17;
	s17 =	sadd.s32 $0x5, s26;
	[sflag:s28] =	ssyncadd.s32 $0xFFFFFFB0  }
0x5f: {  	s18 =	sand.u32 $0x3, s11;
	s26 =	sshll.u32 s26, $0x8;
	_ =	swait.ge [sflag:s28], $0x50  }
0x60: {  	s16 =	sor.u32 $0x400, s16;
	s22 =	sadd.s32 $0x5, s18;
	[sflag:s28] =	ssyncset.done $0x0  }
0x61: {  	s11 =	sadd.s32 @!p1 $0xFFFFFFFF, s11;
	[sflag:s28] =	ssyncadd.s32 $0xFFFFFFB0;
	s28 =	smul.u32 $0xA000, s18  }
0x62: {  	s29 =	sshll.u32 s18, $0x8;
	s31 =	sand.u32 @!p1 $0x3, s11;
	s18 =	sadd.s32 $0x9, s18  }
0x63: {  	[tilespmem:s16], [sflag:s17] =	stream.indirect.gather [hbm4b:s4+s25], $0x80, s26, s25, $0xb8;
	[tilespmem:$0x1DC80] =	vst v63  }
0x64: {  	s11 =	sshrl.u32 s28, $0x2;
	s16 =	sor.u32 $0x80, s29;
	_ =	swait.ge [sflag:s22], $0x2800  }
0x65: {  	s26 =	sadd.s32 @!p1 $0x9, s31;
	s11 =	sor.u32 $0x400, s11;
	[sflag:s22] =	ssyncset.done $0x0  }
.Ltmp0:
0x66: {  	s17 =	sshll.u32 @!p1 s31, $0x8;
	[sflag:s22] =	ssyncadd.s32 $0xFFFFD800;
	(pc) =	sbr.rel @p2 .LBB2_2-.Ltmp0, $4  }
0x67: {  	[spmem:s1] =	stream.indirect.scatter.add.f32 [tilespmem:s11], [sflag:s18], $0x80, s16, s25, $0xb8;
	[tilespmem:$0x1DC80] =	vst v63  }
0x68: {  	s16 =	sor.u32 @!p1 $0x80, s17;
	s11 =	smov.u32 s21;
	_ =	swait.ge @!p1 [sflag:s26], $0x2800  }
0x69: {  	s12 =	sadd.s32 $0xA, s12;
	s10 =	sadd.s32 $0xA, s10;
	[sflag:s26] =	ssyncset.done @!p1 $0x0  }
0x6a: {  	s22 =	simm.s32 @!p1 $0x0;
	s18 =	sadd.s32 @!p1 $0x1, s31;
	[sflag:s26] =	ssyncadd.s32 @!p1 $0xFFFFD800  }
0x6b: {  	[tilespmem:s17], [sflag:s18] =	stream.linear.gather @!p1 [hbm4b:s20+s22], $0x50, $0x38;
	[tilespmem:$0x1DC80] =	vst v63  }
0x6c: {  	s13 =	sand.u32 $0x3, s9  }
0x6d: {  	s29 =	sadd.s32 $0x1, s13  }
0x6e: {  	[tilespmem:s16], [sflag:s18] =	stream.linear.gather @!p1 [hbm4b:s19+s22], $0x50, $0x38;
	[tilespmem:$0x1DC80] =	vst v63  }
0x6f: {  	s31 =	smul.u32 $0xA000, s13;
	_ =	swait.ge [sflag:s29], $0x50  }
0x70: {  	s18 =	sadd.s32 $0x5, s13;
	s13 =	sshll.u32 s13, $0x8;
	[sflag:s29] =	ssyncset.done $0x0  }
0x71: {  	s19 =	sand.u32 $0x3, s11;
	p1 =	sgt.u32 s9, $0x7A;
	[sflag:s29] =	ssyncadd.s32 $0xFFFFFFB0  }
0x72: {  	s17 =	sshrl.u32 s31, $0x2;
	s20 =	sadd.s32 $0x5, s19;
	_ =	swait.ge [sflag:s29], $0x50  }
0x73: {  	s21 =	smul.u32 $0xA000, s19;
	s22 =	sshll.u32 s19, $0x8;
	[sflag:s29] =	ssyncset.done $0x0  }
0x74: {  	s9 =	sadd.s32 @!p1 $0xFFFFFFFF, s11;
	s17 =	sor.u32 $0x400, s17;
	[sflag:s29] =	ssyncadd.s32 $0xFFFFFFB0  }
0x75: {  	[tilespmem:s17], [sflag:s18] =	stream.indirect.gather [hbm4b:s4+s25], $0x80, s13, s25, $0xb8;
	[tilespmem:$0x1DC80] =	vst v63  }
0x76: {  	s16 =	sor.u32 $0x80, s22;
	s9 =	sand.u32 @!p1 $0x3, s9;
	_ =	swait.ge [sflag:s20], $0x2800  }
0x77: {  	s11 =	sadd.s32 @!p1 $0x9, s9;
	s17 =	sshrl.u32 s21, $0x2;
	[sflag:s20] =	ssyncset.done $0x0  }
0x78: {  	s13 =	sadd.s32 $0x9, s19;
	s17 =	sor.u32 $0x400, s17;
	[sflag:s20] =	ssyncadd.s32 $0xFFFFD800  }
0x79: {  	[spmem:s1] =	stream.indirect.scatter.add.f32 [tilespmem:s17], [sflag:s13], $0x80, s16, s25, $0xb8;
	[tilespmem:$0x1DC80] =	vst v63  }
0x7a: {  	_ =	swait.ge @!p1 [sflag:s11], $0x2800  }
0x7b: {  	s13 =	sshll.u32 @!p1 s9, $0x8;
	[sflag:s11] =	ssyncset.done @!p1 $0x0  }
0x7c: {  	s9 =	sadd.s32 @!p1 $0x1, s9;
	[sflag:s11] =	ssyncadd.s32 @!p1 $0xFFFFD800;
	s11 =	simm.s32 @!p1 $0x0  }
0x7d: {  	[tilespmem:s13], [sflag:s9] =	stream.linear.gather @!p1 [hbm4b:s12+s11], $0x50, $0x38;
	[tilespmem:$0x1DC80] =	vst v63  }
0x7e: {  	s12 =	sor.u32 @!p1 $0x80, s13  }
0x7f: {  	[tilespmem:s12], [sflag:s9] =	stream.linear.gather @!p1 [hbm4b:s10+s11], $0x50, $0x38;
	[tilespmem:$0x1DC80] =	vst v63  }
0x80: {  	_ =	swait.ge [sflag:s23], $0x2800  }
0x81: {  	s26 =	simm.s32 $0xA;
	[sflag:s23] =	ssyncset.done $0x0  }
0x82: {  	s13 =	simm.s32 $0x400;
	s11 =	simm.s32 $0x80;
	[sflag:s23] =	ssyncadd.s32 $0xFFFFD800  }
0x83: {  	[spmem:s1] =	stream.indirect.scatter.add.f32 [tilespmem:s13], [sflag:$0x9], $0x80, s11, s25, $0xb8;
	[tilespmem:$0x1DC80] =	vst v63  }
0x84: {  	_ =	swait.ge [sflag:s26], $0x2800  }
0x85: {  	[sflag:s26] =	ssyncset.done $0x0  }
0x86: {  	s28 =	simm.s32 $0xB;
	[sflag:s26] =	ssyncadd.s32 $0xFFFFD800  }
0x87: {  	_ =	swait.ge [sflag:s28], $0x2800  }
0x88: {  	[sflag:s28] =	ssyncset.done $0x0  }
0x89: {  	s29 =	simm.s32 $0xC;
	[sflag:s28] =	ssyncadd.s32 $0xFFFFD800  }
0x8a: {  	_ =	swait.ge [sflag:s29], $0x2800  }
0x8b: {  	[sflag:s29] =	ssyncset.done $0x0  }
0x8c: {  	[sflag:s29] =	ssyncadd.s32 $0xFFFFD800  }
0x8d: {  	_ =	swait.ge [sflag:s0], $0x2800  }
0x8e: {  	[sflag:s0] =	ssyncset.done $0x0  }
0x8f: {  	[sflag:s0] =	ssyncadd.s32 $0xFFFFD800  }
0x90: {  	[bflag:$0x0] =	sbarrier.arrive $0xFFFF  }
0x91: {  	s9 =	simm.s32 @p0 $0x1FCD;
	s10 =	rddreg [dreg:$0xa]  }
0x92: {  	[hbm:s10], [sflag:s9] =	dma.local @p0 [spmem:s6], $0x2080  }
0x93: {  	s6 =	simm.s32 @p0 $0xD  }
0x94: {  	_ =	swait.ge @p0 [sflag:s6], $0x2080  }
0x95: {  	[sflag:s6] =	ssyncset.done @p0 $0x0  }
0x96: {  	[sflag:s6] =	ssyncadd.s32 @p0 $0xFFFFDF80;
	s6 =	rddreg [dreg:$0x9]  }
0x97: {  	[hbm:s6], [sflag:s7] =	dma.local @!p0 [spmem:s8], $0x2780  }
0x98: {  	s6 =	simm.s32 @!p0 $0xD  }
0x99: {  	_ =	swait.ge @!p0 [sflag:s6], $0x2780  }
0x9a: {  	s3 =	sadd.s32 $0x1, s3;
	s31 =	rddreg [dreg:$0xb]  }
0x9b: {  	p1 =	sne.s32 s3, s31  }
.Ltmp1:
0x9c: {  	_ = 	snop;
	(pc) =	sbr.rel @p1 .LBB2_1-.Ltmp1, $3  }
0x9d: {  	_ =	sdelay $0x1  }
0x9e: {  	[sflag:s6] =	ssyncset.done @!p0 $0x0  }
0x9f: {  	[sflag:s6] =	ssyncadd.s32 @!p0 $0xFFFFD880  }
0xa0: {  	_ =	sfence.sel $0x180000  }
0xa1: {  	[bflag:$0x0] =	sbarrier.arrive $0xFFFF  }
0xa2: {  	_ =	strace $0x9000004A  }
0xa3: {  	s0 =	stileid.u32;
	[bflag:$0x2] =	sbarrier.arrive $0xFFFF  }
0xa4: {  	p0 =	sne.s32 s0, $0x0;
	s0 =	rddreg [dreg:$0x2]  }
0xa5: {  	s0 =	sadd.s32 @!p0 $0x100000, s0  }
0xa6: {  	[sflag:s0] =	ssyncadd.tile.s32 @!p0 $0x1;
	_ =	shalt  }
.Lfunc_end2:
_tile_overlayer_lowered:
.L_overlay_start_2:
0xa7: {  	(tag) =	ssettag $0x2  }
0xa8: {  	s0 =	rddreg [dreg:$0x0];
	s2 =	stileid.u32  }
0xa9: {  	s1 =	rddreg [dreg:$0x1];
	p0 =	sne.s32 s2, $0x0  }
0xaa: {  	s3 =	rddreg [dreg:$0x2];
	[bflag:$0x3] =	sbarrier.arrive $0xFFFF;
	s2 =	simm.s32 @!p0 $0x1C0D  }
0xab: {  	[timem:s3], [sflag:s2] =	dma.local @!p0 [hbm:s0], s1  }
0xac: {  	s0 =	simm.s32 @!p0 $0xD  }
0xad: {  	_ =	swait.ge @!p0 [sflag:s0], s1  }
0xae: {  	s1 =	ssub.s32 @!p0 $0x0, s1;
	[sflag:s0] =	ssyncset.done @!p0 $0x0  }
0xaf: {  	[sflag:s0] =	ssyncadd.s32 @!p0 s1  }
0xb0: {  	[bflag:$0x3] =	sbarrier.arrive $0xFFFF  }
0xb1: {  	_ =	shalt  }

// kernel: kernel.16.cloned.1.call-start
scs
__scs_entry_jumppad:
0x0: {  	(pc) =	sbr.rel $0x88, $3  }
0x1: {  	(tag) =	ssettag $0x0;
	lr =	simm.s32 $0x1  }
0x2: {  	[smem:$0x3F8A] =	sst lr;
	_ =	strace $0xD0000000  }
0x3: {  	_ = 	snop  }
0x4: {  	_ = 	snop  }
0x5: {  	_ = 	snop  }
0x6: {  	_ = 	snop  }
0x7: {  	_ = 	snop  }
__scs_overlays_trampoline_lowered:
0x8: {  	[smem:$0x3F99] =	sst s0  }
0x9: {  	[smem:$0x3F9A] =	sst s1  }
0xa: {  	[smem:$0x3F9B] =	sst s2  }
0xb: {  	[smem:$0x3F9C] =	sst s3  }
0xc: {  	[smem:$0x3F9D] =	sst s4  }
0xd: {  	[smem:$0x3F9E] =	sst s5  }
0xe: {  	[smem:$0x3F9F] =	sst s6  }
0xf: {  	[smem:$0x3FA0] =	sst s7  }
0x10: {  	[smem:$0x3FA1] =	sst s8  }
0x11: {  	[smem:$0x3FA2] =	sst s9;
	s0 =	simm.s32 @!p0 $0x0  }
0x12: {  	s1 =	sld [smem:$0x3F88];
	s0 =	simm.s32 @p0 $0x1  }
0x13: {  	[smem:$0x3FA3] =	sst s0;
	s0 =	simm.s32 @!p1 $0x0  }
0x14: {  	s2 =	sld [smem:$0x3F87];
	s0 =	simm.s32 @p1 $0x1  }
0x15: {  	[smem:$0x3FA4] =	sst s0;
	s0 =	simm.s32 @!p2 $0x0  }
0x16: {  	s3 =	sld [smem:$0x3FDB];
	s0 =	simm.s32 @p2 $0x1  }
0x17: {  	s4 =	simm.s32 $0x1BF5;
	[smem:$0x3FA6] =	sst s0  }
0x18: {  	s0 =	sld [smem:$0x3F89];
	_ =	swait.ge [sflag:s4], $0x0  }
0x19: {  	s7 =	sld [smem:$0x3F8A]  }
0x1a: {  	s8 =	sadd.s32 $0xFFFFE003, lr  }
0x1b: {  	s9 =	sadd.s32 $0xFFFFFEF7, lr;
	s5 =	simm.s32 $0xFFFFFFFF;
	p2 =	slt.u32 s8, $0xFFFFF086  }
0x1c: {  	p1 =	slt.u32 s9, $0xF7A;
	s5 =	simm.s32 @!p2 $0x0  }
0x1d: {  	s5 =	simm.s32 @p1 $0x1;
	p0 =	seq.s32 s7, s2  }
0x1e: {  	s7 =	smul.u32 @!p0 $0xF7A, s2;
	p2 =	seq.s32 @!p0 s5, $0x0  }
0x1f: {  	s9 =	smul.u32 $0xF7A, s1;
	s8 =	simm.s32 @!p0 $0x1BF5;
	p2 =	por !p2, p0  }
0x20: {  	[sflag:s8] =	ssyncset.s32 @!p0 $0xFFFFF086;
	s6 =	sadd.s32 @!p0 s3, s7;
	s7 =	simm.s32 @!p0 $0x108  }
0x21: {  	s3 =	sadd.s32 s3, s9;
	s6 =	sadd.s32 @!p0 $0x88, s6;
	s7 =	simm.s32 @p2 $0x1082  }
0x22: {  	[simem:s7], [sflag:s8] =	dma.local @!p0 [hbm:s6], $0xF7A  }
0x23: {  	s9 =	sor.u32 $0xD0000000, s2;
	s6 =	simm.s32 $0x108;
	_ =	swait.ge @!p0 [sflag:s8], $0x0  }
0x24: {  	s3 =	sadd.s32 $0x88, s3;
	s6 =	simm.s32 @!p1 $0x1082;
	[sflag:s4] =	ssyncset.s32 $0xFFFFF086  }
0x25: {  	[simem:s6], [sflag:s4] =	dma.local [hbm:s3], $0xF7A  }
0x26: {  	[smem:$0x3F8A] =	sst s1;
	(tag) =	ssettag s2;
	_ =	strace s9  }
0x27: {  	s1 =	sld [smem:$0x3F9A]  }
0x28: {  	s2 =	sld [smem:$0x3F9B]  }
0x29: {  	s4 =	sld [smem:$0x3F9D]  }
0x2a: {  	p0 =	seq.s32 s5, $0x0;
	s5 =	sld [smem:$0x3F9E]  }
0x2b: {  	s6 =	sld [smem:$0x3F9F]  }
0x2c: {  	s7 =	sld [smem:$0x3FA0]  }
0x2d: {  	s3 =	simm.s32 $0x108;
	s8 =	sld [smem:$0x3FA1]  }
0x2e: {  	s3 =	simm.s32 @!p0 $0x1082;
	s9 =	sld [smem:$0x3FA2]  }
0x2f: {  	lr =	sadd.s32 s0, s3;
	s0 =	sld [smem:$0x3F99]  }
0x30: {  	s3 =	sld [smem:$0x3F9C]  }
0x31: {  	[smem:$0x3FA5] =	sst s10  }
0x32: {  	s10 =	sld [smem:$0x3FA3];
	_ =	sdelay $0x3  }
0x33: {  	p0 =	seq.s32 s10, $0x1;
	s10 =	sld [smem:$0x3FA5];
	_ =	sdelay $0x3  }
0x34: {  	[smem:$0x3FA5] =	sst s10  }
0x35: {  	s10 =	sld [smem:$0x3FA4];
	_ =	sdelay $0x3  }
0x36: {  	p1 =	seq.s32 s10, $0x1;
	s10 =	sld [smem:$0x3FA5];
	_ =	sdelay $0x3  }
0x37: {  	[smem:$0x3FA5] =	sst s10  }
0x38: {  	s10 =	sld [smem:$0x3FA6]  }
0x39: {  	_ = 	snop;
	(pc) =	sbr.ind lr, $3  }
0x3a: {  	_ = 	snop  }
0x3b: {  	_ = 	snop  }
0x3c: {  	p2 =	seq.s32 s10, $0x1;
	s10 =	sld [smem:$0x3FA5]  }
0x3d: {  	_ =	shalt  }
0x3e: {  	_ =	shalt  }
0x3f: {  	_ =	shalt  }
0x40: {  	_ =	shalt  }
0x41: {  	_ =	shalt  }
0x42: {  	_ =	shalt  }
0x43: {  	_ =	shalt  }
0x44: {  	_ =	shalt  }
0x45: {  	_ =	shalt  }
0x46: {  	_ =	shalt  }
0x47: {  	_ =	shalt  }
0x48: {  	_ =	shalt  }
0x49: {  	_ =	shalt  }
0x4a: {  	_ =	shalt  }
0x4b: {  	_ =	shalt  }
0x4c: {  	_ =	shalt  }
0x4d: {  	_ =	shalt  }
0x4e: {  	_ =	shalt  }
0x4f: {  	_ =	shalt  }
0x50: {  	_ =	shalt  }
0x51: {  	_ =	shalt  }
0x52: {  	_ =	shalt  }
0x53: {  	_ =	shalt  }
0x54: {  	_ =	shalt  }
0x55: {  	_ =	shalt  }
0x56: {  	_ =	shalt  }
0x57: {  	_ =	shalt  }
0x58: {  	_ =	shalt  }
0x59: {  	_ =	shalt  }
0x5a: {  	_ =	shalt  }
0x5b: {  	_ =	shalt  }
0x5c: {  	_ =	shalt  }
0x5d: {  	_ =	shalt  }
0x5e: {  	_ =	shalt  }
0x5f: {  	_ =	shalt  }
0x60: {  	_ =	shalt  }
0x61: {  	_ =	shalt  }
0x62: {  	_ =	shalt  }
0x63: {  	_ =	shalt  }
0x64: {  	_ =	shalt  }
0x65: {  	_ =	shalt  }
0x66: {  	_ =	shalt  }
0x67: {  	_ =	shalt  }
0x68: {  	_ =	shalt  }
0x69: {  	_ =	shalt  }
0x6a: {  	_ =	shalt  }
0x6b: {  	_ =	shalt  }
0x6c: {  	_ =	shalt  }
0x6d: {  	_ =	shalt  }
0x6e: {  	_ =	shalt  }
0x6f: {  	_ =	shalt  }
0x70: {  	_ =	shalt  }
0x71: {  	_ =	shalt  }
0x72: {  	_ =	shalt  }
0x73: {  	_ =	shalt  }
0x74: {  	_ =	shalt  }
0x75: {  	_ =	shalt  }
0x76: {  	_ =	shalt  }
0x77: {  	_ =	shalt  }
0x78: {  	_ =	shalt  }
0x79: {  	_ =	shalt  }
0x7a: {  	_ =	shalt  }
0x7b: {  	_ =	shalt  }
0x7c: {  	_ =	shalt  }
0x7d: {  	_ =	shalt  }
0x7e: {  	_ =	shalt  }
0x7f: {  	_ =	shalt  }
0x80: {  	_ =	shalt  }
0x81: {  	_ =	shalt  }
0x82: {  	_ =	shalt  }
0x83: {  	_ =	shalt  }
0x84: {  	_ =	shalt  }
0x85: {  	_ =	shalt  }
0x86: {  	_ =	shalt  }
0x87: {  	_ =	shalt  }
.Lfunc_end0:
.L_simem_size_0:
called_computation.2_lowered:
.L_overlay_start_0:
0x88: {  	s2 =	sld [smem:$0x3FD9]  }
0x89: {  	s3 =	sld [smem:$0x3FFE];
	_ =	sdelay $0x1  }
0x8a: {  	s1 =	srdreg.scid  }
0x8b: {  	s0 =	sand.u32 $0x1, s1  }
0x8c: {  	s16 =	sshll.u32 s0, $0xA;
	s2 =	sadd.s32 s3, s2  }
0x8d: {  	s2 =	sadd.s32 s2, s16  }
0x8e: {  	[smem:$0x3FB1] =	sst s2  }
0x8f: {  	_ = 	snop  }
0x90: {  	(tm) =	ssettm $0x1  }
0x91: {  	s17 =	sld [smem:$0x3FFB];
	_ =	sdelay $0x3  }
0x92: {  	_ =	strace s17  }
0x93: {  	s2 =	sld [smem:$0x3FFC];
	_ =	sdelay $0x3  }
0x94: {  	_ =	strace s2  }
0x95: {  	s2 =	sld [smem:$0x3FFD];
	_ =	sdelay $0x3  }
0x96: {  	_ =	strace s2  }
0x97: {  	_ =	strace $0x8FFFFFFF  }
0x98: {  	s18 =	sld [smem:$0x3FDB];
	_ =	sdelay $0x1  }
0x99: {  	s19 =	simm.s32 $_scs_section_size  }
0x9a: {  	s4 =	simm.s32 $_size__tile_overlayer_lowered;
	s5 =	simm.s32 $_tile_overlayer_lowered  }
0x9b: {  	s22 =	simm.s32 $0x1BFF;
	s21 =	sshll.u32 s5, $0x1;
	s2 =	sadd.s32 s19, s18  }
0x9c: {  	s6 =	simm.s32 $0x0;
	s20 =	sshll.u32 s4, $0x1;
	s4 =	sadd.s32 s21, s2  }
0x9d: {  	[timem:s6], [sflag:s22] =	dma.local [hbm:s4], s20  }
0x9e: {  	_ =	swait.ge [sflag:s22], s20  }
0x9f: {  	s3 =	ssub.s32 $0x0, s20;
	[sflag:s22] =	ssyncset.done $0x0  }
0xa0: {  	[sflag:s22] =	ssyncadd.s32 s3;
	_ =	sdelay $0x1  }
0xa1: {  	s23 =	simm.s32 $0x1B8B  }
0xa2: {  	_ =	swait.ge [sflag:s23], $0x1  }
0xa3: {  	[sflag:s23] =	ssyncset.done $0x0  }
0xa4: {  	s25 =	simm.s32 $0x1B8E;
	s24 =	sld [smem:$0x3FFE];
	[sflag:s23] =	ssyncadd.s32 $0xFFFFFFFF  }
0xa5: {  	s26 =	simm.s32 $execute0_lowered;
	[smem:$0x3FD2] =	sst s25  }
0xa6: {  	s4 =	sshll.u32 s26, $0x1;
	_ =	strace $0x8000004C;
	[dreg:$0x1] =	wrdreg $0xFFFFFFFF  }
0xa7: {  	s28 =	simm.s32 $_size_execute0_lowered;
	s2 =	sadd.s32 s2, s4;
	[dreg:$0x0] =	wrdreg $0x0  }
0xa8: {  	s4 =	sshll.u32 s28, $0x1;
	[dreg:$0x2] =	wrdreg s2  }
0xa9: {  	[dreg:$0x3] =	wrdreg s4  }
0xaa: {  	[dreg:$0x4] =	wrdreg $0xC0  }
0xab: {  	_ =	task [dreg:s6], $0x5FFFF  }
0xac: {  	[dreg:$0x1] =	wrdreg $0xFFFFFFFF  }
0xad: {  	[dreg:$0x0] =	wrdreg $0x60  }
0xae: {  	[dreg:$0x2] =	wrdreg s24  }
0xaf: {  	[dreg:$0x3] =	wrdreg $0xA4000  }
0xb0: {  	[dreg:$0x4] =	wrdreg $0x9  }
0xb1: {  	_ =	task.clear_ibuf [dreg:s6], $0x5FFFF;
	_ =	strace $0x9000004C  }
0xb2: {  	s29 =	simm.s32 $0x9;
	_ =	strace $0x8000004E  }
0xb3: {  	_ =	swait.ge [sflag:s29], $0x1  }
0xb4: {  	[sflag:s29] =	ssyncadd.s32 $0xFFFFFFFF  }
0xb5: {  	_ =	strace $0x9000004E  }
0xb6: {  	_ =	sfence  }
0xb7: {  	s30 =	sld [smem:$0x0];
	_ =	sdelay $0x2  }
0xb8: {  	s31 =	sshll.u32 s1, $0xD;
	s1 =	sshrl.u32 s1, $0x2  }
0xb9: {  	s3 =	sand.u32 $0x4000, s31;
	s1 =	sadd.s32 s1, s30  }
0xba: {  	s0 =	sor.u32 s3, s0;
	s1 =	sshll.u32 s1, $0x11  }
0xbb: {  	s0 =	sor.u32 s1, s0  }
0xbc: {  	s0 =	sadd.s32 $0x8F2B, s0  }
0xbd: {  	[sflag:s0] =	ssyncadd.remote.s32 $0x1  }
0xbe: {  	_ =	sfence.sel $0xFFFF  }
0xbf: {  	[dreg:$0x0] =	wrdreg $0xFFFFFFFF;
	(pc) =	sbr.abs _section_cstart, $3  }
0xc0: {  	[dreg:$0x1] =	wrdreg $0xFFFFFFFF  }
0xc1: {  	_ =	task.clear_ibuf [dreg:s6], $0x2FFFF;
	_ =	strace $0x9FFFFFFF  }
0xc2: {  	(tm) =	ssettm $0x7FFFFFFF  }
0xc3: {  	_ =	shalt  }
tec
execute0_lowered:
.L_overlay_start_1:
0x0: {  	(tag) =	ssettag $0x1  }
0x1: {  	s0 =	rddreg [dreg:$0x0]  }
0x2: {  	s1 =	rddreg [dreg:$0x1];
	s2 =	simm.s32 $0x0;
	s3 =	srdreg.scid  }
0x3: {  	s13 =	stileid.u32;
	s30 =	simm.s32 $0x2;
	[smem:$0x7FF] =	sst s2  }
0x4: {  	s4 =	sadd.s32 $0x18C00, s0;
	s6 =	sadd.s32 $0x5000, s0;
	s3 =	sand.u32 $0x1, s3  }
0x5: {  	s7 =	sadd.s32 $0xEE00, s0;
	s9 =	smul.u32 $0x4F000, s13;
	s5 =	sadd.s32 $0x3FE00, s0  }
0x6: {  	s0 =	sadd.s32 $0x42600, s0;
	s17 =	sadd.s32 $0x128400, s1;
	s12 =	smul.u32 $0x13C00, s13  }
0x7: {  	s23 =	smul.u32 $0x2710, s13;
	p0 =	seq.s32 s13, $0xF;
	_ =	strace $0x8000004D  }
0x8: {  	s8 =	sshll.u32 s3, $0x4;
	s10 =	ssub.s32 $0x2, s3;
	s18 =	smul.u32 $0x138800, s3  }
0x9: {  	[dreg:$0x4] =	wrdreg s17;
	s3 =	smul.u32 $0x27100, s3;
	s8 =	sor.u32 s13, s8  }
0xa: {  	s11 =	sshrl.u32 s10, $0x1;
	s9 =	sshrl.u32 s9, $0x2;
	s13 =	simm.s32 $0x400  }
0xb: {  	s8 =	smul.u32 $0x2710, s8;
	s10 =	ssub.s32 s10, s11;
	s9 =	sadd.s32 s9, s1  }
0xc: {  	s22 =	sadd.s32 s12, s18;
	s3 =	sadd.s32 s23, s3;
	s23 =	simm.s32 $0x5  }
0xd: {  	[dreg:$0x3] =	wrdreg s9;
	s9 =	sshrl.u32 s18, $0x3;
	s26 =	smax.u32 s10, $0x1  }
0xe: {  	s3 =	sadd.s32 $0x140, s3;
	s8 =	sshrl.u32 s8, $0x3;
	s9 =	sadd.s32 s0, s9  }
0xf: {  	[dreg:$0xb] =	wrdreg s26;
	s31 =	sshrl.u32 s3, $0x3;
	s19 =	sadd.s32 s6, s8  }
0x10: {  	s3 =	simm.s32 $0x0;
	s14 =	sadd.s32 s7, s8;
	[dreg:$0x5] =	wrdreg s19  }
0x11: {  	s20 =	sadd.s32 $0xA, s8;
	s24 =	sadd.s32 $0x25080, s9;
	[dreg:$0x6] =	wrdreg s14  }
0x12: {  	s25 =	sadd.s32 $0x14, s8;
	s21 =	sadd.s32 s6, s20;
	[dreg:$0xa] =	wrdreg s24  }
0x13: {  	s29 =	sadd.s32 $0x1E, s8;
	s11 =	sadd.s32 s7, s20;
	[dreg:$0x7] =	wrdreg s21  }
0x14: {  	s15 =	sadd.s32 s31, s7;
	s28 =	sadd.s32 s6, s25;
	[dreg:$0x8] =	wrdreg s11  }
0x15: {  	s8 =	sadd.s32 s6, s29;
	s11 =	sshrl.u32 s22, $0x3;
	[dreg:$0xc] =	wrdreg s28  }
0x16: {  	s14 =	sadd.s32 s31, s6;
	[dreg:$0xe] =	wrdreg s8;
	s0 =	sadd.s32 s0, s11  }
0x17: {  	s24 =	simm.s32 $0x1;
	[dreg:$0x9] =	wrdreg s0;
	s0 =	sadd.s32 s7, s25  }
0x18: {  	s11 =	simm.s32 $0x80;
	[dreg:$0xd] =	wrdreg s0;
	s0 =	sadd.s32 s7, s29  }
0x19: {  	s25 =	simm.s32 $0x50;
	[dreg:$0xf] =	wrdreg s0;
	s0 =	simm.s32 $0x9  }
.LBB2_1:
0x1a: {  	s6 =	rddreg [dreg:$0x4]  }
0x1b: {  	s7 =	simm.s32 @p0 $0x1FCD;
	s6 =	sshrl.u32 @p0 s6, $0x3  }
0x1c: {  	[spmem:s6], [sflag:s7] =	dma.local @p0 [hbm:s5], $0x2080  }
0x1d: {  	s7 =	simm.s32 @p0 $0xD  }
0x1e: {  	s8 =	stileid.u32;
	_ =	swait.ge @p0 [sflag:s7], $0x2080  }
0x1f: {  	s8 =	sshll.u32 @!p0 s8, $0x6;
	[sflag:s7] =	ssyncset.done @p0 $0x0  }
0x20: {  	[sflag:s7] =	ssyncadd.s32 @p0 $0xFFFFDF80;
	s7 =	sor.u32 @!p0 $0x1C0D, s8;
	s8 =	rddreg [dreg:$0x3]  }
0x21: {  	s9 =	simm.s32 @!p0 $0xD;
	s8 =	sshrl.u32 @!p0 s8, $0x3  }
0x22: {  	[spmem:s8], [sflag:s7] =	dma.local @!p0 [hbm:s5], $0x2780  }
0x23: {  	_ =	swait.ge @!p0 [sflag:s9], $0x2780  }
0x24: {  	[sflag:s9] =	ssyncset.done @!p0 $0x0  }
0x25: {  	[sflag:s9] =	ssyncadd.s32 @!p0 $0xFFFFD880  }
0x26: {  	[bflag:$0x0] =	sbarrier.arrive $0xFFFF  }
0x27: {  	s19 =	rddreg [dreg:$0x5]  }
0x28: {  	[tilespmem:s2], [sflag:$0x1] =	stream.linear.gather [hbm4b:s19+s2], $0x50, $0x38;
	[tilespmem:$0x1DC80] =	vst v63  }
0x29: {  	s20 =	rddreg [dreg:$0x6]  }
0x2a: {  	[tilespmem:s11], [sflag:$0x1] =	stream.linear.gather [hbm4b:s20+s2], $0x50, $0x38;
	[tilespmem:$0x1DC80] =	vst v63  }
0x2b: {  	s10 =	simm.s32 $0x100;
	s21 =	rddreg [dreg:$0x7]  }
0x2c: {  	[tilespmem:s10], [sflag:$0x2] =	stream.linear.gather [hbm4b:s21+s2], $0x50, $0x38;
	[tilespmem:$0x1DC80] =	vst v63  }
0x2d: {  	s12 =	simm.s32 $0x180;
	s22 =	rddreg [dreg:$0x8]  }
0x2e: {  	[tilespmem:s12], [sflag:$0x2] =	stream.linear.gather [hbm4b:s22+s2], $0x50, $0x38;
	[tilespmem:$0x1DC80] =	vst v63  }
0x2f: {  	_ =	swait.ge [sflag:s24], $0x50  }
0x30: {  	[sflag:s24] =	ssyncset.done $0x0  }
0x31: {  	[sflag:s24] =	ssyncadd.s32 $0xFFFFFFB0  }
0x32: {  	_ =	swait.ge [sflag:s24], $0x50  }
0x33: {  	[sflag:s24] =	ssyncset.done $0x0  }
0x34: {  	[sflag:s24] =	ssyncadd.s32 $0xFFFFFFB0  }
0x35: {  	[tilespmem:s13], [sflag:$0x5] =	stream.indirect.gather [hbm4b:s4+s25], $0x80, s2, s25, $0xb8;
	[tilespmem:$0x1DC80] =	vst v63  }
0x36: {  	s28 =	simm.s32 $0x200;
	s26 =	rddreg [dreg:$0xc]  }
0x37: {  	[tilespmem:s28], [sflag:$0x3] =	stream.linear.gather [hbm4b:s26+s2], $0x50, $0x38;
	[tilespmem:$0x1DC80] =	vst v63  }
0x38: {  	s31 =	simm.s32 $0x280;
	s29 =	rddreg [dreg:$0xd]  }
0x39: {  	[tilespmem:s31], [sflag:$0x3] =	stream.linear.gather [hbm4b:s29+s2], $0x50, $0x38;
	[tilespmem:$0x1DC80] =	vst v63  }
0x3a: {  	_ =	swait.ge [sflag:s30], $0x50  }
0x3b: {  	[sflag:s30] =	ssyncset.done $0x0  }
0x3c: {  	[sflag:s30] =	ssyncadd.s32 $0xFFFFFFB0  }
0x3d: {  	_ =	swait.ge [sflag:s30], $0x50  }
0x3e: {  	[sflag:s30] =	ssyncset.done $0x0  }
0x3f: {  	s12 =	simm.s32 $0x2C00;
	[sflag:s30] =	ssyncadd.s32 $0xFFFFFFB0  }
0x40: {  	[tilespmem:s12], [sflag:$0x6] =	stream.indirect.gather [hbm4b:s4+s25], $0x80, s10, s25, $0xb8;
	[tilespmem:$0x1DC80] =	vst v63  }
0x41: {  	s16 =	simm.s32 $0x300;
	_ =	swait.ge [sflag:s23], $0x2800  }
0x42: {  	s18 =	simm.s32 $0x380;
	p1 =	por $0x0, $0x0;
	[sflag:s23] =	ssyncset.done $0x0  }
0x43: {  	s9 =	simm.s32 $0x3;
	s19 =	simm.s32 $0x2;
	[sflag:s23] =	ssyncadd.s32 $0xFFFFD800  }
0x44: {  	[spmem:s1] =	stream.indirect.scatter.add.f32 [tilespmem:s13], [sflag:$0x9], $0x80, s11, s25, $0xb8;
	[tilespmem:$0x1DC80] =	vst v63  }
0x45: {  	s20 =	sand.u32 $0x3, s19;
	s19 =	simm.s32 @!p1 $0x4;
	s13 =	rddreg [dreg:$0xe]  }
0x46: {  	[tilespmem:s16], [sflag:$0x4] =	stream.linear.gather [hbm4b:s13+s2], $0x50, $0x38;
	[tilespmem:$0x1DC80] =	vst v63  }
0x47: {  	s19 =	sand.u32 @!p1 $0x3, s19;
	s21 =	sadd.s32 $0x1, s20;
	s17 =	rddreg [dreg:$0xf]  }
0x48: {  	[tilespmem:s18], [sflag:$0x4] =	stream.linear.gather [hbm4b:s17+s2], $0x50, $0x38;
	[tilespmem:$0x1DC80] =	vst v63  }
0x49: {  	s22 =	smul.u32 $0xA000, s20;
	s10 =	sshll.u32 s20, $0x8;
	_ =	swait.ge [sflag:s21], $0x50  }
0x4a: {  	s12 =	sadd.s32 $0xA, s14;
	s11 =	simm.s32 $0x6;
	[sflag:s21] =	ssyncset.done $0x0  }
0x4b: {  	s13 =	sshrl.u32 s22, $0x2;
	s16 =	sadd.s32 $0x5, s20;
	[sflag:s21] =	ssyncadd.s32 $0xFFFFFFB0  }
0x4c: {  	s22 =	simm.s32 @!p1 $0x0;
	s17 =	sand.u32 $0x3, s23;
	_ =	swait.ge [sflag:s21], $0x50  }
0x4d: {  	s13 =	sor.u32 $0x400, s13;
	s18 =	sadd.s32 $0x5, s17;
	[sflag:s21] =	ssyncset.done $0x0  }
0x4e: {  	s26 =	smul.u32 $0xA000, s17;
	s20 =	sshll.u32 s17, $0x8;
	[sflag:s21] =	ssyncadd.s32 $0xFFFFFFB0  }
0x4f: {  	[tilespmem:s13], [sflag:s16] =	stream.indirect.gather [hbm4b:s4+s25], $0x80, s10, s25, $0xb8;
	[tilespmem:$0x1DC80] =	vst v63  }
0x50: {  	s31 =	sadd.s32 $0x9, s17;
	s17 =	sshll.u32 @!p1 s19, $0x8;
	_ =	swait.ge [sflag:s18], $0x2800  }
0x51: {  	s29 =	sor.u32 $0x80, s20;
	s28 =	sshrl.u32 s26, $0x2;
	[sflag:s18] =	ssyncset.done $0x0  }
0x52: {  	s20 =	sadd.s32 @!p1 $0x9, s19;
	s10 =	sor.u32 $0x400, s28;
	[sflag:s18] =	ssyncadd.s32 $0xFFFFD800  }
0x53: {  	[spmem:s1] =	stream.indirect.scatter.add.f32 [tilespmem:s10], [sflag:s31], $0x80, s29, s25, $0xb8;
	[tilespmem:$0x1DC80] =	vst v63  }
0x54: {  	s13 =	simm.s32 $0x7;
	s16 =	sor.u32 @!p1 $0x80, s17;
	_ =	swait.ge @!p1 [sflag:s20], $0x2800  }
0x55: {  	s18 =	sadd.s32 @!p1 $0x1, s19;
	s19 =	smov.u32 s15;
	[sflag:s20] =	ssyncset.done @!p1 $0x0  }
0x56: {  	s10 =	sadd.s32 $0xA, s15;
	[sflag:s20] =	ssyncadd.s32 @!p1 $0xFFFFD800;
	s20 =	smov.u32 s14  }
.LBB2_2:
0x57: {  	[tilespmem:s17], [sflag:s18] =	stream.linear.gather @!p1 [hbm4b:s20+s22], $0x50, $0x38;
	[tilespmem:$0x1DC80] =	vst v63  }
0x58: {  	s21 =	smov.u32 s13;
	s20 =	smov.u32 s12  }
0x59: {  	s13 =	sadd.s32 $0x1, s13;
	s26 =	sand.u32 $0x3, s9;
	s17 =	sadd.s32 $0xFFFFFFFD, s21  }
0x5a: {  	p2 =	sne.s32 s13, $0x80;
	s28 =	sadd.s32 $0x1, s26;
	s29 =	smul.u32 $0xA000, s26  }
0x5b: {  	[tilespmem:s16], [sflag:s18] =	stream.linear.gather @!p1 [hbm4b:s19+s22], $0x50, $0x38;
	[tilespmem:$0x1DC80] =	vst v63  }
0x5c: {  	s16 =	sshrl.u32 s29, $0x2;
	s19 =	smov.u32 s10;
	_ =	swait.ge [sflag:s28], $0x50  }
0x5d: {  	p1 =	sgt.u32 s9, $0x7A;
	[sflag:s28] =	ssyncset.done $0x0  }
0x5e: {  	s9 =	smov.u32 s17;
	s17 =	sadd.s32 $0x5, s26;
	[sflag:s28] =	ssyncadd.s32 $0xFFFFFFB0  }
0x5f: {  	s18 =	sand.u32 $0x3, s11;
	s26 =	sshll.u32 s26, $0x8;
	_ =	swait.ge [sflag:s28], $0x50  }
0x60: {  	s16 =	sor.u32 $0x400, s16;
	s22 =	sadd.s32 $0x5, s18;
	[sflag:s28] =	ssyncset.done $0x0  }
0x61: {  	s11 =	sadd.s32 @!p1 $0xFFFFFFFF, s11;
	[sflag:s28] =	ssyncadd.s32 $0xFFFFFFB0;
	s28 =	smul.u32 $0xA000, s18  }
0x62: {  	s29 =	sshll.u32 s18, $0x8;
	s31 =	sand.u32 @!p1 $0x3, s11;
	s18 =	sadd.s32 $0x9, s18  }
0x63: {  	[tilespmem:s16], [sflag:s17] =	stream.indirect.gather [hbm4b:s4+s25], $0x80, s26, s25, $0xb8;
	[tilespmem:$0x1DC80] =	vst v63  }
0x64: {  	s11 =	sshrl.u32 s28, $0x2;
	s16 =	sor.u32 $0x80, s29;
	_ =	swait.ge [sflag:s22], $0x2800  }
0x65: {  	s26 =	sadd.s32 @!p1 $0x9, s31;
	s11 =	sor.u32 $0x400, s11;
	[sflag:s22] =	ssyncset.done $0x0  }
.Ltmp0:
0x66: {  	s17 =	sshll.u32 @!p1 s31, $0x8;
	[sflag:s22] =	ssyncadd.s32 $0xFFFFD800;
	(pc) =	sbr.rel @p2 .LBB2_2-.Ltmp0, $4  }
0x67: {  	[spmem:s1] =	stream.indirect.scatter.add.f32 [tilespmem:s11], [sflag:s18], $0x80, s16, s25, $0xb8;
	[tilespmem:$0x1DC80] =	vst v63  }
0x68: {  	s16 =	sor.u32 @!p1 $0x80, s17;
	s11 =	smov.u32 s21;
	_ =	swait.ge @!p1 [sflag:s26], $0x2800  }
0x69: {  	s12 =	sadd.s32 $0xA, s12;
	s10 =	sadd.s32 $0xA, s10;
	[sflag:s26] =	ssyncset.done @!p1 $0x0  }
0x6a: {  	s22 =	simm.s32 @!p1 $0x0;
	s18 =	sadd.s32 @!p1 $0x1, s31;
	[sflag:s26] =	ssyncadd.s32 @!p1 $0xFFFFD800  }
0x6b: {  	[tilespmem:s17], [sflag:s18] =	stream.linear.gather @!p1 [hbm4b:s20+s22], $0x50, $0x38;
	[tilespmem:$0x1DC80] =	vst v63  }
0x6c: {  	s13 =	sand.u32 $0x3, s9  }
0x6d: {  	s29 =	sadd.s32 $0x1, s13  }
0x6e: {  	[tilespmem:s16], [sflag:s18] =	stream.linear.gather @!p1 [hbm4b:s19+s22], $0x50, $0x38;
	[tilespmem:$0x1DC80] =	vst v63  }
0x6f: {  	s31 =	smul.u32 $0xA000, s13;
	_ =	swait.ge [sflag:s29], $0x50  }
0x70: {  	s18 =	sadd.s32 $0x5, s13;
	s13 =	sshll.u32 s13, $0x8;
	[sflag:s29] =	ssyncset.done $0x0  }
0x71: {  	s19 =	sand.u32 $0x3, s11;
	p1 =	sgt.u32 s9, $0x7A;
	[sflag:s29] =	ssyncadd.s32 $0xFFFFFFB0  }
0x72: {  	s17 =	sshrl.u32 s31, $0x2;
	s20 =	sadd.s32 $0x5, s19;
	_ =	swait.ge [sflag:s29], $0x50  }
0x73: {  	s21 =	smul.u32 $0xA000, s19;
	s22 =	sshll.u32 s19, $0x8;
	[sflag:s29] =	ssyncset.done $0x0  }
0x74: {  	s9 =	sadd.s32 @!p1 $0xFFFFFFFF, s11;
	s17 =	sor.u32 $0x400, s17;
	[sflag:s29] =	ssyncadd.s32 $0xFFFFFFB0  }
0x75: {  	[tilespmem:s17], [sflag:s18] =	stream.indirect.gather [hbm4b:s4+s25], $0x80, s13, s25, $0xb8;
	[tilespmem:$0x1DC80] =	vst v63  }
0x76: {  	s16 =	sor.u32 $0x80, s22;
	s9 =	sand.u32 @!p1 $0x3, s9;
	_ =	swait.ge [sflag:s20], $0x2800  }
0x77: {  	s11 =	sadd.s32 @!p1 $0x9, s9;
	s17 =	sshrl.u32 s21, $0x2;
	[sflag:s20] =	ssyncset.done $0x0  }
0x78: {  	s13 =	sadd.s32 $0x9, s19;
	s17 =	sor.u32 $0x400, s17;
	[sflag:s20] =	ssyncadd.s32 $0xFFFFD800  }
0x79: {  	[spmem:s1] =	stream.indirect.scatter.add.f32 [tilespmem:s17], [sflag:s13], $0x80, s16, s25, $0xb8;
	[tilespmem:$0x1DC80] =	vst v63  }
0x7a: {  	_ =	swait.ge @!p1 [sflag:s11], $0x2800  }
0x7b: {  	s13 =	sshll.u32 @!p1 s9, $0x8;
	[sflag:s11] =	ssyncset.done @!p1 $0x0  }
0x7c: {  	s9 =	sadd.s32 @!p1 $0x1, s9;
	[sflag:s11] =	ssyncadd.s32 @!p1 $0xFFFFD800;
	s11 =	simm.s32 @!p1 $0x0  }
0x7d: {  	[tilespmem:s13], [sflag:s9] =	stream.linear.gather @!p1 [hbm4b:s12+s11], $0x50, $0x38;
	[tilespmem:$0x1DC80] =	vst v63  }
0x7e: {  	s12 =	sor.u32 @!p1 $0x80, s13  }
0x7f: {  	[tilespmem:s12], [sflag:s9] =	stream.linear.gather @!p1 [hbm4b:s10+s11], $0x50, $0x38;
	[tilespmem:$0x1DC80] =	vst v63  }
0x80: {  	_ =	swait.ge [sflag:s23], $0x2800  }
0x81: {  	s26 =	simm.s32 $0xA;
	[sflag:s23] =	ssyncset.done $0x0  }
0x82: {  	s13 =	simm.s32 $0x400;
	s11 =	simm.s32 $0x80;
	[sflag:s23] =	ssyncadd.s32 $0xFFFFD800  }
0x83: {  	[spmem:s1] =	stream.indirect.scatter.add.f32 [tilespmem:s13], [sflag:$0x9], $0x80, s11, s25, $0xb8;
	[tilespmem:$0x1DC80] =	vst v63  }
0x84: {  	_ =	swait.ge [sflag:s26], $0x2800  }
0x85: {  	[sflag:s26] =	ssyncset.done $0x0  }
0x86: {  	s28 =	simm.s32 $0xB;
	[sflag:s26] =	ssyncadd.s32 $0xFFFFD800  }
0x87: {  	_ =	swait.ge [sflag:s28], $0x2800  }
0x88: {  	[sflag:s28] =	ssyncset.done $0x0  }
0x89: {  	s29 =	simm.s32 $0xC;
	[sflag:s28] =	ssyncadd.s32 $0xFFFFD800  }
0x8a: {  	_ =	swait.ge [sflag:s29], $0x2800  }
0x8b: {  	[sflag:s29] =	ssyncset.done $0x0  }
0x8c: {  	[sflag:s29] =	ssyncadd.s32 $0xFFFFD800  }
0x8d: {  	_ =	swait.ge [sflag:s0], $0x2800  }
0x8e: {  	[sflag:s0] =	ssyncset.done $0x0  }
0x8f: {  	[sflag:s0] =	ssyncadd.s32 $0xFFFFD800  }
0x90: {  	[bflag:$0x0] =	sbarrier.arrive $0xFFFF  }
0x91: {  	s9 =	simm.s32 @p0 $0x1FCD;
	s10 =	rddreg [dreg:$0xa]  }
0x92: {  	[hbm:s10], [sflag:s9] =	dma.local @p0 [spmem:s6], $0x2080  }
0x93: {  	s6 =	simm.s32 @p0 $0xD  }
0x94: {  	_ =	swait.ge @p0 [sflag:s6], $0x2080  }
0x95: {  	[sflag:s6] =	ssyncset.done @p0 $0x0  }
0x96: {  	[sflag:s6] =	ssyncadd.s32 @p0 $0xFFFFDF80;
	s6 =	rddreg [dreg:$0x9]  }
0x97: {  	[hbm:s6], [sflag:s7] =	dma.local @!p0 [spmem:s8], $0x2780  }
0x98: {  	s6 =	simm.s32 @!p0 $0xD  }
0x99: {  	_ =	swait.ge @!p0 [sflag:s6], $0x2780  }
0x9a: {  	s3 =	sadd.s32 $0x1, s3;
	s31 =	rddreg [dreg:$0xb]  }
0x9b: {  	p1 =	sne.s32 s3, s31  }
.Ltmp1:
0x9c: {  	_ = 	snop;
	(pc) =	sbr.rel @p1 .LBB2_1-.Ltmp1, $3  }
0x9d: {  	_ =	sdelay $0x1  }
0x9e: {  	[sflag:s6] =	ssyncset.done @!p0 $0x0  }
0x9f: {  	[sflag:s6] =	ssyncadd.s32 @!p0 $0xFFFFD880  }
0xa0: {  	_ =	sfence.sel $0x180000  }
0xa1: {  	[bflag:$0x0] =	sbarrier.arrive $0xFFFF  }
0xa2: {  	_ =	strace $0x9000004D  }
0xa3: {  	s0 =	stileid.u32;
	[bflag:$0x2] =	sbarrier.arrive $0xFFFF  }
0xa4: {  	p0 =	sne.s32 s0, $0x0;
	s0 =	rddreg [dreg:$0x2]  }
0xa5: {  	s0 =	sadd.s32 @!p0 $0x100000, s0  }
0xa6: {  	[sflag:s0] =	ssyncadd.tile.s32 @!p0 $0x1;
	_ =	shalt  }
.Lfunc_end2:
_tile_overlayer_lowered:
.L_overlay_start_2:
0xa7: {  	(tag) =	ssettag $0x2  }
0xa8: {  	s0 =	rddreg [dreg:$0x0];
	s2 =	stileid.u32  }
0xa9: {  	s1 =	rddreg [dreg:$0x1];
	p0 =	sne.s32 s2, $0x0  }
0xaa: {  	s3 =	rddreg [dreg:$0x2];
	[bflag:$0x3] =	sbarrier.arrive $0xFFFF;
	s2 =	simm.s32 @!p0 $0x1C0D  }
0xab: {  	[timem:s3], [sflag:s2] =	dma.local @!p0 [hbm:s0], s1  }
0xac: {  	s0 =	simm.s32 @!p0 $0xD  }
0xad: {  	_ =	swait.ge @!p0 [sflag:s0], s1  }
0xae: {  	s1 =	ssub.s32 @!p0 $0x0, s1;
	[sflag:s0] =	ssyncset.done @!p0 $0x0  }
0xaf: {  	[sflag:s0] =	ssyncadd.s32 @!p0 s1  }
0xb0: {  	[bflag:$0x3] =	sbarrier.arrive $0xFFFF  }
0xb1: {  	_ =	shalt  }

// kernel: kernel.19.cloned.1.call-start
scs
__scs_entry_jumppad:
0x0: {  	(pc) =	sbr.rel $0x88, $3  }
0x1: {  	(tag) =	ssettag $0x0;
	lr =	simm.s32 $0x1  }
0x2: {  	[smem:$0x3F8A] =	sst lr;
	_ =	strace $0xD0000000  }
0x3: {  	_ = 	snop  }
0x4: {  	_ = 	snop  }
0x5: {  	_ = 	snop  }
0x6: {  	_ = 	snop  }
0x7: {  	_ = 	snop  }
__scs_overlays_trampoline_lowered:
0x8: {  	[smem:$0x3F99] =	sst s0  }
0x9: {  	[smem:$0x3F9A] =	sst s1  }
0xa: {  	[smem:$0x3F9B] =	sst s2  }
0xb: {  	[smem:$0x3F9C] =	sst s3  }
0xc: {  	[smem:$0x3F9D] =	sst s4  }
0xd: {  	[smem:$0x3F9E] =	sst s5  }
0xe: {  	[smem:$0x3F9F] =	sst s6  }
0xf: {  	[smem:$0x3FA0] =	sst s7  }
0x10: {  	[smem:$0x3FA1] =	sst s8  }
0x11: {  	[smem:$0x3FA2] =	sst s9;
	s0 =	simm.s32 @!p0 $0x0  }
0x12: {  	s1 =	sld [smem:$0x3F88];
	s0 =	simm.s32 @p0 $0x1  }
0x13: {  	[smem:$0x3FA3] =	sst s0;
	s0 =	simm.s32 @!p1 $0x0  }
0x14: {  	s2 =	sld [smem:$0x3F87];
	s0 =	simm.s32 @p1 $0x1  }
0x15: {  	[smem:$0x3FA4] =	sst s0;
	s0 =	simm.s32 @!p2 $0x0  }
0x16: {  	s3 =	sld [smem:$0x3FDB];
	s0 =	simm.s32 @p2 $0x1  }
0x17: {  	s4 =	simm.s32 $0x1BF5;
	[smem:$0x3FA6] =	sst s0  }
0x18: {  	s0 =	sld [smem:$0x3F89];
	_ =	swait.ge [sflag:s4], $0x0  }
0x19: {  	s7 =	sld [smem:$0x3F8A]  }
0x1a: {  	s8 =	sadd.s32 $0xFFFFE003, lr  }
0x1b: {  	s9 =	sadd.s32 $0xFFFFFEF7, lr;
	s5 =	simm.s32 $0xFFFFFFFF;
	p2 =	slt.u32 s8, $0xFFFFF086  }
0x1c: {  	p1 =	slt.u32 s9, $0xF7A;
	s5 =	simm.s32 @!p2 $0x0  }
0x1d: {  	s5 =	simm.s32 @p1 $0x1;
	p0 =	seq.s32 s7, s2  }
0x1e: {  	s7 =	smul.u32 @!p0 $0xF7A, s2;
	p2 =	seq.s32 @!p0 s5, $0x0  }
0x1f: {  	s9 =	smul.u32 $0xF7A, s1;
	s8 =	simm.s32 @!p0 $0x1BF5;
	p2 =	por !p2, p0  }
0x20: {  	[sflag:s8] =	ssyncset.s32 @!p0 $0xFFFFF086;
	s6 =	sadd.s32 @!p0 s3, s7;
	s7 =	simm.s32 @!p0 $0x108  }
0x21: {  	s3 =	sadd.s32 s3, s9;
	s6 =	sadd.s32 @!p0 $0x88, s6;
	s7 =	simm.s32 @p2 $0x1082  }
0x22: {  	[simem:s7], [sflag:s8] =	dma.local @!p0 [hbm:s6], $0xF7A  }
0x23: {  	s9 =	sor.u32 $0xD0000000, s2;
	s6 =	simm.s32 $0x108;
	_ =	swait.ge @!p0 [sflag:s8], $0x0  }
0x24: {  	s3 =	sadd.s32 $0x88, s3;
	s6 =	simm.s32 @!p1 $0x1082;
	[sflag:s4] =	ssyncset.s32 $0xFFFFF086  }
0x25: {  	[simem:s6], [sflag:s4] =	dma.local [hbm:s3], $0xF7A  }
0x26: {  	[smem:$0x3F8A] =	sst s1;
	(tag) =	ssettag s2;
	_ =	strace s9  }
0x27: {  	s1 =	sld [smem:$0x3F9A]  }
0x28: {  	s2 =	sld [smem:$0x3F9B]  }
0x29: {  	s4 =	sld [smem:$0x3F9D]  }
0x2a: {  	p0 =	seq.s32 s5, $0x0;
	s5 =	sld [smem:$0x3F9E]  }
0x2b: {  	s6 =	sld [smem:$0x3F9F]  }
0x2c: {  	s7 =	sld [smem:$0x3FA0]  }
0x2d: {  	s3 =	simm.s32 $0x108;
	s8 =	sld [smem:$0x3FA1]  }
0x2e: {  	s3 =	simm.s32 @!p0 $0x1082;
	s9 =	sld [smem:$0x3FA2]  }
0x2f: {  	lr =	sadd.s32 s0, s3;
	s0 =	sld [smem:$0x3F99]  }
0x30: {  	s3 =	sld [smem:$0x3F9C]  }
0x31: {  	[smem:$0x3FA5] =	sst s10  }
0x32: {  	s10 =	sld [smem:$0x3FA3];
	_ =	sdelay $0x3  }
0x33: {  	p0 =	seq.s32 s10, $0x1;
	s10 =	sld [smem:$0x3FA5];
	_ =	sdelay $0x3  }
0x34: {  	[smem:$0x3FA5] =	sst s10  }
0x35: {  	s10 =	sld [smem:$0x3FA4];
	_ =	sdelay $0x3  }
0x36: {  	p1 =	seq.s32 s10, $0x1;
	s10 =	sld [smem:$0x3FA5];
	_ =	sdelay $0x3  }
0x37: {  	[smem:$0x3FA5] =	sst s10  }
0x38: {  	s10 =	sld [smem:$0x3FA6]  }
0x39: {  	_ = 	snop;
	(pc) =	sbr.ind lr, $3  }
0x3a: {  	_ = 	snop  }
0x3b: {  	_ = 	snop  }
0x3c: {  	p2 =	seq.s32 s10, $0x1;
	s10 =	sld [smem:$0x3FA5]  }
0x3d: {  	_ =	shalt  }
0x3e: {  	_ =	shalt  }
0x3f: {  	_ =	shalt  }
0x40: {  	_ =	shalt  }
0x41: {  	_ =	shalt  }
0x42: {  	_ =	shalt  }
0x43: {  	_ =	shalt  }
0x44: {  	_ =	shalt  }
0x45: {  	_ =	shalt  }
0x46: {  	_ =	shalt  }
0x47: {  	_ =	shalt  }
0x48: {  	_ =	shalt  }
0x49: {  	_ =	shalt  }
0x4a: {  	_ =	shalt  }
0x4b: {  	_ =	shalt  }
0x4c: {  	_ =	shalt  }
0x4d: {  	_ =	shalt  }
0x4e: {  	_ =	shalt  }
0x4f: {  	_ =	shalt  }
0x50: {  	_ =	shalt  }
0x51: {  	_ =	shalt  }
0x52: {  	_ =	shalt  }
0x53: {  	_ =	shalt  }
0x54: {  	_ =	shalt  }
0x55: {  	_ =	shalt  }
0x56: {  	_ =	shalt  }
0x57: {  	_ =	shalt  }
0x58: {  	_ =	shalt  }
0x59: {  	_ =	shalt  }
0x5a: {  	_ =	shalt  }
0x5b: {  	_ =	shalt  }
0x5c: {  	_ =	shalt  }
0x5d: {  	_ =	shalt  }
0x5e: {  	_ =	shalt  }
0x5f: {  	_ =	shalt  }
0x60: {  	_ =	shalt  }
0x61: {  	_ =	shalt  }
0x62: {  	_ =	shalt  }
0x63: {  	_ =	shalt  }
0x64: {  	_ =	shalt  }
0x65: {  	_ =	shalt  }
0x66: {  	_ =	shalt  }
0x67: {  	_ =	shalt  }
0x68: {  	_ =	shalt  }
0x69: {  	_ =	shalt  }
0x6a: {  	_ =	shalt  }
0x6b: {  	_ =	shalt  }
0x6c: {  	_ =	shalt  }
0x6d: {  	_ =	shalt  }
0x6e: {  	_ =	shalt  }
0x6f: {  	_ =	shalt  }
0x70: {  	_ =	shalt  }
0x71: {  	_ =	shalt  }
0x72: {  	_ =	shalt  }
0x73: {  	_ =	shalt  }
0x74: {  	_ =	shalt  }
0x75: {  	_ =	shalt  }
0x76: {  	_ =	shalt  }
0x77: {  	_ =	shalt  }
0x78: {  	_ =	shalt  }
0x79: {  	_ =	shalt  }
0x7a: {  	_ =	shalt  }
0x7b: {  	_ =	shalt  }
0x7c: {  	_ =	shalt  }
0x7d: {  	_ =	shalt  }
0x7e: {  	_ =	shalt  }
0x7f: {  	_ =	shalt  }
0x80: {  	_ =	shalt  }
0x81: {  	_ =	shalt  }
0x82: {  	_ =	shalt  }
0x83: {  	_ =	shalt  }
0x84: {  	_ =	shalt  }
0x85: {  	_ =	shalt  }
0x86: {  	_ =	shalt  }
0x87: {  	_ =	shalt  }
.Lfunc_end0:
.L_simem_size_0:
called_computation.3_lowered:
.L_overlay_start_0:
0x88: {  	s2 =	sld [smem:$0x3FD9]  }
0x89: {  	s3 =	sld [smem:$0x3FFE];
	_ =	sdelay $0x1  }
0x8a: {  	s1 =	srdreg.scid  }
0x8b: {  	s0 =	sand.u32 $0x1, s1  }
0x8c: {  	s16 =	sshll.u32 s0, $0xA;
	s2 =	sadd.s32 s3, s2  }
0x8d: {  	s2 =	sadd.s32 s2, s16  }
0x8e: {  	[smem:$0x3FB1] =	sst s2  }
0x8f: {  	_ = 	snop  }
0x90: {  	(tm) =	ssettm $0x1  }
0x91: {  	s17 =	sld [smem:$0x3FFB];
	_ =	sdelay $0x3  }
0x92: {  	_ =	strace s17  }
0x93: {  	s2 =	sld [smem:$0x3FFC];
	_ =	sdelay $0x3  }
0x94: {  	_ =	strace s2  }
0x95: {  	s2 =	sld [smem:$0x3FFD];
	_ =	sdelay $0x3  }
0x96: {  	_ =	strace s2  }
0x97: {  	_ =	strace $0x8FFFFFFF  }
0x98: {  	s18 =	sld [smem:$0x3FDB];
	_ =	sdelay $0x1  }
0x99: {  	s19 =	simm.s32 $_scs_section_size  }
0x9a: {  	s4 =	simm.s32 $_size__tile_overlayer_lowered;
	s5 =	simm.s32 $_tile_overlayer_lowered  }
0x9b: {  	s22 =	simm.s32 $0x1BFF;
	s21 =	sshll.u32 s5, $0x1;
	s2 =	sadd.s32 s19, s18  }
0x9c: {  	s6 =	simm.s32 $0x0;
	s20 =	sshll.u32 s4, $0x1;
	s4 =	sadd.s32 s21, s2  }
0x9d: {  	[timem:s6], [sflag:s22] =	dma.local [hbm:s4], s20  }
0x9e: {  	_ =	swait.ge [sflag:s22], s20  }
0x9f: {  	s3 =	ssub.s32 $0x0, s20;
	[sflag:s22] =	ssyncset.done $0x0  }
0xa0: {  	[sflag:s22] =	ssyncadd.s32 s3;
	_ =	sdelay $0x1  }
0xa1: {  	s23 =	simm.s32 $0x1B8B  }
0xa2: {  	_ =	swait.ge [sflag:s23], $0x1  }
0xa3: {  	[sflag:s23] =	ssyncset.done $0x0  }
0xa4: {  	s25 =	simm.s32 $0x1B8E;
	s24 =	sld [smem:$0x3FFE];
	[sflag:s23] =	ssyncadd.s32 $0xFFFFFFFF  }
0xa5: {  	s26 =	simm.s32 $execute0_lowered;
	[smem:$0x3FD2] =	sst s25  }
0xa6: {  	s4 =	sshll.u32 s26, $0x1;
	_ =	strace $0x8000004F;
	[dreg:$0x1] =	wrdreg $0xFFFFFFFF  }
0xa7: {  	s28 =	simm.s32 $_size_execute0_lowered;
	s2 =	sadd.s32 s2, s4;
	[dreg:$0x0] =	wrdreg $0x0  }
0xa8: {  	s4 =	sshll.u32 s28, $0x1;
	[dreg:$0x2] =	wrdreg s2  }
0xa9: {  	[dreg:$0x3] =	wrdreg s4  }
0xaa: {  	[dreg:$0x4] =	wrdreg $0xC0  }
0xab: {  	_ =	task [dreg:s6], $0x5FFFF  }
0xac: {  	[dreg:$0x1] =	wrdreg $0xFFFFFFFF  }
0xad: {  	[dreg:$0x0] =	wrdreg $0x60  }
0xae: {  	[dreg:$0x2] =	wrdreg s24  }
0xaf: {  	[dreg:$0x3] =	wrdreg $0xA4000  }
0xb0: {  	[dreg:$0x4] =	wrdreg $0x9  }
0xb1: {  	_ =	task.clear_ibuf [dreg:s6], $0x5FFFF;
	_ =	strace $0x9000004F  }
0xb2: {  	s29 =	simm.s32 $0x9;
	_ =	strace $0x80000051  }
0xb3: {  	_ =	swait.ge [sflag:s29], $0x1  }
0xb4: {  	[sflag:s29] =	ssyncadd.s32 $0xFFFFFFFF  }
0xb5: {  	_ =	strace $0x90000051  }
0xb6: {  	_ =	sfence  }
0xb7: {  	s30 =	sld [smem:$0x0];
	_ =	sdelay $0x2  }
0xb8: {  	s31 =	sshll.u32 s1, $0xD;
	s1 =	sshrl.u32 s1, $0x2  }
0xb9: {  	s3 =	sand.u32 $0x4000, s31;
	s1 =	sadd.s32 s1, s30  }
0xba: {  	s0 =	sor.u32 s3, s0;
	s1 =	sshll.u32 s1, $0x11  }
0xbb: {  	s0 =	sor.u32 s1, s0  }
0xbc: {  	s0 =	sadd.s32 $0x8F2B, s0  }
0xbd: {  	[sflag:s0] =	ssyncadd.remote.s32 $0x1  }
0xbe: {  	_ =	sfence.sel $0xFFFF  }
0xbf: {  	[dreg:$0x0] =	wrdreg $0xFFFFFFFF;
	(pc) =	sbr.abs _section_cstart, $3  }
0xc0: {  	[dreg:$0x1] =	wrdreg $0xFFFFFFFF  }
0xc1: {  	_ =	task.clear_ibuf [dreg:s6], $0x2FFFF;
	_ =	strace $0x9FFFFFFF  }
0xc2: {  	(tm) =	ssettm $0x7FFFFFFF  }
0xc3: {  	_ =	shalt  }
tec
execute0_lowered:
.L_overlay_start_1:
0x0: {  	(tag) =	ssettag $0x1  }
0x1: {  	s0 =	rddreg [dreg:$0x0]  }
0x2: {  	s1 =	rddreg [dreg:$0x1];
	s2 =	simm.s32 $0x0;
	s3 =	srdreg.scid  }
0x3: {  	s13 =	stileid.u32;
	s30 =	simm.s32 $0x2;
	[smem:$0x7FF] =	sst s2  }
0x4: {  	s4 =	sadd.s32 $0x18C00, s0;
	s6 =	sadd.s32 $0x5000, s0;
	s3 =	sand.u32 $0x1, s3  }
0x5: {  	s7 =	sadd.s32 $0xEE00, s0;
	s9 =	smul.u32 $0x4F000, s13;
	s5 =	sadd.s32 $0x3FE00, s0  }
0x6: {  	s0 =	sadd.s32 $0x42600, s0;
	s17 =	sadd.s32 $0x128400, s1;
	s12 =	smul.u32 $0x13C00, s13  }
0x7: {  	s23 =	smul.u32 $0x2710, s13;
	p0 =	seq.s32 s13, $0xF;
	_ =	strace $0x80000050  }
0x8: {  	s8 =	sshll.u32 s3, $0x4;
	s10 =	ssub.s32 $0x2, s3;
	s18 =	smul.u32 $0x138800, s3  }
0x9: {  	[dreg:$0x4] =	wrdreg s17;
	s3 =	smul.u32 $0x27100, s3;
	s8 =	sor.u32 s13, s8  }
0xa: {  	s11 =	sshrl.u32 s10, $0x1;
	s9 =	sshrl.u32 s9, $0x2;
	s13 =	simm.s32 $0x400  }
0xb: {  	s8 =	smul.u32 $0x2710, s8;
	s10 =	ssub.s32 s10, s11;
	s9 =	sadd.s32 s9, s1  }
0xc: {  	s22 =	sadd.s32 s12, s18;
	s3 =	sadd.s32 s23, s3;
	s23 =	simm.s32 $0x5  }
0xd: {  	[dreg:$0x3] =	wrdreg s9;
	s9 =	sshrl.u32 s18, $0x3;
	s26 =	smax.u32 s10, $0x1  }
0xe: {  	s3 =	sadd.s32 $0x140, s3;
	s8 =	sshrl.u32 s8, $0x3;
	s9 =	sadd.s32 s0, s9  }
0xf: {  	[dreg:$0xb] =	wrdreg s26;
	s31 =	sshrl.u32 s3, $0x3;
	s19 =	sadd.s32 s6, s8  }
0x10: {  	s3 =	simm.s32 $0x0;
	s14 =	sadd.s32 s7, s8;
	[dreg:$0x5] =	wrdreg s19  }
0x11: {  	s20 =	sadd.s32 $0xA, s8;
	s24 =	sadd.s32 $0x25080, s9;
	[dreg:$0x6] =	wrdreg s14  }
0x12: {  	s25 =	sadd.s32 $0x14, s8;
	s21 =	sadd.s32 s6, s20;
	[dreg:$0xa] =	wrdreg s24  }
0x13: {  	s29 =	sadd.s32 $0x1E, s8;
	s11 =	sadd.s32 s7, s20;
	[dreg:$0x7] =	wrdreg s21  }
0x14: {  	s15 =	sadd.s32 s31, s7;
	s28 =	sadd.s32 s6, s25;
	[dreg:$0x8] =	wrdreg s11  }
0x15: {  	s8 =	sadd.s32 s6, s29;
	s11 =	sshrl.u32 s22, $0x3;
	[dreg:$0xc] =	wrdreg s28  }
0x16: {  	s14 =	sadd.s32 s31, s6;
	[dreg:$0xe] =	wrdreg s8;
	s0 =	sadd.s32 s0, s11  }
0x17: {  	s24 =	simm.s32 $0x1;
	[dreg:$0x9] =	wrdreg s0;
	s0 =	sadd.s32 s7, s25  }
0x18: {  	s11 =	simm.s32 $0x80;
	[dreg:$0xd] =	wrdreg s0;
	s0 =	sadd.s32 s7, s29  }
0x19: {  	s25 =	simm.s32 $0x50;
	[dreg:$0xf] =	wrdreg s0;
	s0 =	simm.s32 $0x9  }
.LBB2_1:
0x1a: {  	s6 =	rddreg [dreg:$0x4]  }
0x1b: {  	s7 =	simm.s32 @p0 $0x1FCD;
	s6 =	sshrl.u32 @p0 s6, $0x3  }
0x1c: {  	[spmem:s6], [sflag:s7] =	dma.local @p0 [hbm:s5], $0x2080  }
0x1d: {  	s7 =	simm.s32 @p0 $0xD  }
0x1e: {  	s8 =	stileid.u32;
	_ =	swait.ge @p0 [sflag:s7], $0x2080  }
0x1f: {  	s8 =	sshll.u32 @!p0 s8, $0x6;
	[sflag:s7] =	ssyncset.done @p0 $0x0  }
0x20: {  	[sflag:s7] =	ssyncadd.s32 @p0 $0xFFFFDF80;
	s7 =	sor.u32 @!p0 $0x1C0D, s8;
	s8 =	rddreg [dreg:$0x3]  }
0x21: {  	s9 =	simm.s32 @!p0 $0xD;
	s8 =	sshrl.u32 @!p0 s8, $0x3  }
0x22: {  	[spmem:s8], [sflag:s7] =	dma.local @!p0 [hbm:s5], $0x2780  }
0x23: {  	_ =	swait.ge @!p0 [sflag:s9], $0x2780  }
0x24: {  	[sflag:s9] =	ssyncset.done @!p0 $0x0  }
0x25: {  	[sflag:s9] =	ssyncadd.s32 @!p0 $0xFFFFD880  }
0x26: {  	[bflag:$0x0] =	sbarrier.arrive $0xFFFF  }
0x27: {  	s19 =	rddreg [dreg:$0x5]  }
0x28: {  	[tilespmem:s2], [sflag:$0x1] =	stream.linear.gather [hbm4b:s19+s2], $0x50, $0x38;
	[tilespmem:$0x1DC80] =	vst v63  }
0x29: {  	s20 =	rddreg [dreg:$0x6]  }
0x2a: {  	[tilespmem:s11], [sflag:$0x1] =	stream.linear.gather [hbm4b:s20+s2], $0x50, $0x38;
	[tilespmem:$0x1DC80] =	vst v63  }
0x2b: {  	s10 =	simm.s32 $0x100;
	s21 =	rddreg [dreg:$0x7]  }
0x2c: {  	[tilespmem:s10], [sflag:$0x2] =	stream.linear.gather [hbm4b:s21+s2], $0x50, $0x38;
	[tilespmem:$0x1DC80] =	vst v63  }
0x2d: {  	s12 =	simm.s32 $0x180;
	s22 =	rddreg [dreg:$0x8]  }
0x2e: {  	[tilespmem:s12], [sflag:$0x2] =	stream.linear.gather [hbm4b:s22+s2], $0x50, $0x38;
	[tilespmem:$0x1DC80] =	vst v63  }
0x2f: {  	_ =	swait.ge [sflag:s24], $0x50  }
0x30: {  	[sflag:s24] =	ssyncset.done $0x0  }
0x31: {  	[sflag:s24] =	ssyncadd.s32 $0xFFFFFFB0  }
0x32: {  	_ =	swait.ge [sflag:s24], $0x50  }
0x33: {  	[sflag:s24] =	ssyncset.done $0x0  }
0x34: {  	[sflag:s24] =	ssyncadd.s32 $0xFFFFFFB0  }
0x35: {  	[tilespmem:s13], [sflag:$0x5] =	stream.indirect.gather [hbm4b:s4+s25], $0x80, s2, s25, $0xb8;
	[tilespmem:$0x1DC80] =	vst v63  }
0x36: {  	s28 =	simm.s32 $0x200;
	s26 =	rddreg [dreg:$0xc]  }
0x37: {  	[tilespmem:s28], [sflag:$0x3] =	stream.linear.gather [hbm4b:s26+s2], $0x50, $0x38;
	[tilespmem:$0x1DC80] =	vst v63  }
0x38: {  	s31 =	simm.s32 $0x280;
	s29 =	rddreg [dreg:$0xd]  }
0x39: {  	[tilespmem:s31], [sflag:$0x3] =	stream.linear.gather [hbm4b:s29+s2], $0x50, $0x38;
	[tilespmem:$0x1DC80] =	vst v63  }
0x3a: {  	_ =	swait.ge [sflag:s30], $0x50  }
0x3b: {  	[sflag:s30] =	ssyncset.done $0x0  }
0x3c: {  	[sflag:s30] =	ssyncadd.s32 $0xFFFFFFB0  }
0x3d: {  	_ =	swait.ge [sflag:s30], $0x50  }
0x3e: {  	[sflag:s30] =	ssyncset.done $0x0  }
0x3f: {  	s12 =	simm.s32 $0x2C00;
	[sflag:s30] =	ssyncadd.s32 $0xFFFFFFB0  }
0x40: {  	[tilespmem:s12], [sflag:$0x6] =	stream.indirect.gather [hbm4b:s4+s25], $0x80, s10, s25, $0xb8;
	[tilespmem:$0x1DC80] =	vst v63  }
0x41: {  	s16 =	simm.s32 $0x300;
	_ =	swait.ge [sflag:s23], $0x2800  }
0x42: {  	s18 =	simm.s32 $0x380;
	p1 =	por $0x0, $0x0;
	[sflag:s23] =	ssyncset.done $0x0  }
0x43: {  	s9 =	simm.s32 $0x3;
	s19 =	simm.s32 $0x2;
	[sflag:s23] =	ssyncadd.s32 $0xFFFFD800  }
0x44: {  	[spmem:s1] =	stream.indirect.scatter.add.f32 [tilespmem:s13], [sflag:$0x9], $0x80, s11, s25, $0xb8;
	[tilespmem:$0x1DC80] =	vst v63  }
0x45: {  	s20 =	sand.u32 $0x3, s19;
	s19 =	simm.s32 @!p1 $0x4;
	s13 =	rddreg [dreg:$0xe]  }
0x46: {  	[tilespmem:s16], [sflag:$0x4] =	stream.linear.gather [hbm4b:s13+s2], $0x50, $0x38;
	[tilespmem:$0x1DC80] =	vst v63  }
0x47: {  	s19 =	sand.u32 @!p1 $0x3, s19;
	s21 =	sadd.s32 $0x1, s20;
	s17 =	rddreg [dreg:$0xf]  }
0x48: {  	[tilespmem:s18], [sflag:$0x4] =	stream.linear.gather [hbm4b:s17+s2], $0x50, $0x38;
	[tilespmem:$0x1DC80] =	vst v63  }
0x49: {  	s22 =	smul.u32 $0xA000, s20;
	s10 =	sshll.u32 s20, $0x8;
	_ =	swait.ge [sflag:s21], $0x50  }
0x4a: {  	s12 =	sadd.s32 $0xA, s14;
	s11 =	simm.s32 $0x6;
	[sflag:s21] =	ssyncset.done $0x0  }
0x4b: {  	s13 =	sshrl.u32 s22, $0x2;
	s16 =	sadd.s32 $0x5, s20;
	[sflag:s21] =	ssyncadd.s32 $0xFFFFFFB0  }
0x4c: {  	s22 =	simm.s32 @!p1 $0x0;
	s17 =	sand.u32 $0x3, s23;
	_ =	swait.ge [sflag:s21], $0x50  }
0x4d: {  	s13 =	sor.u32 $0x400, s13;
	s18 =	sadd.s32 $0x5, s17;
	[sflag:s21] =	ssyncset.done $0x0  }
0x4e: {  	s26 =	smul.u32 $0xA000, s17;
	s20 =	sshll.u32 s17, $0x8;
	[sflag:s21] =	ssyncadd.s32 $0xFFFFFFB0  }
0x4f: {  	[tilespmem:s13], [sflag:s16] =	stream.indirect.gather [hbm4b:s4+s25], $0x80, s10, s25, $0xb8;
	[tilespmem:$0x1DC80] =	vst v63  }
0x50: {  	s31 =	sadd.s32 $0x9, s17;
	s17 =	sshll.u32 @!p1 s19, $0x8;
	_ =	swait.ge [sflag:s18], $0x2800  }
0x51: {  	s29 =	sor.u32 $0x80, s20;
	s28 =	sshrl.u32 s26, $0x2;
	[sflag:s18] =	ssyncset.done $0x0  }
0x52: {  	s20 =	sadd.s32 @!p1 $0x9, s19;
	s10 =	sor.u32 $0x400, s28;
	[sflag:s18] =	ssyncadd.s32 $0xFFFFD800  }
0x53: {  	[spmem:s1] =	stream.indirect.scatter.add.f32 [tilespmem:s10], [sflag:s31], $0x80, s29, s25, $0xb8;
	[tilespmem:$0x1DC80] =	vst v63  }
0x54: {  	s13 =	simm.s32 $0x7;
	s16 =	sor.u32 @!p1 $0x80, s17;
	_ =	swait.ge @!p1 [sflag:s20], $0x2800  }
0x55: {  	s18 =	sadd.s32 @!p1 $0x1, s19;
	s19 =	smov.u32 s15;
	[sflag:s20] =	ssyncset.done @!p1 $0x0  }
0x56: {  	s10 =	sadd.s32 $0xA, s15;
	[sflag:s20] =	ssyncadd.s32 @!p1 $0xFFFFD800;
	s20 =	smov.u32 s14  }
.LBB2_2:
0x57: {  	[tilespmem:s17], [sflag:s18] =	stream.linear.gather @!p1 [hbm4b:s20+s22], $0x50, $0x38;
	[tilespmem:$0x1DC80] =	vst v63  }
0x58: {  	s21 =	smov.u32 s13;
	s20 =	smov.u32 s12  }
0x59: {  	s13 =	sadd.s32 $0x1, s13;
	s26 =	sand.u32 $0x3, s9;
	s17 =	sadd.s32 $0xFFFFFFFD, s21  }
0x5a: {  	p2 =	sne.s32 s13, $0x80;
	s28 =	sadd.s32 $0x1, s26;
	s29 =	smul.u32 $0xA000, s26  }
0x5b: {  	[tilespmem:s16], [sflag:s18] =	stream.linear.gather @!p1 [hbm4b:s19+s22], $0x50, $0x38;
	[tilespmem:$0x1DC80] =	vst v63  }
0x5c: {  	s16 =	sshrl.u32 s29, $0x2;
	s19 =	smov.u32 s10;
	_ =	swait.ge [sflag:s28], $0x50  }
0x5d: {  	p1 =	sgt.u32 s9, $0x7A;
	[sflag:s28] =	ssyncset.done $0x0  }
0x5e: {  	s9 =	smov.u32 s17;
	s17 =	sadd.s32 $0x5, s26;
	[sflag:s28] =	ssyncadd.s32 $0xFFFFFFB0  }
0x5f: {  	s18 =	sand.u32 $0x3, s11;
	s26 =	sshll.u32 s26, $0x8;
	_ =	swait.ge [sflag:s28], $0x50  }
0x60: {  	s16 =	sor.u32 $0x400, s16;
	s22 =	sadd.s32 $0x5, s18;
	[sflag:s28] =	ssyncset.done $0x0  }
0x61: {  	s11 =	sadd.s32 @!p1 $0xFFFFFFFF, s11;
	[sflag:s28] =	ssyncadd.s32 $0xFFFFFFB0;
	s28 =	smul.u32 $0xA000, s18  }
0x62: {  	s29 =	sshll.u32 s18, $0x8;
	s31 =	sand.u32 @!p1 $0x3, s11;
	s18 =	sadd.s32 $0x9, s18  }
0x63: {  	[tilespmem:s16], [sflag:s17] =	stream.indirect.gather [hbm4b:s4+s25], $0x80, s26, s25, $0xb8;
	[tilespmem:$0x1DC80] =	vst v63  }
0x64: {  	s11 =	sshrl.u32 s28, $0x2;
	s16 =	sor.u32 $0x80, s29;
	_ =	swait.ge [sflag:s22], $0x2800  }
0x65: {  	s26 =	sadd.s32 @!p1 $0x9, s31;
	s11 =	sor.u32 $0x400, s11;
	[sflag:s22] =	ssyncset.done $0x0  }
.Ltmp0:
0x66: {  	s17 =	sshll.u32 @!p1 s31, $0x8;
	[sflag:s22] =	ssyncadd.s32 $0xFFFFD800;
	(pc) =	sbr.rel @p2 .LBB2_2-.Ltmp0, $4  }
0x67: {  	[spmem:s1] =	stream.indirect.scatter.add.f32 [tilespmem:s11], [sflag:s18], $0x80, s16, s25, $0xb8;
	[tilespmem:$0x1DC80] =	vst v63  }
0x68: {  	s16 =	sor.u32 @!p1 $0x80, s17;
	s11 =	smov.u32 s21;
	_ =	swait.ge @!p1 [sflag:s26], $0x2800  }
0x69: {  	s12 =	sadd.s32 $0xA, s12;
	s10 =	sadd.s32 $0xA, s10;
	[sflag:s26] =	ssyncset.done @!p1 $0x0  }
0x6a: {  	s22 =	simm.s32 @!p1 $0x0;
	s18 =	sadd.s32 @!p1 $0x1, s31;
	[sflag:s26] =	ssyncadd.s32 @!p1 $0xFFFFD800  }
0x6b: {  	[tilespmem:s17], [sflag:s18] =	stream.linear.gather @!p1 [hbm4b:s20+s22], $0x50, $0x38;
	[tilespmem:$0x1DC80] =	vst v63  }
0x6c: {  	s13 =	sand.u32 $0x3, s9  }
0x6d: {  	s29 =	sadd.s32 $0x1, s13  }
0x6e: {  	[tilespmem:s16], [sflag:s18] =	stream.linear.gather @!p1 [hbm4b:s19+s22], $0x50, $0x38;
	[tilespmem:$0x1DC80] =	vst v63  }
0x6f: {  	s31 =	smul.u32 $0xA000, s13;
	_ =	swait.ge [sflag:s29], $0x50  }
0x70: {  	s18 =	sadd.s32 $0x5, s13;
	s13 =	sshll.u32 s13, $0x8;
	[sflag:s29] =	ssyncset.done $0x0  }
0x71: {  	s19 =	sand.u32 $0x3, s11;
	p1 =	sgt.u32 s9, $0x7A;
	[sflag:s29] =	ssyncadd.s32 $0xFFFFFFB0  }
0x72: {  	s17 =	sshrl.u32 s31, $0x2;
	s20 =	sadd.s32 $0x5, s19;
	_ =	swait.ge [sflag:s29], $0x50  }
0x73: {  	s21 =	smul.u32 $0xA000, s19;
	s22 =	sshll.u32 s19, $0x8;
	[sflag:s29] =	ssyncset.done $0x0  }
0x74: {  	s9 =	sadd.s32 @!p1 $0xFFFFFFFF, s11;
	s17 =	sor.u32 $0x400, s17;
	[sflag:s29] =	ssyncadd.s32 $0xFFFFFFB0  }
0x75: {  	[tilespmem:s17], [sflag:s18] =	stream.indirect.gather [hbm4b:s4+s25], $0x80, s13, s25, $0xb8;
	[tilespmem:$0x1DC80] =	vst v63  }
0x76: {  	s16 =	sor.u32 $0x80, s22;
	s9 =	sand.u32 @!p1 $0x3, s9;
	_ =	swait.ge [sflag:s20], $0x2800  }
0x77: {  	s11 =	sadd.s32 @!p1 $0x9, s9;
	s17 =	sshrl.u32 s21, $0x2;
	[sflag:s20] =	ssyncset.done $0x0  }
0x78: {  	s13 =	sadd.s32 $0x9, s19;
	s17 =	sor.u32 $0x400, s17;
	[sflag:s20] =	ssyncadd.s32 $0xFFFFD800  }
0x79: {  	[spmem:s1] =	stream.indirect.scatter.add.f32 [tilespmem:s17], [sflag:s13], $0x80, s16, s25, $0xb8;
	[tilespmem:$0x1DC80] =	vst v63  }
0x7a: {  	_ =	swait.ge @!p1 [sflag:s11], $0x2800  }
0x7b: {  	s13 =	sshll.u32 @!p1 s9, $0x8;
	[sflag:s11] =	ssyncset.done @!p1 $0x0  }
0x7c: {  	s9 =	sadd.s32 @!p1 $0x1, s9;
	[sflag:s11] =	ssyncadd.s32 @!p1 $0xFFFFD800;
	s11 =	simm.s32 @!p1 $0x0  }
0x7d: {  	[tilespmem:s13], [sflag:s9] =	stream.linear.gather @!p1 [hbm4b:s12+s11], $0x50, $0x38;
	[tilespmem:$0x1DC80] =	vst v63  }
0x7e: {  	s12 =	sor.u32 @!p1 $0x80, s13  }
0x7f: {  	[tilespmem:s12], [sflag:s9] =	stream.linear.gather @!p1 [hbm4b:s10+s11], $0x50, $0x38;
	[tilespmem:$0x1DC80] =	vst v63  }
0x80: {  	_ =	swait.ge [sflag:s23], $0x2800  }
0x81: {  	s26 =	simm.s32 $0xA;
	[sflag:s23] =	ssyncset.done $0x0  }
0x82: {  	s13 =	simm.s32 $0x400;
	s11 =	simm.s32 $0x80;
	[sflag:s23] =	ssyncadd.s32 $0xFFFFD800  }
0x83: {  	[spmem:s1] =	stream.indirect.scatter.add.f32 [tilespmem:s13], [sflag:$0x9], $0x80, s11, s25, $0xb8;
	[tilespmem:$0x1DC80] =	vst v63  }
0x84: {  	_ =	swait.ge [sflag:s26], $0x2800  }
0x85: {  	[sflag:s26] =	ssyncset.done $0x0  }
0x86: {  	s28 =	simm.s32 $0xB;
	[sflag:s26] =	ssyncadd.s32 $0xFFFFD800  }
0x87: {  	_ =	swait.ge [sflag:s28], $0x2800  }
0x88: {  	[sflag:s28] =	ssyncset.done $0x0  }
0x89: {  	s29 =	simm.s32 $0xC;
	[sflag:s28] =	ssyncadd.s32 $0xFFFFD800  }
0x8a: {  	_ =	swait.ge [sflag:s29], $0x2800  }
0x8b: {  	[sflag:s29] =	ssyncset.done $0x0  }
0x8c: {  	[sflag:s29] =	ssyncadd.s32 $0xFFFFD800  }
0x8d: {  	_ =	swait.ge [sflag:s0], $0x2800  }
0x8e: {  	[sflag:s0] =	ssyncset.done $0x0  }
0x8f: {  	[sflag:s0] =	ssyncadd.s32 $0xFFFFD800  }
0x90: {  	[bflag:$0x0] =	sbarrier.arrive $0xFFFF  }
0x91: {  	s9 =	simm.s32 @p0 $0x1FCD;
	s10 =	rddreg [dreg:$0xa]  }
0x92: {  	[hbm:s10], [sflag:s9] =	dma.local @p0 [spmem:s6], $0x2080  }
0x93: {  	s6 =	simm.s32 @p0 $0xD  }
0x94: {  	_ =	swait.ge @p0 [sflag:s6], $0x2080  }
0x95: {  	[sflag:s6] =	ssyncset.done @p0 $0x0  }
0x96: {  	[sflag:s6] =	ssyncadd.s32 @p0 $0xFFFFDF80;
	s6 =	rddreg [dreg:$0x9]  }
0x97: {  	[hbm:s6], [sflag:s7] =	dma.local @!p0 [spmem:s8], $0x2780  }
0x98: {  	s6 =	simm.s32 @!p0 $0xD  }
0x99: {  	_ =	swait.ge @!p0 [sflag:s6], $0x2780  }
0x9a: {  	s3 =	sadd.s32 $0x1, s3;
	s31 =	rddreg [dreg:$0xb]  }
0x9b: {  	p1 =	sne.s32 s3, s31  }
.Ltmp1:
0x9c: {  	_ = 	snop;
	(pc) =	sbr.rel @p1 .LBB2_1-.Ltmp1, $3  }
0x9d: {  	_ =	sdelay $0x1  }
0x9e: {  	[sflag:s6] =	ssyncset.done @!p0 $0x0  }
0x9f: {  	[sflag:s6] =	ssyncadd.s32 @!p0 $0xFFFFD880  }
0xa0: {  	_ =	sfence.sel $0x180000  }
0xa1: {  	[bflag:$0x0] =	sbarrier.arrive $0xFFFF  }
0xa2: {  	_ =	strace $0x90000050  }
0xa3: {  	s0 =	stileid.u32;
	[bflag:$0x2] =	sbarrier.arrive $0xFFFF  }
0xa4: {  	p0 =	sne.s32 s0, $0x0;
	s0 =	rddreg [dreg:$0x2]  }
0xa5: {  	s0 =	sadd.s32 @!p0 $0x100000, s0  }
0xa6: {  	[sflag:s0] =	ssyncadd.tile.s32 @!p0 $0x1;
	_ =	shalt  }
.Lfunc_end2:
_tile_overlayer_lowered:
.L_overlay_start_2:
0xa7: {  	(tag) =	ssettag $0x2  }
0xa8: {  	s0 =	rddreg [dreg:$0x0];
	s2 =	stileid.u32  }
0xa9: {  	s1 =	rddreg [dreg:$0x1];
	p0 =	sne.s32 s2, $0x0  }
0xaa: {  	s3 =	rddreg [dreg:$0x2];
	[bflag:$0x3] =	sbarrier.arrive $0xFFFF;
	s2 =	simm.s32 @!p0 $0x1C0D  }
0xab: {  	[timem:s3], [sflag:s2] =	dma.local @!p0 [hbm:s0], s1  }
0xac: {  	s0 =	simm.s32 @!p0 $0xD  }
0xad: {  	_ =	swait.ge @!p0 [sflag:s0], s1  }
0xae: {  	s1 =	ssub.s32 @!p0 $0x0, s1;
	[sflag:s0] =	ssyncset.done @!p0 $0x0  }
0xaf: {  	[sflag:s0] =	ssyncadd.s32 @!p0 s1  }
0xb0: {  	[bflag:$0x3] =	sbarrier.arrive $0xFFFF  }
0xb1: {  	_ =	shalt  }

</sc_bundles>
